<compile_context>
chip_gen: v7x
topology: tpu7x:2x2x1
jax: 0.10.2.dev20260603
libtpu: 0.0.44.dev20260713+nightly
codegen_flags: <defaults>
</compile_context>

<pallas_src>
import functools

import jax
import jax.numpy as jnp
from jax import lax
from jax.experimental import pallas as pl
from jax.experimental.pallas import tpu as pltpu
from jax.experimental.pallas import tpu_sc as plsc

B = 8
N = 4096
S = 1024
K = 32
R2 = 0.2 * 0.2
NEG = 1e10

NC = 2
NS = 16
NW = NC * NS
ROWS_PER_TILE = (B * S) // NW
CHUNKS = N // 16
GROUP = 16


def _fps_body(xyzT_ref, cx_ref, cy_ref, cz_ref):
    x = xyzT_ref[0]
    y = xyzT_ref[1]
    z = xyzT_ref[2]
    lane = lax.broadcasted_iota(jnp.int32, (B, N), 1)
    lane128 = lax.broadcasted_iota(jnp.int32, (B, 128), 1)
    zeros128 = jnp.zeros((B, 128), jnp.float32)

    def body(j, state):
        farthest, dist0, accx, accy, accz = state
        sel = lane == farthest
        cx = jnp.sum(jnp.where(sel, x, 0.0), axis=1, keepdims=True)
        cy = jnp.sum(jnp.where(sel, y, 0.0), axis=1, keepdims=True)
        cz = jnp.sum(jnp.where(sel, z, 0.0), axis=1, keepdims=True)
        slot = lane128 == j
        accx = jnp.where(slot, cx, accx)
        accy = jnp.where(slot, cy, accy)
        accz = jnp.where(slot, cz, accz)
        dx = x - cx
        dy = y - cy
        dz = z - cz
        d = (dx * dx + dy * dy) + dz * dz
        dist = jnp.minimum(dist0, d)
        farthest = jnp.argmax(dist, axis=1).astype(jnp.int32).reshape(B, 1)
        return farthest, dist, accx, accy, accz

    farthest = jnp.zeros((B, 1), jnp.int32)
    dist = jnp.full((B, N), NEG, jnp.float32)
    for blk in range(S // 128):
        farthest, dist, accx, accy, accz = lax.fori_loop(
            0, 128, body, (farthest, dist, zeros128, zeros128, zeros128),
            unroll=2)
        cx_ref[:, blk * 128:(blk + 1) * 128] = accx
        cy_ref[:, blk * 128:(blk + 1) * 128] = accy
        cz_ref[:, blk * 128:(blk + 1) * 128] = accz


def _fps(xyzT):
    return pl.pallas_call(
        _fps_body,
        out_shape=[jax.ShapeDtypeStruct((B, S), jnp.float32)] * 3,
    )(xyzT)


def _uproj_body(xyz_ref, pts_ref, wa_ref, wb_ref, b_ref, u_ref):
    u_ref[0] = (
        jnp.dot(xyz_ref[0], wa_ref[...], preferred_element_type=jnp.float32)
        + jnp.dot(pts_ref[0], wb_ref[...], preferred_element_type=jnp.float32)
        + b_ref[...]
    )


def _uproj(xyz, points, w0a, w0b, b0):
    return pl.pallas_call(
        _uproj_body,
        grid=(B,),
        in_specs=[
            pl.BlockSpec((1, N, 3), lambda b: (b, 0, 0)),
            pl.BlockSpec((1, N, 29), lambda b: (b, 0, 0)),
            pl.BlockSpec((3, 32), lambda b: (0, 0)),
            pl.BlockSpec((29, 32), lambda b: (0, 0)),
            pl.BlockSpec((1, 32), lambda b: (0, 0)),
        ],
        out_specs=pl.BlockSpec((1, N, 32), lambda b: (b, 0, 0)),
        out_shape=jax.ShapeDtypeStruct((B, N, 32), jnp.float32),
    )(xyz, points, w0a, w0b, b0)


def _round_bf16(v):
    u = plsc.bitcast(v, jnp.int32)
    lsb = (u >> 16) & 1
    r = (u + (0x7FFF + lsb)) & jnp.int32(-65536)
    return plsc.bitcast(r, jnp.float32)


def _ballq_body(xs_hbm, ys_hbm, zs_hbm, cx_hbm, cy_hbm, cz_hbm, out_hbm,
                xs_v, ys_v, zs_v, xb_v, yb_v, zb_v, xn_v,
                cenx_v, ceny_v, cenz_v, row_v, out_v, sem):
    wid = lax.axis_index("s") * NC + lax.axis_index("c")
    b = wid // 4
    q = wid % 4
    pltpu.sync_copy(xs_hbm.at[b], xs_v)
    pltpu.sync_copy(ys_hbm.at[b], ys_v)
    pltpu.sync_copy(zs_hbm.at[b], zs_v)
    base = q * ROWS_PER_TILE
    pltpu.sync_copy(cx_hbm.at[b, pl.dslice(base, ROWS_PER_TILE)],
                    cenx_v.at[pl.dslice(0, ROWS_PER_TILE)])
    pltpu.sync_copy(cy_hbm.at[b, pl.dslice(base, ROWS_PER_TILE)],
                    ceny_v.at[pl.dslice(0, ROWS_PER_TILE)])
    pltpu.sync_copy(cz_hbm.at[b, pl.dslice(base, ROWS_PER_TILE)],
                    cenz_v.at[pl.dslice(0, ROWS_PER_TILE)])
    lanes = lax.iota(jnp.int32, 16)
    lane0 = lanes == 0

    def prep(c, _):
        sl = pl.dslice(c * 16, 16)
        x = xs_v[sl]
        y = ys_v[sl]
        z = zs_v[sl]
        xb_v[sl] = _round_bf16(x)
        yb_v[sl] = _round_bf16(y)
        zb_v[sl] = _round_bf16(z)
        xn_v[sl] = (x * x + y * y) + z * z
        return 0

    lax.fori_loop(0, CHUNKS, prep, 0)

    def splat(ref, r):
        v = ref[pl.dslice(r, 16)]
        return jnp.full((16,), v[0])

    def row_body(r, _):
        cx = splat(cenx_v, r)
        cy = splat(ceny_v, r)
        cz = splat(cenz_v, r)
        cn = (cx * cx + cy * cy) + cz * cz
        cxb = _round_bf16(cx)
        cyb = _round_bf16(cy)
        czb = _round_bf16(cz)

        def cond(state):
            count, chunk = state
            return (count < K) & (chunk < CHUNKS)

        ones = jnp.ones((16,), jnp.int32)

        def scan(state):
            count, chunk = state
            base = jnp.full((16,), count - 1)
            for g in range(GROUP):
                off = (chunk + g) * 16
                sl = pl.dslice(off, 16)
                cross = (xb_v[sl] * cxb + yb_v[sl] * cyb) + zb_v[sl] * czb
                sqr = (cn + xn_v[sl]) - (cross + cross)
                m = sqr <= R2
                pos = base + plsc.cumsum(ones, mask=m)
                plsc.store_scatter(row_v, [pos], lanes + off, mask=m)
                base = base + plsc.all_reduce_population_count(m)
            return jnp.max(base) + 1, chunk + GROUP

        count, _ = lax.while_loop(cond, scan, (0, 0))
        cs = jnp.full((16,), count, jnp.int32)
        v0 = row_v[pl.dslice(0, 16)]
        v1 = row_v[pl.dslice(16, 16)]
        first = jnp.full((16,), jnp.sum(jnp.where(lane0, v0, 0)), jnp.int32)
        out_v[r, pl.dslice(0, 16)] = jnp.where(lanes < cs, v0, first)
        out_v[r, pl.dslice(16, 16)] = jnp.where(lanes + 16 < cs, v1, first)
        return 0

    lax.fori_loop(0, ROWS_PER_TILE, row_body, 0)
    pltpu.sync_copy(out_v, out_hbm.at[pl.dslice(wid * ROWS_PER_TILE,
                                                ROWS_PER_TILE)])


def _ballq(xs, ys, zs, cx, cy, cz):
    mesh = plsc.VectorSubcoreMesh(core_axis_name="c", subcore_axis_name="s")
    f = functools.partial(
        pl.kernel,
        out_type=jax.ShapeDtypeStruct((B * S, K), jnp.int32),
        mesh=mesh,
        compiler_params=pltpu.CompilerParams(needs_layout_passes=False),
        scratch_types=[
            pltpu.VMEM((N,), jnp.float32),
            pltpu.VMEM((N,), jnp.float32),
            pltpu.VMEM((N,), jnp.float32),
            pltpu.VMEM((N,), jnp.float32),
            pltpu.VMEM((N,), jnp.float32),
            pltpu.VMEM((N,), jnp.float32),
            pltpu.VMEM((N,), jnp.float32),
            pltpu.VMEM((ROWS_PER_TILE + 16,), jnp.float32),
            pltpu.VMEM((ROWS_PER_TILE + 16,), jnp.float32),
            pltpu.VMEM((ROWS_PER_TILE + 16,), jnp.float32),
            pltpu.VMEM((320,), jnp.int32),
            pltpu.VMEM((ROWS_PER_TILE, K), jnp.int32),
            pltpu.SemaphoreType.DMA,
        ],
    )(_ballq_body)
    return f(xs, ys, zs, cx, cy, cz)


GCHUNK = 1024


def _gather_body(u_hbm, idx_hbm, out_hbm, idx_v, gidx_v, gbuf_v, sem):
    wid = lax.axis_index("s") * NC + lax.axis_index("c")
    b = wid // 4
    pltpu.sync_copy(idx_hbm.at[pl.dslice(wid * ROWS_PER_TILE, ROWS_PER_TILE)],
                    idx_v)
    boff = jnp.full((16,), b * N, jnp.int32)
    nchunks = (ROWS_PER_TILE * K) // GCHUNK

    def chunk_body(c, _):
        def fill(j, _):
            r = c * (GCHUNK // K) + j // 2
            h = (j % 2) * 16
            gidx_v[pl.dslice(j * 16, 16)] = idx_v[r, pl.dslice(h, 16)] + boff
            return 0

        lax.fori_loop(0, GCHUNK // 16, fill, 0)
        pltpu.async_copy(u_hbm.at[gidx_v], gbuf_v, sem).wait()
        pltpu.sync_copy(
            gbuf_v,
            out_hbm.at[pl.dslice(wid * ROWS_PER_TILE * K + c * GCHUNK,
                                 GCHUNK)])
        return 0

    lax.fori_loop(0, nchunks, chunk_body, 0)


def _gather(u_flat, idx):
    mesh = plsc.VectorSubcoreMesh(core_axis_name="c", subcore_axis_name="s")
    f = functools.partial(
        pl.kernel,
        out_type=jax.ShapeDtypeStruct((B * S * K, 32), jnp.float32),
        mesh=mesh,
        compiler_params=pltpu.CompilerParams(needs_layout_passes=False,
                                             use_tc_tiling_on_sc=False),
        scratch_types=[
            pltpu.VMEM((ROWS_PER_TILE, K), jnp.int32),
            pltpu.VMEM((GCHUNK,), jnp.int32),
            pltpu.VMEM((GCHUNK, 32), jnp.float32),
            pltpu.SemaphoreType.DMA,
        ],
    )(_gather_body)
    return f(u_flat, idx)


ETILE = 256


def _mlp_body(g_ref, nxyz_ref, w0a_ref, g0_ref, be0_ref, w1_ref, b1_ref,
              g1_ref, be1_ref, w2_ref, b2_ref, g2_ref, be2_ref, out_ref):
    r = jnp.dot(nxyz_ref[...], w0a_ref[...],
                preferred_element_type=jnp.float32)
    g3 = g_ref[...].reshape(ETILE, K, 32)
    f1 = jax.nn.relu(g0_ref[...].reshape(1, 1, 32)
                     * (g3 - r[:, None, :])
                     + be0_ref[...].reshape(1, 1, 32))
    f1 = f1.reshape(ETILE * K, 32)
    h1 = jax.nn.relu(
        g1_ref[...] * (jnp.dot(f1, w1_ref[...],
                               preferred_element_type=jnp.float32)
                       + b1_ref[...])
        + be1_ref[...])
    h2 = jax.nn.relu(
        g2_ref[...] * (jnp.dot(h1, w2_ref[...],
                               preferred_element_type=jnp.float32)
                       + b2_ref[...])
        + be2_ref[...])
    out_ref[...] = jnp.max(h2.reshape(ETILE, K, 64), axis=1)


def _mlp(g, nxyz_flat, w0a, g0, be0, w1, b1, g1, be1, w2, b2, g2, be2):
    grid = (B * S) // ETILE
    vec = lambda b: (0, 0)
    return pl.pallas_call(
        _mlp_body,
        grid=(grid,),
        in_specs=[
            pl.BlockSpec((ETILE * K, 32), lambda t: (t, 0)),
            pl.BlockSpec((ETILE, 3), lambda t: (t, 0)),
            pl.BlockSpec((3, 32), vec),
            pl.BlockSpec((1, 32), vec),
            pl.BlockSpec((1, 32), vec),
            pl.BlockSpec((32, 32), vec),
            pl.BlockSpec((1, 32), vec),
            pl.BlockSpec((1, 32), vec),
            pl.BlockSpec((1, 32), vec),
            pl.BlockSpec((32, 64), vec),
            pl.BlockSpec((1, 64), vec),
            pl.BlockSpec((1, 64), vec),
            pl.BlockSpec((1, 64), vec),
        ],
        out_specs=pl.BlockSpec((ETILE, 64), lambda t: (t, 0)),
        out_shape=jax.ShapeDtypeStruct((B * S, 64), jnp.float32),
    )(g, nxyz_flat, w0a, g0, be0, w1, b1, g1, be1, w2, b2, g2, be2)


def kernel(xyz, points, W0, b0, g0, be0, W1, b1, g1, be1, W2, b2, g2, be2):
    xyzT = jnp.transpose(xyz, (2, 0, 1))
    cx, cy, cz = _fps(xyzT)
    new_xyz = jnp.stack([cx, cy, cz], axis=-1)

    u = _uproj(xyz, points, W0[:3], W0[3:], b0.reshape(1, 32))

    idx = _ballq(xyzT[0], xyzT[1], xyzT[2], cx, cy, cz)

    g = _gather(u.reshape(B * N, 32), idx)

    new_points = _mlp(
        g, new_xyz.reshape(B * S, 3), W0[:3],
        g0.reshape(1, 32), be0.reshape(1, 32),
        W1, b1.reshape(1, 32), g1.reshape(1, 32), be1.reshape(1, 32),
        W2, b2.reshape(1, 64), g2.reshape(1, 64), be2.reshape(1, 64),
    ).reshape(B, S, 64)

    return (new_xyz, new_points, idx.reshape(B, S, K))

# --- scband reference (transcript-rebuilt; emitter-appended) ---
"""Pipeline reference for scband-set-conv-70325794505115 (READ-ONLY COPY).

The authoritative reference and input builder live on the scoring server;
editing this copy changes nothing except your own understanding.
"""

import jax, jax.numpy as jnp
import numpy as np

SAMPLES = 1024
RADIUS = 0.2
K = 32


def farthest_point_sample(npoint, xyz):
    B, N, _ = xyz.shape
    def body(i, state):
        centroids, dist, farthest = state
        centroids = centroids.at[:, i].set(farthest)
        centroid = jnp.take_along_axis(xyz, farthest[:, None, None], axis=1)
        d = jnp.sum((xyz - centroid) ** 2, axis=-1)
        dist = jnp.minimum(dist, d)
        farthest = jnp.argmax(dist, axis=-1).astype(jnp.int32)
        return (centroids, dist, farthest)
    init = (jnp.zeros((B, npoint), jnp.int32), jnp.full((B, N), 1e10, dtype=jnp.float32), jnp.zeros((B,), jnp.int32))
    centroids, _, _ = jax.lax.fori_loop(0, npoint, body, init)
    return centroids


def gather_point(xyz, idx):
    return jnp.take_along_axis(xyz, idx[:, :, None], axis=1)


def query_ball_point(radius, nsample, xyz, new_xyz):
    B, N, _ = xyz.shape
    S = new_xyz.shape[1]
    sqr = (jnp.sum(new_xyz ** 2, axis=-1)[:, :, None]
           + jnp.sum(xyz ** 2, axis=-1)[:, None, :]
           - 2.0 * jnp.einsum('bsd,bnd->bsn', new_xyz, xyz))
    gi = jnp.broadcast_to(jnp.arange(N, dtype=jnp.int32)[None, None, :], (B, S, N))
    gi = jnp.where(sqr > radius * radius, N, gi)
    gi = jnp.sort(gi, axis=-1)[:, :, :nsample]
    first = gi[:, :, :1]
    gi = jnp.where(gi == N, jnp.broadcast_to(first, gi.shape), gi)
    cnt = jnp.sum((sqr <= radius * radius).astype(jnp.int32), axis=-1)
    return gi, cnt


def group_point(points, idx):
    def g(p, i):
        return p[i]
    return jax.vmap(g)(points, idx)


def conv_bn_relu(x, W, b, gamma, beta):
    y = jnp.einsum('bskc,cf->bskf', x, W) + b
    y = gamma * y + beta  # batchnorm (inference, moving mean 0 / var 1 folded)
    return jax.nn.relu(y)


def setup_inputs(seed: int = 0):
    key = jax.random.key(seed)
    ks = jax.random.split(key, 16)
    xyz = jax.random.uniform(ks[0], (8, 4096, 3), dtype=jnp.float32)
    points = jax.random.normal(ks[1], (8, 4096, 29), dtype=jnp.float32)
    dims = [(32, 32), (32, 32), (32, 64)]
    inp = {"xyz": xyz, "points": points}
    for i, (cin, cout) in enumerate(dims):
        inp[f"W{i}"] = jax.random.normal(ks[2 + i], (cin, cout), dtype=jnp.float32) * (1.0 / np.sqrt(cin))
        inp[f"b{i}"] = jnp.zeros((cout,), jnp.float32)
        inp[f"g{i}"] = jnp.ones((cout,), jnp.float32)
        inp[f"be{i}"] = jnp.zeros((cout,), jnp.float32)
    return inp


def reference(xyz, points, W0, b0, g0, be0, W1, b1, g1, be1, W2, b2, g2, be2):
    fps_idx = farthest_point_sample(SAMPLES, xyz)
    new_xyz = gather_point(xyz, fps_idx)
    idx, _ = query_ball_point(RADIUS, K, xyz, new_xyz)
    grouped_xyz = group_point(xyz, idx)
    grouped_xyz = grouped_xyz - new_xyz[:, :, None, :]
    grouped_points = group_point(points, idx)
    new_points = jnp.concatenate([grouped_xyz, grouped_points], axis=-1)  # use_xyz=True
    for (W, b, g, be) in ((W0, b0, g0, be0), (W1, b1, g1, be1), (W2, b2, g2, be2)):
        new_points = conv_bn_relu(new_points, W, b, g, be)
    new_points = jnp.max(new_points, axis=2, keepdims=True)  # pooling='max'
    new_points = jnp.squeeze(new_points, axis=2)
    return (new_xyz, new_points, idx)

if __name__ == "__main__":
    import jax
    _d = setup_inputs()
    print(jax.jit(kernel)(*tuple(_d.values())))

</pallas_src>

<mosaic_0001>
#map = affine_map<(d0, d1) -> (0, 0)>
module attributes {stable_mosaic.version = 14 : i64} {
  func.func @_gather_body(%arg0: i32, %arg1: i32, %arg2: memref<32768x32xf32, #tpu.memory_space<hbm>>, %arg3: memref<8192x32xi32, #tpu.memory_space<hbm>>, %arg4: memref<262144x32xf32, #tpu.memory_space<hbm>>, %arg5: memref<256x32xi32, #tpu.memory_space<vmem>>, %arg6: memref<1024xi32, #tpu.memory_space<vmem>>, %arg7: memref<1024x32xf32, #tpu.memory_space<vmem>>, %arg8: memref<!tpu.dma_semaphore, #tpu.memory_space<semaphore_mem>>) attributes {dimension_semantics = [#tpu.dimension_semantics<core_parallel>, #tpu.dimension_semantics<subcore_parallel>], iteration_bounds = array<i64: 2, 16>, scalar_prefetch = 0 : i64, scratch_operands = 4 : i64, tpu.core_type = #tpu.core_type<sc_vector_subcore>, window_params = [{transform_indices = #map}, {transform_indices = #map}, {transform_indices = #map}]} {
    %mul3A = arith.constant 2 : i32
    %mul3A_0 = arith.muli %arg1, %mul3A : i32
    %add3A = arith.addi %mul3A_0, %arg0 : i32
    %jit3A = arith.constant 4 : i32
    %div3A = arith.divsi %add3A, %jit3A : i32
    %sign3A = arith.constant 0 : i32
    %sign3A_1 = arith.cmpi sgt, %add3A, %sign3A : i32
    %sign3A_2 = arith.extui %sign3A_1 : i1 to i32
    %sign3A_3 = arith.constant 0 : i32
    %sign3A_4 = arith.cmpi slt, %add3A, %sign3A_3 : i32
    %sign3A_5 = arith.extui %sign3A_4 : i1 to i32
    %sign3A_6 = arith.subi %sign3A_2, %sign3A_5 : i32
    %sign3A_7 = arith.constant 0 : i32
    %sign3A_8 = arith.cmpi sgt, %jit3A, %sign3A_7 : i32
    %sign3A_9 = arith.extui %sign3A_8 : i1 to i32
    %sign3A_10 = arith.constant 0 : i32
    %sign3A_11 = arith.cmpi slt, %jit3A, %sign3A_10 : i32
    %sign3A_12 = arith.extui %sign3A_11 : i1 to i32
    %sign3A_13 = arith.subi %sign3A_9, %sign3A_12 : i32
    %ne3A = arith.cmpi ne, %sign3A_6, %sign3A_13 : i32
    %rem3A = arith.remsi %add3A, %jit3A : i32
    %ne3A_14 = arith.constant 0 : i32
    %ne3A_15 = arith.cmpi ne, %rem3A, %ne3A_14 : i32
    %and3A = arith.andi %ne3A, %ne3A_15 : i1
    %sub3A = arith.constant 1 : i32
    %sub3A_16 = arith.subi %div3A, %sub3A : i32
    %select_n3A = arith.select %and3A, %sub3A_16, %div3A : i32
    %mul3A_17 = arith.constant 256 : i32
    %mul3A_18 = arith.muli %add3A, %mul3A_17 : i32
    "tpu.region"() ({
      %run_scoped3A = tpu.sem_alloc : memref<!tpu.dma_semaphore, #tpu.memory_space<semaphore_mem>>
      %dma_start3A = arith.constant 0 : i32
      %dma_start3A_27 = tpu.memref_slice %arg3[%mul3A_18, %dma_start3A] : memref<8192x32xi32, #tpu.memory_space<hbm>> -> memref<256x32xi32, #tpu.memory_space<hbm>>
      %dma_start3A_28 = arith.constant 0 : i32
      %dma_start3A_29 = tpu.memref_slice %arg3[%mul3A_18, %dma_start3A_28] : memref<8192x32xi32, #tpu.memory_space<hbm>> -> memref<256x32xi32, #tpu.memory_space<hbm>>
      tpu.enqueue_dma source(%dma_start3A_29 : memref<256x32xi32, #tpu.memory_space<hbm>>) target(%arg5 : memref<256x32xi32, #tpu.memory_space<vmem>>) target_semaphore(%run_scoped3A : memref<!tpu.dma_semaphore, #tpu.memory_space<semaphore_mem>>)
      %dma_wait3A = arith.constant 0 : i32
      %dma_wait3A_30 = tpu.memref_slice %arg3[%mul3A_18, %dma_wait3A] : memref<8192x32xi32, #tpu.memory_space<hbm>> -> memref<256x32xi32, #tpu.memory_space<hbm>>
      %dma_wait3A_31 = arith.constant 0 : i32
      %dma_wait3A_32 = tpu.memref_slice %arg3[%mul3A_18, %dma_wait3A_31] : memref<8192x32xi32, #tpu.memory_space<hbm>> -> memref<256x32xi32, #tpu.memory_space<hbm>>
      tpu.wait_dma2 semaphore(%run_scoped3A : memref<!tpu.dma_semaphore, #tpu.memory_space<semaphore_mem>>) src(%dma_wait3A_32 : memref<256x32xi32, #tpu.memory_space<hbm>>) dst(%arg5 : memref<256x32xi32, #tpu.memory_space<vmem>>)
      tpu.yield
    }) : () -> ()
    %mul3A_19 = arith.constant 4096 : i32
    %mul3A_20 = arith.muli %select_n3A, %mul3A_19 : i32
    %broadcast_in_dim3A = vector.broadcast %mul3A_20 : i32 to vector<16xi32>
    %scan3A = arith.constant 0 : i32
    %scan3A_21 = arith.constant 0 : i32
    %scan3A_22 = arith.constant 8 : i32
    %scan3A_23 = arith.addi %scan3A_21, %scan3A_22 : i32
    %scan3A_24 = arith.constant 1 : i32
    %scan3A_25 = scf.for %scan3A_27 = %scan3A_21 to %scan3A_23 step %scan3A_24 iter_args(%scan3A_28 = %scan3A) -> (i32)  : i32 {
      %scan3A_29 = arith.constant 0 : i32
      %scan3A_30 = arith.constant 0 : i32
      %scan3A_31 = arith.constant 64 : i32
      %scan3A_32 = arith.addi %scan3A_30, %scan3A_31 : i32
      %scan3A_33 = arith.constant 1 : i32
      %scan3A_34 = scf.for %scan3A_48 = %scan3A_30 to %scan3A_32 step %scan3A_33 iter_args(%scan3A_49 = %scan3A_29) -> (i32)  : i32 {
        %mul3A_50 = arith.constant 32 : i32
        %mul3A_51 = arith.muli %scan3A_27, %mul3A_50 : i32
        %jit3A_52 = arith.constant 2 : i32
        %div3A_53 = arith.divsi %scan3A_48, %jit3A_52 : i32
        %sign3A_54 = arith.constant 0 : i32
        %sign3A_55 = arith.cmpi sgt, %scan3A_48, %sign3A_54 : i32
        %sign3A_56 = arith.extui %sign3A_55 : i1 to i32
        %sign3A_57 = arith.constant 0 : i32
        %sign3A_58 = arith.cmpi slt, %scan3A_48, %sign3A_57 : i32
        %sign3A_59 = arith.extui %sign3A_58 : i1 to i32
        %sign3A_60 = arith.subi %sign3A_56, %sign3A_59 : i32
        %sign3A_61 = arith.constant 0 : i32
        %sign3A_62 = arith.cmpi sgt, %jit3A_52, %sign3A_61 : i32
        %sign3A_63 = arith.extui %sign3A_62 : i1 to i32
        %sign3A_64 = arith.constant 0 : i32
        %sign3A_65 = arith.cmpi slt, %jit3A_52, %sign3A_64 : i32
        %sign3A_66 = arith.extui %sign3A_65 : i1 to i32
        %sign3A_67 = arith.subi %sign3A_63, %sign3A_66 : i32
        %ne3A_68 = arith.cmpi ne, %sign3A_60, %sign3A_67 : i32
        %rem3A_69 = arith.remsi %scan3A_48, %jit3A_52 : i32
        %ne3A_70 = arith.constant 0 : i32
        %ne3A_71 = arith.cmpi ne, %rem3A_69, %ne3A_70 : i32
        %and3A_72 = arith.andi %ne3A_68, %ne3A_71 : i1
        %sub3A_73 = arith.constant 1 : i32
        %sub3A_74 = arith.subi %div3A_53, %sub3A_73 : i32
        %select_n3A_75 = arith.select %and3A_72, %sub3A_74, %div3A_53 : i32
        %add3A_76 = arith.addi %mul3A_51, %select_n3A_75 : i32
        %jit3A_77 = arith.constant 2 : i32
        %eq3A = arith.constant 0 : i32
        %eq3A_78 = arith.cmpi eq, %jit3A_77, %eq3A : i32
        %jit3A_79 = arith.constant 1 : i32
        %select_n3A_80 = arith.select %eq3A_78, %jit3A_79, %jit3A_77 : i32
        %rem3A_81 = arith.remsi %scan3A_48, %select_n3A_80 : i32
        %ne3A_82 = arith.constant 0 : i32
        %ne3A_83 = arith.cmpi ne, %rem3A_81, %ne3A_82 : i32
        %lt3A = arith.constant 0 : i32
        %lt3A_84 = arith.cmpi slt, %rem3A_81, %lt3A : i32
        %lt3A_85 = arith.constant 0 : i32
        %lt3A_86 = arith.cmpi slt, %select_n3A_80, %lt3A_85 : i32
        %ne3A_87 = arith.xori %lt3A_84, %lt3A_86 : i1
        %and3A_88 = arith.andi %ne3A_87, %ne3A_83 : i1
        %add3A_89 = arith.addi %rem3A_81, %select_n3A_80 : i32
        %select_n3A_90 = arith.select %and3A_88, %add3A_89, %rem3A_81 : i32
        %mul3A_91 = arith.constant 16 : i32
        %mul3A_92 = arith.muli %select_n3A_90, %mul3A_91 : i32
        %get3A = arith.index_cast %add3A_76 : i32 to index
        %get3A_93 = arith.index_cast %mul3A_92 : i32 to index
        %get3A_94 = tpu.vector_load %arg5[%get3A, %get3A_93] {strides = array<i32>} : memref<256x32xi32, #tpu.memory_space<vmem>>, vector<16xi32>,
        %add3A_95 = arith.addi %get3A_94, %broadcast_in_dim3A : vector<16xi32>
        %mul3A_96 = arith.constant 16 : i32
        %mul3A_97 = arith.muli %scan3A_48, %mul3A_96 : i32
        %swap3A = arith.index_cast %mul3A_97 : i32 to index
        %swap3A_98 = tpu.vector_load %arg6[%swap3A] {strides = array<i32>} : memref<1024xi32, #tpu.memory_space<vmem>>, vector<16xi32>,
        tpu.vector_store %arg6[%swap3A], %add3A_95 {strides = array<i32>} : memref<1024xi32, #tpu.memory_space<vmem>>, vector<16xi32>,
        %scan3A_99 = arith.constant 0 : i32
        scf.yield %scan3A_99 : i32
      }
      %scan3A_35 = arith.constant 64 : i32
      %dma_start3A = arith.constant 0 : i32
      %dma_start3A_36 = arith.constant 0 : i32
      %dma_start3A_37 = tpu.memref_slice %arg2[%dma_start3A, %dma_start3A_36] : memref<32768x32xf32, #tpu.memory_space<hbm>> -> memref<32768x32xf32, #tpu.memory_space<hbm>>
      tpu.enqueue_indirect_dma source(%dma_start3A_37 : memref<32768x32xf32, #tpu.memory_space<hbm>>) target(%arg7 : memref<1024x32xf32, #tpu.memory_space<vmem>>) offsets(%arg6 : memref<1024xi32, #tpu.memory_space<vmem>>) semaphore(%arg8 : memref<!tpu.dma_semaphore, #tpu.memory_space<semaphore_mem>>)
      %dma_wait3A = arith.constant 0 : i32
      %dma_wait3A_38 = arith.constant 0 : i32
      %dma_wait3A_39 = tpu.memref_slice %arg2[%dma_wait3A, %dma_wait3A_38] : memref<32768x32xf32, #tpu.memory_space<hbm>> -> memref<32768x32xf32, #tpu.memory_space<hbm>>
      tpu.wait_indirect_dma semaphore(%arg8 : memref<!tpu.dma_semaphore, #tpu.memory_space<semaphore_mem>>) src(%dma_wait3A_39 : memref<32768x32xf32, #tpu.memory_space<hbm>>) dst(%arg7 : memref<1024x32xf32, #tpu.memory_space<vmem>>)
      %mul3A_40 = arith.constant 256 : i32
      %mul3A_41 = arith.muli %add3A, %mul3A_40 : i32
      %mul3A_42 = arith.constant 32 : i32
      %mul3A_43 = arith.muli %mul3A_41, %mul3A_42 : i32
      %mul3A_44 = arith.constant 1024 : i32
      %mul3A_45 = arith.muli %scan3A_27, %mul3A_44 : i32
      %add3A_46 = arith.addi %mul3A_43, %mul3A_45 : i32
      "tpu.region"() ({
        %run_scoped3A = tpu.sem_alloc : memref<!tpu.dma_semaphore, #tpu.memory_space<semaphore_mem>>
        %dma_start3A_48 = arith.constant 0 : i32
        %dma_start3A_49 = tpu.memref_slice %arg4[%add3A_46, %dma_start3A_48] : memref<262144x32xf32, #tpu.memory_space<hbm>> -> memref<1024x32xf32, #tpu.memory_space<hbm>>
        %dma_start3A_50 = arith.constant 0 : i32
        %dma_start3A_51 = tpu.memref_slice %arg4[%add3A_46, %dma_start3A_50] : memref<262144x32xf32, #tpu.memory_space<hbm>> -> memref<1024x32xf32, #tpu.memory_space<hbm>>
        tpu.enqueue_dma source(%arg7 : memref<1024x32xf32, #tpu.memory_space<vmem>>) target(%dma_start3A_51 : memref<1024x32xf32, #tpu.memory_space<hbm>>) target_semaphore(%run_scoped3A : memref<!tpu.dma_semaphore, #tpu.memory_space<semaphore_mem>>)
        %dma_wait3A_52 = arith.constant 0 : i32
        %dma_wait3A_53 = tpu.memref_slice %arg4[%add3A_46, %dma_wait3A_52] : memref<262144x32xf32, #tpu.memory_space<hbm>> -> memref<1024x32xf32, #tpu.memory_space<hbm>>
        %dma_wait3A_54 = arith.constant 0 : i32
        %dma_wait3A_55 = tpu.memref_slice %arg4[%add3A_46, %dma_wait3A_54] : memref<262144x32xf32, #tpu.memory_space<hbm>> -> memref<1024x32xf32, #tpu.memory_space<hbm>>
        tpu.wait_dma2 semaphore(%run_scoped3A : memref<!tpu.dma_semaphore, #tpu.memory_space<semaphore_mem>>) src(%arg7 : memref<1024x32xf32, #tpu.memory_space<vmem>>) dst(%dma_wait3A_55 : memref<1024x32xf32, #tpu.memory_space<hbm>>)
        tpu.yield
      }) : () -> ()
      %scan3A_47 = arith.constant 0 : i32
      scf.yield %scan3A_47 : i32
    }
    %scan3A_26 = arith.constant 8 : i32
    return
  }
}

#map = affine_map<(d0, d1) -> (0, 0)>
module attributes {stable_mosaic.version = 14 : i64} {
  func.func @_ballq_body(%arg0: i32, %arg1: i32, %arg2: memref<8x4096xf32, #tpu.memory_space<hbm>>, %arg3: memref<8x4096xf32, #tpu.memory_space<hbm>>, %arg4: memref<8x4096xf32, #tpu.memory_space<hbm>>, %arg5: memref<8x1024xf32, #tpu.memory_space<hbm>>, %arg6: memref<8x1024xf32, #tpu.memory_space<hbm>>, %arg7: memref<8x1024xf32, #tpu.memory_space<hbm>>, %arg8: memref<8192x32xi32, #tpu.memory_space<hbm>>, %arg9: memref<4096xf32, #tpu.memory_space<vmem>>, %arg10: memref<4096xf32, #tpu.memory_space<vmem>>, %arg11: memref<4096xf32, #tpu.memory_space<vmem>>, %arg12: memref<4096xf32, #tpu.memory_space<vmem>>, %arg13: memref<4096xf32, #tpu.memory_space<vmem>>, %arg14: memref<4096xf32, #tpu.memory_space<vmem>>, %arg15: memref<4096xf32, #tpu.memory_space<vmem>>, %arg16: memref<272xf32, #tpu.memory_space<vmem>>, %arg17: memref<272xf32, #tpu.memory_space<vmem>>, %arg18: memref<272xf32, #tpu.memory_space<vmem>>, %arg19: memref<320xi32, #tpu.memory_space<vmem>>, %arg20: memref<256x32xi32, #tpu.memory_space<vmem>>, %arg21: memref<!tpu.dma_semaphore, #tpu.memory_space<semaphore_mem>>) attributes {dimension_semantics = [#tpu.dimension_semantics<core_parallel>, #tpu.dimension_semantics<subcore_parallel>], iteration_bounds = array<i64: 2, 16>, scalar_prefetch = 0 : i64, scratch_operands = 13 : i64, tpu.core_type = #tpu.core_type<sc_vector_subcore>, window_params = [{transform_indices = #map}, {transform_indices = #map}, {transform_indices = #map}, {transform_indices = #map}, {transform_indices = #map}, {transform_indices = #map}, {transform_indices = #map}]} {
    %mul3A = arith.constant 2 : i32
    %mul3A_0 = arith.muli %arg1, %mul3A : i32
    %add3A = arith.addi %mul3A_0, %arg0 : i32
    %jit3A = arith.constant 4 : i32
    %div3A = arith.divsi %add3A, %jit3A : i32
    %sign3A = arith.constant 0 : i32
    %sign3A_1 = arith.cmpi sgt, %add3A, %sign3A : i32
    %sign3A_2 = arith.extui %sign3A_1 : i1 to i32
    %sign3A_3 = arith.constant 0 : i32
    %sign3A_4 = arith.cmpi slt, %add3A, %sign3A_3 : i32
    %sign3A_5 = arith.extui %sign3A_4 : i1 to i32
    %sign3A_6 = arith.subi %sign3A_2, %sign3A_5 : i32
    %sign3A_7 = arith.constant 0 : i32
    %sign3A_8 = arith.cmpi sgt, %jit3A, %sign3A_7 : i32
    %sign3A_9 = arith.extui %sign3A_8 : i1 to i32
    %sign3A_10 = arith.constant 0 : i32
    %sign3A_11 = arith.cmpi slt, %jit3A, %sign3A_10 : i32
    %sign3A_12 = arith.extui %sign3A_11 : i1 to i32
    %sign3A_13 = arith.subi %sign3A_9, %sign3A_12 : i32
    %ne3A = arith.cmpi ne, %sign3A_6, %sign3A_13 : i32
    %rem3A = arith.remsi %add3A, %jit3A : i32
    %ne3A_14 = arith.constant 0 : i32
    %ne3A_15 = arith.cmpi ne, %rem3A, %ne3A_14 : i32
    %and3A = arith.andi %ne3A, %ne3A_15 : i1
    %sub3A = arith.constant 1 : i32
    %sub3A_16 = arith.subi %div3A, %sub3A : i32
    %select_n3A = arith.select %and3A, %sub3A_16, %div3A : i32
    %jit3A_17 = arith.constant 4 : i32
    %eq3A = arith.constant 0 : i32
    %eq3A_18 = arith.cmpi eq, %jit3A_17, %eq3A : i32
    %jit3A_19 = arith.constant 1 : i32
    %select_n3A_20 = arith.select %eq3A_18, %jit3A_19, %jit3A_17 : i32
    %rem3A_21 = arith.remsi %add3A, %select_n3A_20 : i32
    %ne3A_22 = arith.constant 0 : i32
    %ne3A_23 = arith.cmpi ne, %rem3A_21, %ne3A_22 : i32
    %lt3A = arith.constant 0 : i32
    %lt3A_24 = arith.cmpi slt, %rem3A_21, %lt3A : i32
    %lt3A_25 = arith.constant 0 : i32
    %lt3A_26 = arith.cmpi slt, %select_n3A_20, %lt3A_25 : i32
    %ne3A_27 = arith.xori %lt3A_24, %lt3A_26 : i1
    %and3A_28 = arith.andi %ne3A_27, %ne3A_23 : i1
    %add3A_29 = arith.addi %rem3A_21, %select_n3A_20 : i32
    %select_n3A_30 = arith.select %and3A_28, %add3A_29, %rem3A_21 : i32
    "tpu.region"() ({
      %run_scoped3A = tpu.sem_alloc : memref<!tpu.dma_semaphore, #tpu.memory_space<semaphore_mem>>
      %dma_start3A = arith.constant 0 : i32
      %dma_start3A_51 = tpu.memref_slice %arg2[%select_n3A, %dma_start3A] : memref<8x4096xf32, #tpu.memory_space<hbm>> -> memref<1x4096xf32, #tpu.memory_space<hbm>>
      %dma_start3A_52 = tpu.memref_squeeze %dma_start3A_51 : memref<1x4096xf32, #tpu.memory_space<hbm>> -> memref<4096xf32, #tpu.memory_space<hbm>>
      %dma_start3A_53 = arith.constant 0 : i32
      %dma_start3A_54 = tpu.memref_slice %arg2[%select_n3A, %dma_start3A_53] : memref<8x4096xf32, #tpu.memory_space<hbm>> -> memref<1x4096xf32, #tpu.memory_space<hbm>>
      %dma_start3A_55 = tpu.memref_squeeze %dma_start3A_54 : memref<1x4096xf32, #tpu.memory_space<hbm>> -> memref<4096xf32, #tpu.memory_space<hbm>>
      tpu.enqueue_dma source(%dma_start3A_55 : memref<4096xf32, #tpu.memory_space<hbm>>) target(%arg9 : memref<4096xf32, #tpu.memory_space<vmem>>) target_semaphore(%run_scoped3A : memref<!tpu.dma_semaphore, #tpu.memory_space<semaphore_mem>>)
      %dma_wait3A = arith.constant 0 : i32
      %dma_wait3A_56 = tpu.memref_slice %arg2[%select_n3A, %dma_wait3A] : memref<8x4096xf32, #tpu.memory_space<hbm>> -> memref<1x4096xf32, #tpu.memory_space<hbm>>
      %dma_wait3A_57 = tpu.memref_squeeze %dma_wait3A_56 : memref<1x4096xf32, #tpu.memory_space<hbm>> -> memref<4096xf32, #tpu.memory_space<hbm>>
      %dma_wait3A_58 = arith.constant 0 : i32
      %dma_wait3A_59 = tpu.memref_slice %arg2[%select_n3A, %dma_wait3A_58] : memref<8x4096xf32, #tpu.memory_space<hbm>> -> memref<1x4096xf32, #tpu.memory_space<hbm>>
      %dma_wait3A_60 = tpu.memref_squeeze %dma_wait3A_59 : memref<1x4096xf32, #tpu.memory_space<hbm>> -> memref<4096xf32, #tpu.memory_space<hbm>>
      tpu.wait_dma2 semaphore(%run_scoped3A : memref<!tpu.dma_semaphore, #tpu.memory_space<semaphore_mem>>) src(%dma_wait3A_60 : memref<4096xf32, #tpu.memory_space<hbm>>) dst(%arg9 : memref<4096xf32, #tpu.memory_space<vmem>>)
      tpu.yield
    }) : () -> ()
    "tpu.region"() ({
      %run_scoped3A = tpu.sem_alloc : memref<!tpu.dma_semaphore, #tpu.memory_space<semaphore_mem>>
      %dma_start3A = arith.constant 0 : i32
      %dma_start3A_51 = tpu.memref_slice %arg3[%select_n3A, %dma_start3A] : memref<8x4096xf32, #tpu.memory_space<hbm>> -> memref<1x4096xf32, #tpu.memory_space<hbm>>
      %dma_start3A_52 = tpu.memref_squeeze %dma_start3A_51 : memref<1x4096xf32, #tpu.memory_space<hbm>> -> memref<4096xf32, #tpu.memory_space<hbm>>
      %dma_start3A_53 = arith.constant 0 : i32
      %dma_start3A_54 = tpu.memref_slice %arg3[%select_n3A, %dma_start3A_53] : memref<8x4096xf32, #tpu.memory_space<hbm>> -> memref<1x4096xf32, #tpu.memory_space<hbm>>
      %dma_start3A_55 = tpu.memref_squeeze %dma_start3A_54 : memref<1x4096xf32, #tpu.memory_space<hbm>> -> memref<4096xf32, #tpu.memory_space<hbm>>
      tpu.enqueue_dma source(%dma_start3A_55 : memref<4096xf32, #tpu.memory_space<hbm>>) target(%arg10 : memref<4096xf32, #tpu.memory_space<vmem>>) target_semaphore(%run_scoped3A : memref<!tpu.dma_semaphore, #tpu.memory_space<semaphore_mem>>)
      %dma_wait3A = arith.constant 0 : i32
      %dma_wait3A_56 = tpu.memref_slice %arg3[%select_n3A, %dma_wait3A] : memref<8x4096xf32, #tpu.memory_space<hbm>> -> memref<1x4096xf32, #tpu.memory_space<hbm>>
      %dma_wait3A_57 = tpu.memref_squeeze %dma_wait3A_56 : memref<1x4096xf32, #tpu.memory_space<hbm>> -> memref<4096xf32, #tpu.memory_space<hbm>>
      %dma_wait3A_58 = arith.constant 0 : i32
      %dma_wait3A_59 = tpu.memref_slice %arg3[%select_n3A, %dma_wait3A_58] : memref<8x4096xf32, #tpu.memory_space<hbm>> -> memref<1x4096xf32, #tpu.memory_space<hbm>>
      %dma_wait3A_60 = tpu.memref_squeeze %dma_wait3A_59 : memref<1x4096xf32, #tpu.memory_space<hbm>> -> memref<4096xf32, #tpu.memory_space<hbm>>
      tpu.wait_dma2 semaphore(%run_scoped3A : memref<!tpu.dma_semaphore, #tpu.memory_space<semaphore_mem>>) src(%dma_wait3A_60 : memref<4096xf32, #tpu.memory_space<hbm>>) dst(%arg10 : memref<4096xf32, #tpu.memory_space<vmem>>)
      tpu.yield
    }) : () -> ()
    "tpu.region"() ({
      %run_scoped3A = tpu.sem_alloc : memref<!tpu.dma_semaphore, #tpu.memory_space<semaphore_mem>>
      %dma_start3A = arith.constant 0 : i32
      %dma_start3A_51 = tpu.memref_slice %arg4[%select_n3A, %dma_start3A] : memref<8x4096xf32, #tpu.memory_space<hbm>> -> memref<1x4096xf32, #tpu.memory_space<hbm>>
      %dma_start3A_52 = tpu.memref_squeeze %dma_start3A_51 : memref<1x4096xf32, #tpu.memory_space<hbm>> -> memref<4096xf32, #tpu.memory_space<hbm>>
      %dma_start3A_53 = arith.constant 0 : i32
      %dma_start3A_54 = tpu.memref_slice %arg4[%select_n3A, %dma_start3A_53] : memref<8x4096xf32, #tpu.memory_space<hbm>> -> memref<1x4096xf32, #tpu.memory_space<hbm>>
      %dma_start3A_55 = tpu.memref_squeeze %dma_start3A_54 : memref<1x4096xf32, #tpu.memory_space<hbm>> -> memref<4096xf32, #tpu.memory_space<hbm>>
      tpu.enqueue_dma source(%dma_start3A_55 : memref<4096xf32, #tpu.memory_space<hbm>>) target(%arg11 : memref<4096xf32, #tpu.memory_space<vmem>>) target_semaphore(%run_scoped3A : memref<!tpu.dma_semaphore, #tpu.memory_space<semaphore_mem>>)
      %dma_wait3A = arith.constant 0 : i32
      %dma_wait3A_56 = tpu.memref_slice %arg4[%select_n3A, %dma_wait3A] : memref<8x4096xf32, #tpu.memory_space<hbm>> -> memref<1x4096xf32, #tpu.memory_space<hbm>>
      %dma_wait3A_57 = tpu.memref_squeeze %dma_wait3A_56 : memref<1x4096xf32, #tpu.memory_space<hbm>> -> memref<4096xf32, #tpu.memory_space<hbm>>
      %dma_wait3A_58 = arith.constant 0 : i32
      %dma_wait3A_59 = tpu.memref_slice %arg4[%select_n3A, %dma_wait3A_58] : memref<8x4096xf32, #tpu.memory_space<hbm>> -> memref<1x4096xf32, #tpu.memory_space<hbm>>
      %dma_wait3A_60 = tpu.memref_squeeze %dma_wait3A_59 : memref<1x4096xf32, #tpu.memory_space<hbm>> -> memref<4096xf32, #tpu.memory_space<hbm>>
      tpu.wait_dma2 semaphore(%run_scoped3A : memref<!tpu.dma_semaphore, #tpu.memory_space<semaphore_mem>>) src(%dma_wait3A_60 : memref<4096xf32, #tpu.memory_space<hbm>>) dst(%arg11 : memref<4096xf32, #tpu.memory_space<vmem>>)
      tpu.yield
    }) : () -> ()
    %mul3A_31 = arith.constant 256 : i32
    %mul3A_32 = arith.muli %select_n3A_30, %mul3A_31 : i32
    "tpu.region"() ({
      %run_scoped3A = tpu.sem_alloc : memref<!tpu.dma_semaphore, #tpu.memory_space<semaphore_mem>>
      %dma_start3A = arith.constant 0 : i32
      %dma_start3A_51 = tpu.memref_slice %arg16[%dma_start3A] : memref<272xf32, #tpu.memory_space<vmem>> -> memref<256xf32, #tpu.memory_space<vmem>>
      %dma_start3A_52 = tpu.memref_slice %arg5[%select_n3A, %mul3A_32] : memref<8x1024xf32, #tpu.memory_space<hbm>> -> memref<1x256xf32, #tpu.memory_space<hbm>>
      %dma_start3A_53 = tpu.memref_squeeze %dma_start3A_52 : memref<1x256xf32, #tpu.memory_space<hbm>> -> memref<256xf32, #tpu.memory_space<hbm>>
      %dma_start3A_54 = arith.constant 0 : i32
      %dma_start3A_55 = tpu.memref_slice %arg16[%dma_start3A_54] : memref<272xf32, #tpu.memory_space<vmem>> -> memref<256xf32, #tpu.memory_space<vmem>>
      %dma_start3A_56 = tpu.memref_slice %arg5[%select_n3A, %mul3A_32] : memref<8x1024xf32, #tpu.memory_space<hbm>> -> memref<1x256xf32, #tpu.memory_space<hbm>>
      %dma_start3A_57 = tpu.memref_squeeze %dma_start3A_56 : memref<1x256xf32, #tpu.memory_space<hbm>> -> memref<256xf32, #tpu.memory_space<hbm>>
      tpu.enqueue_dma source(%dma_start3A_57 : memref<256xf32, #tpu.memory_space<hbm>>) target(%dma_start3A_55 : memref<256xf32, #tpu.memory_space<vmem>>) target_semaphore(%run_scoped3A : memref<!tpu.dma_semaphore, #tpu.memory_space<semaphore_mem>>)
      %dma_wait3A = arith.constant 0 : i32
      %dma_wait3A_58 = tpu.memref_slice %arg16[%dma_wait3A] : memref<272xf32, #tpu.memory_space<vmem>> -> memref<256xf32, #tpu.memory_space<vmem>>
      %dma_wait3A_59 = tpu.memref_slice %arg5[%select_n3A, %mul3A_32] : memref<8x1024xf32, #tpu.memory_space<hbm>> -> memref<1x256xf32, #tpu.memory_space<hbm>>
      %dma_wait3A_60 = tpu.memref_squeeze %dma_wait3A_59 : memref<1x256xf32, #tpu.memory_space<hbm>> -> memref<256xf32, #tpu.memory_space<hbm>>
      %dma_wait3A_61 = arith.constant 0 : i32
      %dma_wait3A_62 = tpu.memref_slice %arg16[%dma_wait3A_61] : memref<272xf32, #tpu.memory_space<vmem>> -> memref<256xf32, #tpu.memory_space<vmem>>
      %dma_wait3A_63 = tpu.memref_slice %arg5[%select_n3A, %mul3A_32] : memref<8x1024xf32, #tpu.memory_space<hbm>> -> memref<1x256xf32, #tpu.memory_space<hbm>>
      %dma_wait3A_64 = tpu.memref_squeeze %dma_wait3A_63 : memref<1x256xf32, #tpu.memory_space<hbm>> -> memref<256xf32, #tpu.memory_space<hbm>>
      tpu.wait_dma2 semaphore(%run_scoped3A : memref<!tpu.dma_semaphore, #tpu.memory_space<semaphore_mem>>) src(%dma_wait3A_64 : memref<256xf32, #tpu.memory_space<hbm>>) dst(%dma_wait3A_62 : memref<256xf32, #tpu.memory_space<vmem>>)
      tpu.yield
    }) : () -> ()
    "tpu.region"() ({
      %run_scoped3A = tpu.sem_alloc : memref<!tpu.dma_semaphore, #tpu.memory_space<semaphore_mem>>
      %dma_start3A = arith.constant 0 : i32
      %dma_start3A_51 = tpu.memref_slice %arg17[%dma_start3A] : memref<272xf32, #tpu.memory_space<vmem>> -> memref<256xf32, #tpu.memory_space<vmem>>
      %dma_start3A_52 = tpu.memref_slice %arg6[%select_n3A, %mul3A_32] : memref<8x1024xf32, #tpu.memory_space<hbm>> -> memref<1x256xf32, #tpu.memory_space<hbm>>
      %dma_start3A_53 = tpu.memref_squeeze %dma_start3A_52 : memref<1x256xf32, #tpu.memory_space<hbm>> -> memref<256xf32, #tpu.memory_space<hbm>>
      %dma_start3A_54 = arith.constant 0 : i32
      %dma_start3A_55 = tpu.memref_slice %arg17[%dma_start3A_54] : memref<272xf32, #tpu.memory_space<vmem>> -> memref<256xf32, #tpu.memory_space<vmem>>
      %dma_start3A_56 = tpu.memref_slice %arg6[%select_n3A, %mul3A_32] : memref<8x1024xf32, #tpu.memory_space<hbm>> -> memref<1x256xf32, #tpu.memory_space<hbm>>
      %dma_start3A_57 = tpu.memref_squeeze %dma_start3A_56 : memref<1x256xf32, #tpu.memory_space<hbm>> -> memref<256xf32, #tpu.memory_space<hbm>>
      tpu.enqueue_dma source(%dma_start3A_57 : memref<256xf32, #tpu.memory_space<hbm>>) target(%dma_start3A_55 : memref<256xf32, #tpu.memory_space<vmem>>) target_semaphore(%run_scoped3A : memref<!tpu.dma_semaphore, #tpu.memory_space<semaphore_mem>>)
      %dma_wait3A = arith.constant 0 : i32
      %dma_wait3A_58 = tpu.memref_slice %arg17[%dma_wait3A] : memref<272xf32, #tpu.memory_space<vmem>> -> memref<256xf32, #tpu.memory_space<vmem>>
      %dma_wait3A_59 = tpu.memref_slice %arg6[%select_n3A, %mul3A_32] : memref<8x1024xf32, #tpu.memory_space<hbm>> -> memref<1x256xf32, #tpu.memory_space<hbm>>
      %dma_wait3A_60 = tpu.memref_squeeze %dma_wait3A_59 : memref<1x256xf32, #tpu.memory_space<hbm>> -> memref<256xf32, #tpu.memory_space<hbm>>
      %dma_wait3A_61 = arith.constant 0 : i32
      %dma_wait3A_62 = tpu.memref_slice %arg17[%dma_wait3A_61] : memref<272xf32, #tpu.memory_space<vmem>> -> memref<256xf32, #tpu.memory_space<vmem>>
      %dma_wait3A_63 = tpu.memref_slice %arg6[%select_n3A, %mul3A_32] : memref<8x1024xf32, #tpu.memory_space<hbm>> -> memref<1x256xf32, #tpu.memory_space<hbm>>
      %dma_wait3A_64 = tpu.memref_squeeze %dma_wait3A_63 : memref<1x256xf32, #tpu.memory_space<hbm>> -> memref<256xf32, #tpu.memory_space<hbm>>
      tpu.wait_dma2 semaphore(%run_scoped3A : memref<!tpu.dma_semaphore, #tpu.memory_space<semaphore_mem>>) src(%dma_wait3A_64 : memref<256xf32, #tpu.memory_space<hbm>>) dst(%dma_wait3A_62 : memref<256xf32, #tpu.memory_space<vmem>>)
      tpu.yield
    }) : () -> ()
    "tpu.region"() ({
      %run_scoped3A = tpu.sem_alloc : memref<!tpu.dma_semaphore, #tpu.memory_space<semaphore_mem>>
      %dma_start3A = arith.constant 0 : i32
      %dma_start3A_51 = tpu.memref_slice %arg18[%dma_start3A] : memref<272xf32, #tpu.memory_space<vmem>> -> memref<256xf32, #tpu.memory_space<vmem>>
      %dma_start3A_52 = tpu.memref_slice %arg7[%select_n3A, %mul3A_32] : memref<8x1024xf32, #tpu.memory_space<hbm>> -> memref<1x256xf32, #tpu.memory_space<hbm>>
      %dma_start3A_53 = tpu.memref_squeeze %dma_start3A_52 : memref<1x256xf32, #tpu.memory_space<hbm>> -> memref<256xf32, #tpu.memory_space<hbm>>
      %dma_start3A_54 = arith.constant 0 : i32
      %dma_start3A_55 = tpu.memref_slice %arg18[%dma_start3A_54] : memref<272xf32, #tpu.memory_space<vmem>> -> memref<256xf32, #tpu.memory_space<vmem>>
      %dma_start3A_56 = tpu.memref_slice %arg7[%select_n3A, %mul3A_32] : memref<8x1024xf32, #tpu.memory_space<hbm>> -> memref<1x256xf32, #tpu.memory_space<hbm>>
      %dma_start3A_57 = tpu.memref_squeeze %dma_start3A_56 : memref<1x256xf32, #tpu.memory_space<hbm>> -> memref<256xf32, #tpu.memory_space<hbm>>
      tpu.enqueue_dma source(%dma_start3A_57 : memref<256xf32, #tpu.memory_space<hbm>>) target(%dma_start3A_55 : memref<256xf32, #tpu.memory_space<vmem>>) target_semaphore(%run_scoped3A : memref<!tpu.dma_semaphore, #tpu.memory_space<semaphore_mem>>)
      %dma_wait3A = arith.constant 0 : i32
      %dma_wait3A_58 = tpu.memref_slice %arg18[%dma_wait3A] : memref<272xf32, #tpu.memory_space<vmem>> -> memref<256xf32, #tpu.memory_space<vmem>>
      %dma_wait3A_59 = tpu.memref_slice %arg7[%select_n3A, %mul3A_32] : memref<8x1024xf32, #tpu.memory_space<hbm>> -> memref<1x256xf32, #tpu.memory_space<hbm>>
      %dma_wait3A_60 = tpu.memref_squeeze %dma_wait3A_59 : memref<1x256xf32, #tpu.memory_space<hbm>> -> memref<256xf32, #tpu.memory_space<hbm>>
      %dma_wait3A_61 = arith.constant 0 : i32
      %dma_wait3A_62 = tpu.memref_slice %arg18[%dma_wait3A_61] : memref<272xf32, #tpu.memory_space<vmem>> -> memref<256xf32, #tpu.memory_space<vmem>>
      %dma_wait3A_63 = tpu.memref_slice %arg7[%select_n3A, %mul3A_32] : memref<8x1024xf32, #tpu.memory_space<hbm>> -> memref<1x256xf32, #tpu.memory_space<hbm>>
      %dma_wait3A_64 = tpu.memref_squeeze %dma_wait3A_63 : memref<1x256xf32, #tpu.memory_space<hbm>> -> memref<256xf32, #tpu.memory_space<hbm>>
      tpu.wait_dma2 semaphore(%run_scoped3A : memref<!tpu.dma_semaphore, #tpu.memory_space<semaphore_mem>>) src(%dma_wait3A_64 : memref<256xf32, #tpu.memory_space<hbm>>) dst(%dma_wait3A_62 : memref<256xf32, #tpu.memory_space<vmem>>)
      tpu.yield
    }) : () -> ()
    %iota3A = tpu.iota {dimensions = array<i32: 0>} : vector<16xi32>
    %eq3A_33 = arith.constant 0 : i32
    %eq3A_34 = vector.broadcast %eq3A_33 : i32 to vector<16xi32>
    %eq3A_35 = arith.cmpi eq, %iota3A, %eq3A_34 : vector<16xi32>
    %scan3A = arith.constant 0 : i32
    %scan3A_36 = arith.constant 0 : i32
    %scan3A_37 = arith.constant 256 : i32
    %scan3A_38 = arith.addi %scan3A_36, %scan3A_37 : i32
    %scan3A_39 = arith.constant 1 : i32
    %scan3A_40 = scf.for %scan3A_51 = %scan3A_36 to %scan3A_38 step %scan3A_39 iter_args(%scan3A_52 = %scan3A) -> (i32)  : i32 {
      %mul3A_53 = arith.constant 16 : i32
      %mul3A_54 = arith.muli %scan3A_51, %mul3A_53 : i32
      %get3A = arith.index_cast %mul3A_54 : i32 to index
      %get3A_55 = tpu.vector_load %arg9[%get3A] {strides = array<i32>} : memref<4096xf32, #tpu.memory_space<vmem>>, vector<16xf32>,
      %get3A_56 = arith.index_cast %mul3A_54 : i32 to index
      %get3A_57 = tpu.vector_load %arg10[%get3A_56] {strides = array<i32>} : memref<4096xf32, #tpu.memory_space<vmem>>, vector<16xf32>,
      %get3A_58 = arith.index_cast %mul3A_54 : i32 to index
      %get3A_59 = tpu.vector_load %arg11[%get3A_58] {strides = array<i32>} : memref<4096xf32, #tpu.memory_space<vmem>>, vector<16xf32>,
      %bitcast3A = vector.bitcast %get3A_55 : vector<16xf32> to vector<16xi32>
      %shift_right_arithmetic3A = arith.constant 16 : i32
      %shift_right_arithmetic3A_60 = vector.broadcast %shift_right_arithmetic3A : i32 to vector<16xi32>
      %shift_right_arithmetic3A_61 = arith.shrsi %bitcast3A, %shift_right_arithmetic3A_60 : vector<16xi32>
      %and3A_62 = arith.constant 1 : i32
      %and3A_63 = vector.broadcast %and3A_62 : i32 to vector<16xi32>
      %and3A_64 = arith.andi %shift_right_arithmetic3A_61, %and3A_63 : vector<16xi32>
      %add3A_65 = arith.constant 32767 : i32
      %add3A_66 = vector.broadcast %add3A_65 : i32 to vector<16xi32>
      %add3A_67 = arith.addi %add3A_66, %and3A_64 : vector<16xi32>
      %add3A_68 = arith.addi %bitcast3A, %add3A_67 : vector<16xi32>
      %and3A_69 = arith.constant -65536 : i32
      %and3A_70 = vector.broadcast %and3A_69 : i32 to vector<16xi32>
      %and3A_71 = arith.andi %add3A_68, %and3A_70 : vector<16xi32>
      %bitcast3A_72 = vector.bitcast %and3A_71 : vector<16xi32> to vector<16xf32>
      %swap3A = arith.index_cast %mul3A_54 : i32 to index
      %swap3A_73 = tpu.vector_load %arg12[%swap3A] {strides = array<i32>} : memref<4096xf32, #tpu.memory_space<vmem>>, vector<16xf32>,
      tpu.vector_store %arg12[%swap3A], %bitcast3A_72 {strides = array<i32>} : memref<4096xf32, #tpu.memory_space<vmem>>, vector<16xf32>,
      %bitcast3A_74 = vector.bitcast %get3A_57 : vector<16xf32> to vector<16xi32>
      %shift_right_arithmetic3A_75 = arith.constant 16 : i32
      %shift_right_arithmetic3A_76 = vector.broadcast %shift_right_arithmetic3A_75 : i32 to vector<16xi32>
      %shift_right_arithmetic3A_77 = arith.shrsi %bitcast3A_74, %shift_right_arithmetic3A_76 : vector<16xi32>
      %and3A_78 = arith.constant 1 : i32
      %and3A_79 = vector.broadcast %and3A_78 : i32 to vector<16xi32>
      %and3A_80 = arith.andi %shift_right_arithmetic3A_77, %and3A_79 : vector<16xi32>
      %add3A_81 = arith.constant 32767 : i32
      %add3A_82 = vector.broadcast %add3A_81 : i32 to vector<16xi32>
      %add3A_83 = arith.addi %add3A_82, %and3A_80 : vector<16xi32>
      %add3A_84 = arith.addi %bitcast3A_74, %add3A_83 : vector<16xi32>
      %and3A_85 = arith.constant -65536 : i32
      %and3A_86 = vector.broadcast %and3A_85 : i32 to vector<16xi32>
      %and3A_87 = arith.andi %add3A_84, %and3A_86 : vector<16xi32>
      %bitcast3A_88 = vector.bitcast %and3A_87 : vector<16xi32> to vector<16xf32>
      %swap3A_89 = arith.index_cast %mul3A_54 : i32 to index
      %swap3A_90 = tpu.vector_load %arg13[%swap3A_89] {strides = array<i32>} : memref<4096xf32, #tpu.memory_space<vmem>>, vector<16xf32>,
      tpu.vector_store %arg13[%swap3A_89], %bitcast3A_88 {strides = array<i32>} : memref<4096xf32, #tpu.memory_space<vmem>>, vector<16xf32>,
      %bitcast3A_91 = vector.bitcast %get3A_59 : vector<16xf32> to vector<16xi32>
      %shift_right_arithmetic3A_92 = arith.constant 16 : i32
      %shift_right_arithmetic3A_93 = vector.broadcast %shift_right_arithmetic3A_92 : i32 to vector<16xi32>
      %shift_right_arithmetic3A_94 = arith.shrsi %bitcast3A_91, %shift_right_arithmetic3A_93 : vector<16xi32>
      %and3A_95 = arith.constant 1 : i32
      %and3A_96 = vector.broadcast %and3A_95 : i32 to vector<16xi32>
      %and3A_97 = arith.andi %shift_right_arithmetic3A_94, %and3A_96 : vector<16xi32>
      %add3A_98 = arith.constant 32767 : i32
      %add3A_99 = vector.broadcast %add3A_98 : i32 to vector<16xi32>
      %add3A_100 = arith.addi %add3A_99, %and3A_97 : vector<16xi32>
      %add3A_101 = arith.addi %bitcast3A_91, %add3A_100 : vector<16xi32>
      %and3A_102 = arith.constant -65536 : i32
      %and3A_103 = vector.broadcast %and3A_102 : i32 to vector<16xi32>
      %and3A_104 = arith.andi %add3A_101, %and3A_103 : vector<16xi32>
      %bitcast3A_105 = vector.bitcast %and3A_104 : vector<16xi32> to vector<16xf32>
      %swap3A_106 = arith.index_cast %mul3A_54 : i32 to index
      %swap3A_107 = tpu.vector_load %arg14[%swap3A_106] {strides = array<i32>} : memref<4096xf32, #tpu.memory_space<vmem>>, vector<16xf32>,
      tpu.vector_store %arg14[%swap3A_106], %bitcast3A_105 {strides = array<i32>} : memref<4096xf32, #tpu.memory_space<vmem>>, vector<16xf32>,
      %mul3A_108 = arith.mulf %get3A_55, %get3A_55 : vector<16xf32>
      %mul3A_109 = arith.mulf %get3A_57, %get3A_57 : vector<16xf32>
      %add3A_110 = arith.addf %mul3A_108, %mul3A_109 : vector<16xf32>
      %mul3A_111 = arith.mulf %get3A_59, %get3A_59 : vector<16xf32>
      %add3A_112 = arith.addf %add3A_110, %mul3A_111 : vector<16xf32>
      %swap3A_113 = arith.index_cast %mul3A_54 : i32 to index
      %swap3A_114 = tpu.vector_load %arg15[%swap3A_113] {strides = array<i32>} : memref<4096xf32, #tpu.memory_space<vmem>>, vector<16xf32>,
      tpu.vector_store %arg15[%swap3A_113], %add3A_112 {strides = array<i32>} : memref<4096xf32, #tpu.memory_space<vmem>>, vector<16xf32>,
      %scan3A_115 = arith.constant 0 : i32
      scf.yield %scan3A_115 : i32
    }
    %scan3A_41 = arith.constant 256 : i32
    %scan3A_42 = arith.constant 0 : i32
    %scan3A_43 = arith.constant 0 : i32
    %scan3A_44 = arith.constant 256 : i32
    %scan3A_45 = arith.addi %scan3A_43, %scan3A_44 : i32
    %scan3A_46 = arith.constant 1 : i32
    %scan3A_47 = scf.for %scan3A_51 = %scan3A_43 to %scan3A_45 step %scan3A_46 iter_args(%scan3A_52 = %scan3A_42) -> (i32)  : i32 {
      %get3A = arith.index_cast %scan3A_51 : i32 to index
      %get3A_53 = tpu.vector_load %arg16[%get3A] {strides = array<i32>} : memref<272xf32, #tpu.memory_space<vmem>>, vector<16xf32>,
      %slice3A = vector.extract_strided_slice %get3A_53 {offsets = [0], sizes = [1], strides = [1]} : vector<16xf32> to vector<1xf32>
      %squeeze3A = vector.extract %slice3A[0] : f32 from vector<1xf32>
      %broadcast_in_dim3A = vector.broadcast %squeeze3A : f32 to vector<16xf32>
      %get3A_54 = arith.index_cast %scan3A_51 : i32 to index
      %get3A_55 = tpu.vector_load %arg17[%get3A_54] {strides = array<i32>} : memref<272xf32, #tpu.memory_space<vmem>>, vector<16xf32>,
      %slice3A_56 = vector.extract_strided_slice %get3A_55 {offsets = [0], sizes = [1], strides = [1]} : vector<16xf32> to vector<1xf32>
      %squeeze3A_57 = vector.extract %slice3A_56[0] : f32 from vector<1xf32>
      %broadcast_in_dim3A_58 = vector.broadcast %squeeze3A_57 : f32 to vector<16xf32>
      %get3A_59 = arith.index_cast %scan3A_51 : i32 to index
      %get3A_60 = tpu.vector_load %arg18[%get3A_59] {strides = array<i32>} : memref<272xf32, #tpu.memory_space<vmem>>, vector<16xf32>,
      %slice3A_61 = vector.extract_strided_slice %get3A_60 {offsets = [0], sizes = [1], strides = [1]} : vector<16xf32> to vector<1xf32>
      %squeeze3A_62 = vector.extract %slice3A_61[0] : f32 from vector<1xf32>
      %broadcast_in_dim3A_63 = vector.broadcast %squeeze3A_62 : f32 to vector<16xf32>
      %mul3A_64 = arith.mulf %broadcast_in_dim3A, %broadcast_in_dim3A : vector<16xf32>
      %mul3A_65 = arith.mulf %broadcast_in_dim3A_58, %broadcast_in_dim3A_58 : vector<16xf32>
      %add3A_66 = arith.addf %mul3A_64, %mul3A_65 : vector<16xf32>
      %mul3A_67 = arith.mulf %broadcast_in_dim3A_63, %broadcast_in_dim3A_63 : vector<16xf32>
      %add3A_68 = arith.addf %add3A_66, %mul3A_67 : vector<16xf32>
      %bitcast3A = vector.bitcast %broadcast_in_dim3A : vector<16xf32> to vector<16xi32>
      %shift_right_arithmetic3A = arith.constant 16 : i32
      %shift_right_arithmetic3A_69 = vector.broadcast %shift_right_arithmetic3A : i32 to vector<16xi32>
      %shift_right_arithmetic3A_70 = arith.shrsi %bitcast3A, %shift_right_arithmetic3A_69 : vector<16xi32>
      %and3A_71 = arith.constant 1 : i32
      %and3A_72 = vector.broadcast %and3A_71 : i32 to vector<16xi32>
      %and3A_73 = arith.andi %shift_right_arithmetic3A_70, %and3A_72 : vector<16xi32>
      %add3A_74 = arith.constant 32767 : i32
      %add3A_75 = vector.broadcast %add3A_74 : i32 to vector<16xi32>
      %add3A_76 = arith.addi %add3A_75, %and3A_73 : vector<16xi32>
      %add3A_77 = arith.addi %bitcast3A, %add3A_76 : vector<16xi32>
      %and3A_78 = arith.constant -65536 : i32
      %and3A_79 = vector.broadcast %and3A_78 : i32 to vector<16xi32>
      %and3A_80 = arith.andi %add3A_77, %and3A_79 : vector<16xi32>
      %bitcast3A_81 = vector.bitcast %and3A_80 : vector<16xi32> to vector<16xf32>
      %bitcast3A_82 = vector.bitcast %broadcast_in_dim3A_58 : vector<16xf32> to vector<16xi32>
      %shift_right_arithmetic3A_83 = arith.constant 16 : i32
      %shift_right_arithmetic3A_84 = vector.broadcast %shift_right_arithmetic3A_83 : i32 to vector<16xi32>
      %shift_right_arithmetic3A_85 = arith.shrsi %bitcast3A_82, %shift_right_arithmetic3A_84 : vector<16xi32>
      %and3A_86 = arith.constant 1 : i32
      %and3A_87 = vector.broadcast %and3A_86 : i32 to vector<16xi32>
      %and3A_88 = arith.andi %shift_right_arithmetic3A_85, %and3A_87 : vector<16xi32>
      %add3A_89 = arith.constant 32767 : i32
      %add3A_90 = vector.broadcast %add3A_89 : i32 to vector<16xi32>
      %add3A_91 = arith.addi %add3A_90, %and3A_88 : vector<16xi32>
      %add3A_92 = arith.addi %bitcast3A_82, %add3A_91 : vector<16xi32>
      %and3A_93 = arith.constant -65536 : i32
      %and3A_94 = vector.broadcast %and3A_93 : i32 to vector<16xi32>
      %and3A_95 = arith.andi %add3A_92, %and3A_94 : vector<16xi32>
      %bitcast3A_96 = vector.bitcast %and3A_95 : vector<16xi32> to vector<16xf32>
      %bitcast3A_97 = vector.bitcast %broadcast_in_dim3A_63 : vector<16xf32> to vector<16xi32>
      %shift_right_arithmetic3A_98 = arith.constant 16 : i32
      %shift_right_arithmetic3A_99 = vector.broadcast %shift_right_arithmetic3A_98 : i32 to vector<16xi32>
      %shift_right_arithmetic3A_100 = arith.shrsi %bitcast3A_97, %shift_right_arithmetic3A_99 : vector<16xi32>
      %and3A_101 = arith.constant 1 : i32
      %and3A_102 = vector.broadcast %and3A_101 : i32 to vector<16xi32>
      %and3A_103 = arith.andi %shift_right_arithmetic3A_100, %and3A_102 : vector<16xi32>
      %add3A_104 = arith.constant 32767 : i32
      %add3A_105 = vector.broadcast %add3A_104 : i32 to vector<16xi32>
      %add3A_106 = arith.addi %add3A_105, %and3A_103 : vector<16xi32>
      %add3A_107 = arith.addi %bitcast3A_97, %add3A_106 : vector<16xi32>
      %and3A_108 = arith.constant -65536 : i32
      %and3A_109 = vector.broadcast %and3A_108 : i32 to vector<16xi32>
      %and3A_110 = arith.andi %add3A_107, %and3A_109 : vector<16xi32>
      %bitcast3A_111 = vector.bitcast %and3A_110 : vector<16xi32> to vector<16xf32>
      %broadcast_in_dim3A_112 = arith.constant 1 : i32
      %broadcast_in_dim3A_113 = vector.broadcast %broadcast_in_dim3A_112 : i32 to vector<16xi32>
      %while3A = arith.constant 0 : i32
      %while3A_114 = arith.constant 0 : i32
      %while3A_115:2 = scf.while (%while3A_141 = %while3A, %while3A_142 = %while3A_114) : (i32, i32) -> (i32, i32) {
        %lt3A_143 = arith.constant 32 : i32
        %lt3A_144 = arith.cmpi slt, %while3A_141, %lt3A_143 : i32
        %lt3A_145 = arith.constant 256 : i32
        %lt3A_146 = arith.cmpi slt, %while3A_142, %lt3A_145 : i32
        %and3A_147 = arith.andi %lt3A_144, %lt3A_146 : i1
        scf.condition(%and3A_147) %while3A_141, %while3A_142 : i32, i32
      } do {
      ^bb0(%while3A_141: i32, %while3A_142: i32):
        %sub3A_143 = arith.constant 1 : i32
        %sub3A_144 = arith.subi %while3A_141, %sub3A_143 : i32
        %broadcast_in_dim3A_145 = vector.broadcast %sub3A_144 : i32 to vector<16xi32>
        %add3A_146 = arith.constant 0 : i32
        %add3A_147 = arith.addi %while3A_142, %add3A_146 : i32
        %mul3A_148 = arith.constant 16 : i32
        %mul3A_149 = arith.muli %add3A_147, %mul3A_148 : i32
        %get3A_150 = arith.index_cast %mul3A_149 : i32 to index
        %get3A_151 = tpu.vector_load %arg12[%get3A_150] {strides = array<i32>} : memref<4096xf32, #tpu.memory_space<vmem>>, vector<16xf32>,
        %mul3A_152 = arith.mulf %get3A_151, %bitcast3A_81 : vector<16xf32>
        %get3A_153 = arith.index_cast %mul3A_149 : i32 to index
        %get3A_154 = tpu.vector_load %arg13[%get3A_153] {strides = array<i32>} : memref<4096xf32, #tpu.memory_space<vmem>>, vector<16xf32>,
        %mul3A_155 = arith.mulf %get3A_154, %bitcast3A_96 : vector<16xf32>
        %add3A_156 = arith.addf %mul3A_152, %mul3A_155 : vector<16xf32>
        %get3A_157 = arith.index_cast %mul3A_149 : i32 to index
        %get3A_158 = tpu.vector_load %arg14[%get3A_157] {strides = array<i32>} : memref<4096xf32, #tpu.memory_space<vmem>>, vector<16xf32>,
        %mul3A_159 = arith.mulf %get3A_158, %bitcast3A_111 : vector<16xf32>
        %add3A_160 = arith.addf %add3A_156, %mul3A_159 : vector<16xf32>
        %get3A_161 = arith.index_cast %mul3A_149 : i32 to index
        %get3A_162 = tpu.vector_load %arg15[%get3A_161] {strides = array<i32>} : memref<4096xf32, #tpu.memory_space<vmem>>, vector<16xf32>,
        %add3A_163 = arith.addf %add3A_68, %get3A_162 : vector<16xf32>
        %add3A_164 = arith.addf %add3A_160, %add3A_160 : vector<16xf32>
        %sub3A_165 = arith.subf %add3A_163, %add3A_164 : vector<16xf32>
        %le3A = arith.constant 4.000000e-02 : f32
        %le3A_166 = vector.broadcast %le3A : f32 to vector<16xf32>
        %le3A_167 = arith.cmpf ole, %sub3A_165, %le3A_166 : vector<16xf32>
        %masked_cumsum3A = tpu.scan <sum>, %broadcast_in_dim3A_113 masked %le3A_167 : vector<16xi32>, vector<16xi1> -> vector<16xi32>
        %add3A_168 = arith.addi %broadcast_in_dim3A_145, %masked_cumsum3A : vector<16xi32>
        %add3A_169 = vector.broadcast %mul3A_149 : i32 to vector<16xi32>
        %add3A_170 = arith.addi %iota3A, %add3A_169 : vector<16xi32>
        tpu.vector_store_idx %arg19[%add3A_168], %add3A_170 masked %le3A_167 : memref<320xi32, #tpu.memory_space<vmem>>[vector<16xi32>], vector<16xi32>, vector<16xi1>
        %all_reduce_population_count3A = tpu.all_reduce %le3A_167 {dim = 0 : i64, kind = #tpu.reduction_kind<sum>} : vector<16xi1> -> vector<16xi32>
        %add3A_171 = arith.addi %broadcast_in_dim3A_145, %all_reduce_population_count3A : vector<16xi32>
        %add3A_172 = arith.constant 1 : i32
        %add3A_173 = arith.addi %while3A_142, %add3A_172 : i32
        %mul3A_174 = arith.constant 16 : i32
        %mul3A_175 = arith.muli %add3A_173, %mul3A_174 : i32
        %get3A_176 = arith.index_cast %mul3A_175 : i32 to index
        %get3A_177 = tpu.vector_load %arg12[%get3A_176] {strides = array<i32>} : memref<4096xf32, #tpu.memory_space<vmem>>, vector<16xf32>,
        %mul3A_178 = arith.mulf %get3A_177, %bitcast3A_81 : vector<16xf32>
        %get3A_179 = arith.index_cast %mul3A_175 : i32 to index
        %get3A_180 = tpu.vector_load %arg13[%get3A_179] {strides = array<i32>} : memref<4096xf32, #tpu.memory_space<vmem>>, vector<16xf32>,
        %mul3A_181 = arith.mulf %get3A_180, %bitcast3A_96 : vector<16xf32>
        %add3A_182 = arith.addf %mul3A_178, %mul3A_181 : vector<16xf32>
        %get3A_183 = arith.index_cast %mul3A_175 : i32 to index
        %get3A_184 = tpu.vector_load %arg14[%get3A_183] {strides = array<i32>} : memref<4096xf32, #tpu.memory_space<vmem>>, vector<16xf32>,
        %mul3A_185 = arith.mulf %get3A_184, %bitcast3A_111 : vector<16xf32>
        %add3A_186 = arith.addf %add3A_182, %mul3A_185 : vector<16xf32>
        %get3A_187 = arith.index_cast %mul3A_175 : i32 to index
        %get3A_188 = tpu.vector_load %arg15[%get3A_187] {strides = array<i32>} : memref<4096xf32, #tpu.memory_space<vmem>>, vector<16xf32>,
        %add3A_189 = arith.addf %add3A_68, %get3A_188 : vector<16xf32>
        %add3A_190 = arith.addf %add3A_186, %add3A_186 : vector<16xf32>
        %sub3A_191 = arith.subf %add3A_189, %add3A_190 : vector<16xf32>
        %le3A_192 = arith.constant 4.000000e-02 : f32
        %le3A_193 = vector.broadcast %le3A_192 : f32 to vector<16xf32>
        %le3A_194 = arith.cmpf ole, %sub3A_191, %le3A_193 : vector<16xf32>
        %masked_cumsum3A_195 = tpu.scan <sum>, %broadcast_in_dim3A_113 masked %le3A_194 : vector<16xi32>, vector<16xi1> -> vector<16xi32>
        %add3A_196 = arith.addi %add3A_171, %masked_cumsum3A_195 : vector<16xi32>
        %add3A_197 = vector.broadcast %mul3A_175 : i32 to vector<16xi32>
        %add3A_198 = arith.addi %iota3A, %add3A_197 : vector<16xi32>
        tpu.vector_store_idx %arg19[%add3A_196], %add3A_198 masked %le3A_194 : memref<320xi32, #tpu.memory_space<vmem>>[vector<16xi32>], vector<16xi32>, vector<16xi1>
        %all_reduce_population_count3A_199 = tpu.all_reduce %le3A_194 {dim = 0 : i64, kind = #tpu.reduction_kind<sum>} : vector<16xi1> -> vector<16xi32>
        %add3A_200 = arith.addi %add3A_171, %all_reduce_population_count3A_199 : vector<16xi32>
        %add3A_201 = arith.constant 2 : i32
        %add3A_202 = arith.addi %while3A_142, %add3A_201 : i32
        %mul3A_203 = arith.constant 16 : i32
        %mul3A_204 = arith.muli %add3A_202, %mul3A_203 : i32
        %get3A_205 = arith.index_cast %mul3A_204 : i32 to index
        %get3A_206 = tpu.vector_load %arg12[%get3A_205] {strides = array<i32>} : memref<4096xf32, #tpu.memory_space<vmem>>, vector<16xf32>,
        %mul3A_207 = arith.mulf %get3A_206, %bitcast3A_81 : vector<16xf32>
        %get3A_208 = arith.index_cast %mul3A_204 : i32 to index
        %get3A_209 = tpu.vector_load %arg13[%get3A_208] {strides = array<i32>} : memref<4096xf32, #tpu.memory_space<vmem>>, vector<16xf32>,
        %mul3A_210 = arith.mulf %get3A_209, %bitcast3A_96 : vector<16xf32>
        %add3A_211 = arith.addf %mul3A_207, %mul3A_210 : vector<16xf32>
        %get3A_212 = arith.index_cast %mul3A_204 : i32 to index
        %get3A_213 = tpu.vector_load %arg14[%get3A_212] {strides = array<i32>} : memref<4096xf32, #tpu.memory_space<vmem>>, vector<16xf32>,
        %mul3A_214 = arith.mulf %get3A_213, %bitcast3A_111 : vector<16xf32>
        %add3A_215 = arith.addf %add3A_211, %mul3A_214 : vector<16xf32>
        %get3A_216 = arith.index_cast %mul3A_204 : i32 to index
        %get3A_217 = tpu.vector_load %arg15[%get3A_216] {strides = array<i32>} : memref<4096xf32, #tpu.memory_space<vmem>>, vector<16xf32>,
        %add3A_218 = arith.addf %add3A_68, %get3A_217 : vector<16xf32>
        %add3A_219 = arith.addf %add3A_215, %add3A_215 : vector<16xf32>
        %sub3A_220 = arith.subf %add3A_218, %add3A_219 : vector<16xf32>
        %le3A_221 = arith.constant 4.000000e-02 : f32
        %le3A_222 = vector.broadcast %le3A_221 : f32 to vector<16xf32>
        %le3A_223 = arith.cmpf ole, %sub3A_220, %le3A_222 : vector<16xf32>
        %masked_cumsum3A_224 = tpu.scan <sum>, %broadcast_in_dim3A_113 masked %le3A_223 : vector<16xi32>, vector<16xi1> -> vector<16xi32>
        %add3A_225 = arith.addi %add3A_200, %masked_cumsum3A_224 : vector<16xi32>
        %add3A_226 = vector.broadcast %mul3A_204 : i32 to vector<16xi32>
        %add3A_227 = arith.addi %iota3A, %add3A_226 : vector<16xi32>
        tpu.vector_store_idx %arg19[%add3A_225], %add3A_227 masked %le3A_223 : memref<320xi32, #tpu.memory_space<vmem>>[vector<16xi32>], vector<16xi32>, vector<16xi1>
        %all_reduce_population_count3A_228 = tpu.all_reduce %le3A_223 {dim = 0 : i64, kind = #tpu.reduction_kind<sum>} : vector<16xi1> -> vector<16xi32>
        %add3A_229 = arith.addi %add3A_200, %all_reduce_population_count3A_228 : vector<16xi32>
        %add3A_230 = arith.constant 3 : i32
        %add3A_231 = arith.addi %while3A_142, %add3A_230 : i32
        %mul3A_232 = arith.constant 16 : i32
        %mul3A_233 = arith.muli %add3A_231, %mul3A_232 : i32
        %get3A_234 = arith.index_cast %mul3A_233 : i32 to index
        %get3A_235 = tpu.vector_load %arg12[%get3A_234] {strides = array<i32>} : memref<4096xf32, #tpu.memory_space<vmem>>, vector<16xf32>,
        %mul3A_236 = arith.mulf %get3A_235, %bitcast3A_81 : vector<16xf32>
        %get3A_237 = arith.index_cast %mul3A_233 : i32 to index
        %get3A_238 = tpu.vector_load %arg13[%get3A_237] {strides = array<i32>} : memref<4096xf32, #tpu.memory_space<vmem>>, vector<16xf32>,
        %mul3A_239 = arith.mulf %get3A_238, %bitcast3A_96 : vector<16xf32>
        %add3A_240 = arith.addf %mul3A_236, %mul3A_239 : vector<16xf32>
        %get3A_241 = arith.index_cast %mul3A_233 : i32 to index
        %get3A_242 = tpu.vector_load %arg14[%get3A_241] {strides = array<i32>} : memref<4096xf32, #tpu.memory_space<vmem>>, vector<16xf32>,
        %mul3A_243 = arith.mulf %get3A_242, %bitcast3A_111 : vector<16xf32>
        %add3A_244 = arith.addf %add3A_240, %mul3A_243 : vector<16xf32>
        %get3A_245 = arith.index_cast %mul3A_233 : i32 to index
        %get3A_246 = tpu.vector_load %arg15[%get3A_245] {strides = array<i32>} : memref<4096xf32, #tpu.memory_space<vmem>>, vector<16xf32>,
        %add3A_247 = arith.addf %add3A_68, %get3A_246 : vector<16xf32>
        %add3A_248 = arith.addf %add3A_244, %add3A_244 : vector<16xf32>
        %sub3A_249 = arith.subf %add3A_247, %add3A_248 : vector<16xf32>
        %le3A_250 = arith.constant 4.000000e-02 : f32
        %le3A_251 = vector.broadcast %le3A_250 : f32 to vector<16xf32>
        %le3A_252 = arith.cmpf ole, %sub3A_249, %le3A_251 : vector<16xf32>
        %masked_cumsum3A_253 = tpu.scan <sum>, %broadcast_in_dim3A_113 masked %le3A_252 : vector<16xi32>, vector<16xi1> -> vector<16xi32>
        %add3A_254 = arith.addi %add3A_229, %masked_cumsum3A_253 : vector<16xi32>
        %add3A_255 = vector.broadcast %mul3A_233 : i32 to vector<16xi32>
        %add3A_256 = arith.addi %iota3A, %add3A_255 : vector<16xi32>
        tpu.vector_store_idx %arg19[%add3A_254], %add3A_256 masked %le3A_252 : memref<320xi32, #tpu.memory_space<vmem>>[vector<16xi32>], vector<16xi32>, vector<16xi1>
        %all_reduce_population_count3A_257 = tpu.all_reduce %le3A_252 {dim = 0 : i64, kind = #tpu.reduction_kind<sum>} : vector<16xi1> -> vector<16xi32>
        %add3A_258 = arith.addi %add3A_229, %all_reduce_population_count3A_257 : vector<16xi32>
        %add3A_259 = arith.constant 4 : i32
        %add3A_260 = arith.addi %while3A_142, %add3A_259 : i32
        %mul3A_261 = arith.constant 16 : i32
        %mul3A_262 = arith.muli %add3A_260, %mul3A_261 : i32
        %get3A_263 = arith.index_cast %mul3A_262 : i32 to index
        %get3A_264 = tpu.vector_load %arg12[%get3A_263] {strides = array<i32>} : memref<4096xf32, #tpu.memory_space<vmem>>, vector<16xf32>,
        %mul3A_265 = arith.mulf %get3A_264, %bitcast3A_81 : vector<16xf32>
        %get3A_266 = arith.index_cast %mul3A_262 : i32 to index
        %get3A_267 = tpu.vector_load %arg13[%get3A_266] {strides = array<i32>} : memref<4096xf32, #tpu.memory_space<vmem>>, vector<16xf32>,
        %mul3A_268 = arith.mulf %get3A_267, %bitcast3A_96 : vector<16xf32>
        %add3A_269 = arith.addf %mul3A_265, %mul3A_268 : vector<16xf32>
        %get3A_270 = arith.index_cast %mul3A_262 : i32 to index
        %get3A_271 = tpu.vector_load %arg14[%get3A_270] {strides = array<i32>} : memref<4096xf32, #tpu.memory_space<vmem>>, vector<16xf32>,
        %mul3A_272 = arith.mulf %get3A_271, %bitcast3A_111 : vector<16xf32>
        %add3A_273 = arith.addf %add3A_269, %mul3A_272 : vector<16xf32>
        %get3A_274 = arith.index_cast %mul3A_262 : i32 to index
        %get3A_275 = tpu.vector_load %arg15[%get3A_274] {strides = array<i32>} : memref<4096xf32, #tpu.memory_space<vmem>>, vector<16xf32>,
        %add3A_276 = arith.addf %add3A_68, %get3A_275 : vector<16xf32>
        %add3A_277 = arith.addf %add3A_273, %add3A_273 : vector<16xf32>
        %sub3A_278 = arith.subf %add3A_276, %add3A_277 : vector<16xf32>
        %le3A_279 = arith.constant 4.000000e-02 : f32
        %le3A_280 = vector.broadcast %le3A_279 : f32 to vector<16xf32>
        %le3A_281 = arith.cmpf ole, %sub3A_278, %le3A_280 : vector<16xf32>
        %masked_cumsum3A_282 = tpu.scan <sum>, %broadcast_in_dim3A_113 masked %le3A_281 : vector<16xi32>, vector<16xi1> -> vector<16xi32>
        %add3A_283 = arith.addi %add3A_258, %masked_cumsum3A_282 : vector<16xi32>
        %add3A_284 = vector.broadcast %mul3A_262 : i32 to vector<16xi32>
        %add3A_285 = arith.addi %iota3A, %add3A_284 : vector<16xi32>
        tpu.vector_store_idx %arg19[%add3A_283], %add3A_285 masked %le3A_281 : memref<320xi32, #tpu.memory_space<vmem>>[vector<16xi32>], vector<16xi32>, vector<16xi1>
        %all_reduce_population_count3A_286 = tpu.all_reduce %le3A_281 {dim = 0 : i64, kind = #tpu.reduction_kind<sum>} : vector<16xi1> -> vector<16xi32>
        %add3A_287 = arith.addi %add3A_258, %all_reduce_population_count3A_286 : vector<16xi32>
        %add3A_288 = arith.constant 5 : i32
        %add3A_289 = arith.addi %while3A_142, %add3A_288 : i32
        %mul3A_290 = arith.constant 16 : i32
        %mul3A_291 = arith.muli %add3A_289, %mul3A_290 : i32
        %get3A_292 = arith.index_cast %mul3A_291 : i32 to index
        %get3A_293 = tpu.vector_load %arg12[%get3A_292] {strides = array<i32>} : memref<4096xf32, #tpu.memory_space<vmem>>, vector<16xf32>,
        %mul3A_294 = arith.mulf %get3A_293, %bitcast3A_81 : vector<16xf32>
        %get3A_295 = arith.index_cast %mul3A_291 : i32 to index
        %get3A_296 = tpu.vector_load %arg13[%get3A_295] {strides = array<i32>} : memref<4096xf32, #tpu.memory_space<vmem>>, vector<16xf32>,
        %mul3A_297 = arith.mulf %get3A_296, %bitcast3A_96 : vector<16xf32>
        %add3A_298 = arith.addf %mul3A_294, %mul3A_297 : vector<16xf32>
        %get3A_299 = arith.index_cast %mul3A_291 : i32 to index
        %get3A_300 = tpu.vector_load %arg14[%get3A_299] {strides = array<i32>} : memref<4096xf32, #tpu.memory_space<vmem>>, vector<16xf32>,
        %mul3A_301 = arith.mulf %get3A_300, %bitcast3A_111 : vector<16xf32>
        %add3A_302 = arith.addf %add3A_298, %mul3A_301 : vector<16xf32>
        %get3A_303 = arith.index_cast %mul3A_291 : i32 to index
        %get3A_304 = tpu.vector_load %arg15[%get3A_303] {strides = array<i32>} : memref<4096xf32, #tpu.memory_space<vmem>>, vector<16xf32>,
        %add3A_305 = arith.addf %add3A_68, %get3A_304 : vector<16xf32>
        %add3A_306 = arith.addf %add3A_302, %add3A_302 : vector<16xf32>
        %sub3A_307 = arith.subf %add3A_305, %add3A_306 : vector<16xf32>
        %le3A_308 = arith.constant 4.000000e-02 : f32
        %le3A_309 = vector.broadcast %le3A_308 : f32 to vector<16xf32>
        %le3A_310 = arith.cmpf ole, %sub3A_307, %le3A_309 : vector<16xf32>
        %masked_cumsum3A_311 = tpu.scan <sum>, %broadcast_in_dim3A_113 masked %le3A_310 : vector<16xi32>, vector<16xi1> -> vector<16xi32>
        %add3A_312 = arith.addi %add3A_287, %masked_cumsum3A_311 : vector<16xi32>
        %add3A_313 = vector.broadcast %mul3A_291 : i32 to vector<16xi32>
        %add3A_314 = arith.addi %iota3A, %add3A_313 : vector<16xi32>
        tpu.vector_store_idx %arg19[%add3A_312], %add3A_314 masked %le3A_310 : memref<320xi32, #tpu.memory_space<vmem>>[vector<16xi32>], vector<16xi32>, vector<16xi1>
        %all_reduce_population_count3A_315 = tpu.all_reduce %le3A_310 {dim = 0 : i64, kind = #tpu.reduction_kind<sum>} : vector<16xi1> -> vector<16xi32>
        %add3A_316 = arith.addi %add3A_287, %all_reduce_population_count3A_315 : vector<16xi32>
        %add3A_317 = arith.constant 6 : i32
        %add3A_318 = arith.addi %while3A_142, %add3A_317 : i32
        %mul3A_319 = arith.constant 16 : i32
        %mul3A_320 = arith.muli %add3A_318, %mul3A_319 : i32
        %get3A_321 = arith.index_cast %mul3A_320 : i32 to index
        %get3A_322 = tpu.vector_load %arg12[%get3A_321] {strides = array<i32>} : memref<4096xf32, #tpu.memory_space<vmem>>, vector<16xf32>,
        %mul3A_323 = arith.mulf %get3A_322, %bitcast3A_81 : vector<16xf32>
        %get3A_324 = arith.index_cast %mul3A_320 : i32 to index
        %get3A_325 = tpu.vector_load %arg13[%get3A_324] {strides = array<i32>} : memref<4096xf32, #tpu.memory_space<vmem>>, vector<16xf32>,
        %mul3A_326 = arith.mulf %get3A_325, %bitcast3A_96 : vector<16xf32>
        %add3A_327 = arith.addf %mul3A_323, %mul3A_326 : vector<16xf32>
        %get3A_328 = arith.index_cast %mul3A_320 : i32 to index
        %get3A_329 = tpu.vector_load %arg14[%get3A_328] {strides = array<i32>} : memref<4096xf32, #tpu.memory_space<vmem>>, vector<16xf32>,
        %mul3A_330 = arith.mulf %get3A_329, %bitcast3A_111 : vector<16xf32>
        %add3A_331 = arith.addf %add3A_327, %mul3A_330 : vector<16xf32>
        %get3A_332 = arith.index_cast %mul3A_320 : i32 to index
        %get3A_333 = tpu.vector_load %arg15[%get3A_332] {strides = array<i32>} : memref<4096xf32, #tpu.memory_space<vmem>>, vector<16xf32>,
        %add3A_334 = arith.addf %add3A_68, %get3A_333 : vector<16xf32>
        %add3A_335 = arith.addf %add3A_331, %add3A_331 : vector<16xf32>
        %sub3A_336 = arith.subf %add3A_334, %add3A_335 : vector<16xf32>
        %le3A_337 = arith.constant 4.000000e-02 : f32
        %le3A_338 = vector.broadcast %le3A_337 : f32 to vector<16xf32>
        %le3A_339 = arith.cmpf ole, %sub3A_336, %le3A_338 : vector<16xf32>
        %masked_cumsum3A_340 = tpu.scan <sum>, %broadcast_in_dim3A_113 masked %le3A_339 : vector<16xi32>, vector<16xi1> -> vector<16xi32>
        %add3A_341 = arith.addi %add3A_316, %masked_cumsum3A_340 : vector<16xi32>
        %add3A_342 = vector.broadcast %mul3A_320 : i32 to vector<16xi32>
        %add3A_343 = arith.addi %iota3A, %add3A_342 : vector<16xi32>
        tpu.vector_store_idx %arg19[%add3A_341], %add3A_343 masked %le3A_339 : memref<320xi32, #tpu.memory_space<vmem>>[vector<16xi32>], vector<16xi32>, vector<16xi1>
        %all_reduce_population_count3A_344 = tpu.all_reduce %le3A_339 {dim = 0 : i64, kind = #tpu.reduction_kind<sum>} : vector<16xi1> -> vector<16xi32>
        %add3A_345 = arith.addi %add3A_316, %all_reduce_population_count3A_344 : vector<16xi32>
        %add3A_346 = arith.constant 7 : i32
        %add3A_347 = arith.addi %while3A_142, %add3A_346 : i32
        %mul3A_348 = arith.constant 16 : i32
        %mul3A_349 = arith.muli %add3A_347, %mul3A_348 : i32
        %get3A_350 = arith.index_cast %mul3A_349 : i32 to index
        %get3A_351 = tpu.vector_load %arg12[%get3A_350] {strides = array<i32>} : memref<4096xf32, #tpu.memory_space<vmem>>, vector<16xf32>,
        %mul3A_352 = arith.mulf %get3A_351, %bitcast3A_81 : vector<16xf32>
        %get3A_353 = arith.index_cast %mul3A_349 : i32 to index
        %get3A_354 = tpu.vector_load %arg13[%get3A_353] {strides = array<i32>} : memref<4096xf32, #tpu.memory_space<vmem>>, vector<16xf32>,
        %mul3A_355 = arith.mulf %get3A_354, %bitcast3A_96 : vector<16xf32>
        %add3A_356 = arith.addf %mul3A_352, %mul3A_355 : vector<16xf32>
        %get3A_357 = arith.index_cast %mul3A_349 : i32 to index
        %get3A_358 = tpu.vector_load %arg14[%get3A_357] {strides = array<i32>} : memref<4096xf32, #tpu.memory_space<vmem>>, vector<16xf32>,
        %mul3A_359 = arith.mulf %get3A_358, %bitcast3A_111 : vector<16xf32>
        %add3A_360 = arith.addf %add3A_356, %mul3A_359 : vector<16xf32>
        %get3A_361 = arith.index_cast %mul3A_349 : i32 to index
        %get3A_362 = tpu.vector_load %arg15[%get3A_361] {strides = array<i32>} : memref<4096xf32, #tpu.memory_space<vmem>>, vector<16xf32>,
        %add3A_363 = arith.addf %add3A_68, %get3A_362 : vector<16xf32>
        %add3A_364 = arith.addf %add3A_360, %add3A_360 : vector<16xf32>
        %sub3A_365 = arith.subf %add3A_363, %add3A_364 : vector<16xf32>
        %le3A_366 = arith.constant 4.000000e-02 : f32
        %le3A_367 = vector.broadcast %le3A_366 : f32 to vector<16xf32>
        %le3A_368 = arith.cmpf ole, %sub3A_365, %le3A_367 : vector<16xf32>
        %masked_cumsum3A_369 = tpu.scan <sum>, %broadcast_in_dim3A_113 masked %le3A_368 : vector<16xi32>, vector<16xi1> -> vector<16xi32>
        %add3A_370 = arith.addi %add3A_345, %masked_cumsum3A_369 : vector<16xi32>
        %add3A_371 = vector.broadcast %mul3A_349 : i32 to vector<16xi32>
        %add3A_372 = arith.addi %iota3A, %add3A_371 : vector<16xi32>
        tpu.vector_store_idx %arg19[%add3A_370], %add3A_372 masked %le3A_368 : memref<320xi32, #tpu.memory_space<vmem>>[vector<16xi32>], vector<16xi32>, vector<16xi1>
        %all_reduce_population_count3A_373 = tpu.all_reduce %le3A_368 {dim = 0 : i64, kind = #tpu.reduction_kind<sum>} : vector<16xi1> -> vector<16xi32>
        %add3A_374 = arith.addi %add3A_345, %all_reduce_population_count3A_373 : vector<16xi32>
        %add3A_375 = arith.constant 8 : i32
        %add3A_376 = arith.addi %while3A_142, %add3A_375 : i32
        %mul3A_377 = arith.constant 16 : i32
        %mul3A_378 = arith.muli %add3A_376, %mul3A_377 : i32
        %get3A_379 = arith.index_cast %mul3A_378 : i32 to index
        %get3A_380 = tpu.vector_load %arg12[%get3A_379] {strides = array<i32>} : memref<4096xf32, #tpu.memory_space<vmem>>, vector<16xf32>,
        %mul3A_381 = arith.mulf %get3A_380, %bitcast3A_81 : vector<16xf32>
        %get3A_382 = arith.index_cast %mul3A_378 : i32 to index
        %get3A_383 = tpu.vector_load %arg13[%get3A_382] {strides = array<i32>} : memref<4096xf32, #tpu.memory_space<vmem>>, vector<16xf32>,
        %mul3A_384 = arith.mulf %get3A_383, %bitcast3A_96 : vector<16xf32>
        %add3A_385 = arith.addf %mul3A_381, %mul3A_384 : vector<16xf32>
        %get3A_386 = arith.index_cast %mul3A_378 : i32 to index
        %get3A_387 = tpu.vector_load %arg14[%get3A_386] {strides = array<i32>} : memref<4096xf32, #tpu.memory_space<vmem>>, vector<16xf32>,
        %mul3A_388 = arith.mulf %get3A_387, %bitcast3A_111 : vector<16xf32>
        %add3A_389 = arith.addf %add3A_385, %mul3A_388 : vector<16xf32>
        %get3A_390 = arith.index_cast %mul3A_378 : i32 to index
        %get3A_391 = tpu.vector_load %arg15[%get3A_390] {strides = array<i32>} : memref<4096xf32, #tpu.memory_space<vmem>>, vector<16xf32>,
        %add3A_392 = arith.addf %add3A_68, %get3A_391 : vector<16xf32>
        %add3A_393 = arith.addf %add3A_389, %add3A_389 : vector<16xf32>
        %sub3A_394 = arith.subf %add3A_392, %add3A_393 : vector<16xf32>
        %le3A_395 = arith.constant 4.000000e-02 : f32
        %le3A_396 = vector.broadcast %le3A_395 : f32 to vector<16xf32>
        %le3A_397 = arith.cmpf ole, %sub3A_394, %le3A_396 : vector<16xf32>
        %masked_cumsum3A_398 = tpu.scan <sum>, %broadcast_in_dim3A_113 masked %le3A_397 : vector<16xi32>, vector<16xi1> -> vector<16xi32>
        %add3A_399 = arith.addi %add3A_374, %masked_cumsum3A_398 : vector<16xi32>
        %add3A_400 = vector.broadcast %mul3A_378 : i32 to vector<16xi32>
        %add3A_401 = arith.addi %iota3A, %add3A_400 : vector<16xi32>
        tpu.vector_store_idx %arg19[%add3A_399], %add3A_401 masked %le3A_397 : memref<320xi32, #tpu.memory_space<vmem>>[vector<16xi32>], vector<16xi32>, vector<16xi1>
        %all_reduce_population_count3A_402 = tpu.all_reduce %le3A_397 {dim = 0 : i64, kind = #tpu.reduction_kind<sum>} : vector<16xi1> -> vector<16xi32>
        %add3A_403 = arith.addi %add3A_374, %all_reduce_population_count3A_402 : vector<16xi32>
        %add3A_404 = arith.constant 9 : i32
        %add3A_405 = arith.addi %while3A_142, %add3A_404 : i32
        %mul3A_406 = arith.constant 16 : i32
        %mul3A_407 = arith.muli %add3A_405, %mul3A_406 : i32
        %get3A_408 = arith.index_cast %mul3A_407 : i32 to index
        %get3A_409 = tpu.vector_load %arg12[%get3A_408] {strides = array<i32>} : memref<4096xf32, #tpu.memory_space<vmem>>, vector<16xf32>,
        %mul3A_410 = arith.mulf %get3A_409, %bitcast3A_81 : vector<16xf32>
        %get3A_411 = arith.index_cast %mul3A_407 : i32 to index
        %get3A_412 = tpu.vector_load %arg13[%get3A_411] {strides = array<i32>} : memref<4096xf32, #tpu.memory_space<vmem>>, vector<16xf32>,
        %mul3A_413 = arith.mulf %get3A_412, %bitcast3A_96 : vector<16xf32>
        %add3A_414 = arith.addf %mul3A_410, %mul3A_413 : vector<16xf32>
        %get3A_415 = arith.index_cast %mul3A_407 : i32 to index
        %get3A_416 = tpu.vector_load %arg14[%get3A_415] {strides = array<i32>} : memref<4096xf32, #tpu.memory_space<vmem>>, vector<16xf32>,
        %mul3A_417 = arith.mulf %get3A_416, %bitcast3A_111 : vector<16xf32>
        %add3A_418 = arith.addf %add3A_414, %mul3A_417 : vector<16xf32>
        %get3A_419 = arith.index_cast %mul3A_407 : i32 to index
        %get3A_420 = tpu.vector_load %arg15[%get3A_419] {strides = array<i32>} : memref<4096xf32, #tpu.memory_space<vmem>>, vector<16xf32>,
        %add3A_421 = arith.addf %add3A_68, %get3A_420 : vector<16xf32>
        %add3A_422 = arith.addf %add3A_418, %add3A_418 : vector<16xf32>
        %sub3A_423 = arith.subf %add3A_421, %add3A_422 : vector<16xf32>
        %le3A_424 = arith.constant 4.000000e-02 : f32
        %le3A_425 = vector.broadcast %le3A_424 : f32 to vector<16xf32>
        %le3A_426 = arith.cmpf ole, %sub3A_423, %le3A_425 : vector<16xf32>
        %masked_cumsum3A_427 = tpu.scan <sum>, %broadcast_in_dim3A_113 masked %le3A_426 : vector<16xi32>, vector<16xi1> -> vector<16xi32>
        %add3A_428 = arith.addi %add3A_403, %masked_cumsum3A_427 : vector<16xi32>
        %add3A_429 = vector.broadcast %mul3A_407 : i32 to vector<16xi32>
        %add3A_430 = arith.addi %iota3A, %add3A_429 : vector<16xi32>
        tpu.vector_store_idx %arg19[%add3A_428], %add3A_430 masked %le3A_426 : memref<320xi32, #tpu.memory_space<vmem>>[vector<16xi32>], vector<16xi32>, vector<16xi1>
        %all_reduce_population_count3A_431 = tpu.all_reduce %le3A_426 {dim = 0 : i64, kind = #tpu.reduction_kind<sum>} : vector<16xi1> -> vector<16xi32>
        %add3A_432 = arith.addi %add3A_403, %all_reduce_population_count3A_431 : vector<16xi32>
        %add3A_433 = arith.constant 10 : i32
        %add3A_434 = arith.addi %while3A_142, %add3A_433 : i32
        %mul3A_435 = arith.constant 16 : i32
        %mul3A_436 = arith.muli %add3A_434, %mul3A_435 : i32
        %get3A_437 = arith.index_cast %mul3A_436 : i32 to index
        %get3A_438 = tpu.vector_load %arg12[%get3A_437] {strides = array<i32>} : memref<4096xf32, #tpu.memory_space<vmem>>, vector<16xf32>,
        %mul3A_439 = arith.mulf %get3A_438, %bitcast3A_81 : vector<16xf32>
        %get3A_440 = arith.index_cast %mul3A_436 : i32 to index
        %get3A_441 = tpu.vector_load %arg13[%get3A_440] {strides = array<i32>} : memref<4096xf32, #tpu.memory_space<vmem>>, vector<16xf32>,
        %mul3A_442 = arith.mulf %get3A_441, %bitcast3A_96 : vector<16xf32>
        %add3A_443 = arith.addf %mul3A_439, %mul3A_442 : vector<16xf32>
        %get3A_444 = arith.index_cast %mul3A_436 : i32 to index
        %get3A_445 = tpu.vector_load %arg14[%get3A_444] {strides = array<i32>} : memref<4096xf32, #tpu.memory_space<vmem>>, vector<16xf32>,
        %mul3A_446 = arith.mulf %get3A_445, %bitcast3A_111 : vector<16xf32>
        %add3A_447 = arith.addf %add3A_443, %mul3A_446 : vector<16xf32>
        %get3A_448 = arith.index_cast %mul3A_436 : i32 to index
        %get3A_449 = tpu.vector_load %arg15[%get3A_448] {strides = array<i32>} : memref<4096xf32, #tpu.memory_space<vmem>>, vector<16xf32>,
        %add3A_450 = arith.addf %add3A_68, %get3A_449 : vector<16xf32>
        %add3A_451 = arith.addf %add3A_447, %add3A_447 : vector<16xf32>
        %sub3A_452 = arith.subf %add3A_450, %add3A_451 : vector<16xf32>
        %le3A_453 = arith.constant 4.000000e-02 : f32
        %le3A_454 = vector.broadcast %le3A_453 : f32 to vector<16xf32>
        %le3A_455 = arith.cmpf ole, %sub3A_452, %le3A_454 : vector<16xf32>
        %masked_cumsum3A_456 = tpu.scan <sum>, %broadcast_in_dim3A_113 masked %le3A_455 : vector<16xi32>, vector<16xi1> -> vector<16xi32>
        %add3A_457 = arith.addi %add3A_432, %masked_cumsum3A_456 : vector<16xi32>
        %add3A_458 = vector.broadcast %mul3A_436 : i32 to vector<16xi32>
        %add3A_459 = arith.addi %iota3A, %add3A_458 : vector<16xi32>
        tpu.vector_store_idx %arg19[%add3A_457], %add3A_459 masked %le3A_455 : memref<320xi32, #tpu.memory_space<vmem>>[vector<16xi32>], vector<16xi32>, vector<16xi1>
        %all_reduce_population_count3A_460 = tpu.all_reduce %le3A_455 {dim = 0 : i64, kind = #tpu.reduction_kind<sum>} : vector<16xi1> -> vector<16xi32>
        %add3A_461 = arith.addi %add3A_432, %all_reduce_population_count3A_460 : vector<16xi32>
        %add3A_462 = arith.constant 11 : i32
        %add3A_463 = arith.addi %while3A_142, %add3A_462 : i32
        %mul3A_464 = arith.constant 16 : i32
        %mul3A_465 = arith.muli %add3A_463, %mul3A_464 : i32
        %get3A_466 = arith.index_cast %mul3A_465 : i32 to index
        %get3A_467 = tpu.vector_load %arg12[%get3A_466] {strides = array<i32>} : memref<4096xf32, #tpu.memory_space<vmem>>, vector<16xf32>,
        %mul3A_468 = arith.mulf %get3A_467, %bitcast3A_81 : vector<16xf32>
        %get3A_469 = arith.index_cast %mul3A_465 : i32 to index
        %get3A_470 = tpu.vector_load %arg13[%get3A_469] {strides = array<i32>} : memref<4096xf32, #tpu.memory_space<vmem>>, vector<16xf32>,
        %mul3A_471 = arith.mulf %get3A_470, %bitcast3A_96 : vector<16xf32>
        %add3A_472 = arith.addf %mul3A_468, %mul3A_471 : vector<16xf32>
        %get3A_473 = arith.index_cast %mul3A_465 : i32 to index
        %get3A_474 = tpu.vector_load %arg14[%get3A_473] {strides = array<i32>} : memref<4096xf32, #tpu.memory_space<vmem>>, vector<16xf32>,
        %mul3A_475 = arith.mulf %get3A_474, %bitcast3A_111 : vector<16xf32>
        %add3A_476 = arith.addf %add3A_472, %mul3A_475 : vector<16xf32>
        %get3A_477 = arith.index_cast %mul3A_465 : i32 to index
        %get3A_478 = tpu.vector_load %arg15[%get3A_477] {strides = array<i32>} : memref<4096xf32, #tpu.memory_space<vmem>>, vector<16xf32>,
        %add3A_479 = arith.addf %add3A_68, %get3A_478 : vector<16xf32>
        %add3A_480 = arith.addf %add3A_476, %add3A_476 : vector<16xf32>
        %sub3A_481 = arith.subf %add3A_479, %add3A_480 : vector<16xf32>
        %le3A_482 = arith.constant 4.000000e-02 : f32
        %le3A_483 = vector.broadcast %le3A_482 : f32 to vector<16xf32>
        %le3A_484 = arith.cmpf ole, %sub3A_481, %le3A_483 : vector<16xf32>
        %masked_cumsum3A_485 = tpu.scan <sum>, %broadcast_in_dim3A_113 masked %le3A_484 : vector<16xi32>, vector<16xi1> -> vector<16xi32>
        %add3A_486 = arith.addi %add3A_461, %masked_cumsum3A_485 : vector<16xi32>
        %add3A_487 = vector.broadcast %mul3A_465 : i32 to vector<16xi32>
        %add3A_488 = arith.addi %iota3A, %add3A_487 : vector<16xi32>
        tpu.vector_store_idx %arg19[%add3A_486], %add3A_488 masked %le3A_484 : memref<320xi32, #tpu.memory_space<vmem>>[vector<16xi32>], vector<16xi32>, vector<16xi1>
        %all_reduce_population_count3A_489 = tpu.all_reduce %le3A_484 {dim = 0 : i64, kind = #tpu.reduction_kind<sum>} : vector<16xi1> -> vector<16xi32>
        %add3A_490 = arith.addi %add3A_461, %all_reduce_population_count3A_489 : vector<16xi32>
        %add3A_491 = arith.constant 12 : i32
        %add3A_492 = arith.addi %while3A_142, %add3A_491 : i32
        %mul3A_493 = arith.constant 16 : i32
        %mul3A_494 = arith.muli %add3A_492, %mul3A_493 : i32
        %get3A_495 = arith.index_cast %mul3A_494 : i32 to index
        %get3A_496 = tpu.vector_load %arg12[%get3A_495] {strides = array<i32>} : memref<4096xf32, #tpu.memory_space<vmem>>, vector<16xf32>,
        %mul3A_497 = arith.mulf %get3A_496, %bitcast3A_81 : vector<16xf32>
        %get3A_498 = arith.index_cast %mul3A_494 : i32 to index
        %get3A_499 = tpu.vector_load %arg13[%get3A_498] {strides = array<i32>} : memref<4096xf32, #tpu.memory_space<vmem>>, vector<16xf32>,
        %mul3A_500 = arith.mulf %get3A_499, %bitcast3A_96 : vector<16xf32>
        %add3A_501 = arith.addf %mul3A_497, %mul3A_500 : vector<16xf32>
        %get3A_502 = arith.index_cast %mul3A_494 : i32 to index
        %get3A_503 = tpu.vector_load %arg14[%get3A_502] {strides = array<i32>} : memref<4096xf32, #tpu.memory_space<vmem>>, vector<16xf32>,
        %mul3A_504 = arith.mulf %get3A_503, %bitcast3A_111 : vector<16xf32>
        %add3A_505 = arith.addf %add3A_501, %mul3A_504 : vector<16xf32>
        %get3A_506 = arith.index_cast %mul3A_494 : i32 to index
        %get3A_507 = tpu.vector_load %arg15[%get3A_506] {strides = array<i32>} : memref<4096xf32, #tpu.memory_space<vmem>>, vector<16xf32>,
        %add3A_508 = arith.addf %add3A_68, %get3A_507 : vector<16xf32>
        %add3A_509 = arith.addf %add3A_505, %add3A_505 : vector<16xf32>
        %sub3A_510 = arith.subf %add3A_508, %add3A_509 : vector<16xf32>
        %le3A_511 = arith.constant 4.000000e-02 : f32
        %le3A_512 = vector.broadcast %le3A_511 : f32 to vector<16xf32>
        %le3A_513 = arith.cmpf ole, %sub3A_510, %le3A_512 : vector<16xf32>
        %masked_cumsum3A_514 = tpu.scan <sum>, %broadcast_in_dim3A_113 masked %le3A_513 : vector<16xi32>, vector<16xi1> -> vector<16xi32>
        %add3A_515 = arith.addi %add3A_490, %masked_cumsum3A_514 : vector<16xi32>
        %add3A_516 = vector.broadcast %mul3A_494 : i32 to vector<16xi32>
        %add3A_517 = arith.addi %iota3A, %add3A_516 : vector<16xi32>
        tpu.vector_store_idx %arg19[%add3A_515], %add3A_517 masked %le3A_513 : memref<320xi32, #tpu.memory_space<vmem>>[vector<16xi32>], vector<16xi32>, vector<16xi1>
        %all_reduce_population_count3A_518 = tpu.all_reduce %le3A_513 {dim = 0 : i64, kind = #tpu.reduction_kind<sum>} : vector<16xi1> -> vector<16xi32>
        %add3A_519 = arith.addi %add3A_490, %all_reduce_population_count3A_518 : vector<16xi32>
        %add3A_520 = arith.constant 13 : i32
        %add3A_521 = arith.addi %while3A_142, %add3A_520 : i32
        %mul3A_522 = arith.constant 16 : i32
        %mul3A_523 = arith.muli %add3A_521, %mul3A_522 : i32
        %get3A_524 = arith.index_cast %mul3A_523 : i32 to index
        %get3A_525 = tpu.vector_load %arg12[%get3A_524] {strides = array<i32>} : memref<4096xf32, #tpu.memory_space<vmem>>, vector<16xf32>,
        %mul3A_526 = arith.mulf %get3A_525, %bitcast3A_81 : vector<16xf32>
        %get3A_527 = arith.index_cast %mul3A_523 : i32 to index
        %get3A_528 = tpu.vector_load %arg13[%get3A_527] {strides = array<i32>} : memref<4096xf32, #tpu.memory_space<vmem>>, vector<16xf32>,
        %mul3A_529 = arith.mulf %get3A_528, %bitcast3A_96 : vector<16xf32>
        %add3A_530 = arith.addf %mul3A_526, %mul3A_529 : vector<16xf32>
        %get3A_531 = arith.index_cast %mul3A_523 : i32 to index
        %get3A_532 = tpu.vector_load %arg14[%get3A_531] {strides = array<i32>} : memref<4096xf32, #tpu.memory_space<vmem>>, vector<16xf32>,
        %mul3A_533 = arith.mulf %get3A_532, %bitcast3A_111 : vector<16xf32>
        %add3A_534 = arith.addf %add3A_530, %mul3A_533 : vector<16xf32>
        %get3A_535 = arith.index_cast %mul3A_523 : i32 to index
        %get3A_536 = tpu.vector_load %arg15[%get3A_535] {strides = array<i32>} : memref<4096xf32, #tpu.memory_space<vmem>>, vector<16xf32>,
        %add3A_537 = arith.addf %add3A_68, %get3A_536 : vector<16xf32>
        %add3A_538 = arith.addf %add3A_534, %add3A_534 : vector<16xf32>
        %sub3A_539 = arith.subf %add3A_537, %add3A_538 : vector<16xf32>
        %le3A_540 = arith.constant 4.000000e-02 : f32
        %le3A_541 = vector.broadcast %le3A_540 : f32 to vector<16xf32>
        %le3A_542 = arith.cmpf ole, %sub3A_539, %le3A_541 : vector<16xf32>
        %masked_cumsum3A_543 = tpu.scan <sum>, %broadcast_in_dim3A_113 masked %le3A_542 : vector<16xi32>, vector<16xi1> -> vector<16xi32>
        %add3A_544 = arith.addi %add3A_519, %masked_cumsum3A_543 : vector<16xi32>
        %add3A_545 = vector.broadcast %mul3A_523 : i32 to vector<16xi32>
        %add3A_546 = arith.addi %iota3A, %add3A_545 : vector<16xi32>
        tpu.vector_store_idx %arg19[%add3A_544], %add3A_546 masked %le3A_542 : memref<320xi32, #tpu.memory_space<vmem>>[vector<16xi32>], vector<16xi32>, vector<16xi1>
        %all_reduce_population_count3A_547 = tpu.all_reduce %le3A_542 {dim = 0 : i64, kind = #tpu.reduction_kind<sum>} : vector<16xi1> -> vector<16xi32>
        %add3A_548 = arith.addi %add3A_519, %all_reduce_population_count3A_547 : vector<16xi32>
        %add3A_549 = arith.constant 14 : i32
        %add3A_550 = arith.addi %while3A_142, %add3A_549 : i32
        %mul3A_551 = arith.constant 16 : i32
        %mul3A_552 = arith.muli %add3A_550, %mul3A_551 : i32
        %get3A_553 = arith.index_cast %mul3A_552 : i32 to index
        %get3A_554 = tpu.vector_load %arg12[%get3A_553] {strides = array<i32>} : memref<4096xf32, #tpu.memory_space<vmem>>, vector<16xf32>,
        %mul3A_555 = arith.mulf %get3A_554, %bitcast3A_81 : vector<16xf32>
        %get3A_556 = arith.index_cast %mul3A_552 : i32 to index
        %get3A_557 = tpu.vector_load %arg13[%get3A_556] {strides = array<i32>} : memref<4096xf32, #tpu.memory_space<vmem>>, vector<16xf32>,
        %mul3A_558 = arith.mulf %get3A_557, %bitcast3A_96 : vector<16xf32>
        %add3A_559 = arith.addf %mul3A_555, %mul3A_558 : vector<16xf32>
        %get3A_560 = arith.index_cast %mul3A_552 : i32 to index
        %get3A_561 = tpu.vector_load %arg14[%get3A_560] {strides = array<i32>} : memref<4096xf32, #tpu.memory_space<vmem>>, vector<16xf32>,
        %mul3A_562 = arith.mulf %get3A_561, %bitcast3A_111 : vector<16xf32>
        %add3A_563 = arith.addf %add3A_559, %mul3A_562 : vector<16xf32>
        %get3A_564 = arith.index_cast %mul3A_552 : i32 to index
        %get3A_565 = tpu.vector_load %arg15[%get3A_564] {strides = array<i32>} : memref<4096xf32, #tpu.memory_space<vmem>>, vector<16xf32>,
        %add3A_566 = arith.addf %add3A_68, %get3A_565 : vector<16xf32>
        %add3A_567 = arith.addf %add3A_563, %add3A_563 : vector<16xf32>
        %sub3A_568 = arith.subf %add3A_566, %add3A_567 : vector<16xf32>
        %le3A_569 = arith.constant 4.000000e-02 : f32
        %le3A_570 = vector.broadcast %le3A_569 : f32 to vector<16xf32>
        %le3A_571 = arith.cmpf ole, %sub3A_568, %le3A_570 : vector<16xf32>
        %masked_cumsum3A_572 = tpu.scan <sum>, %broadcast_in_dim3A_113 masked %le3A_571 : vector<16xi32>, vector<16xi1> -> vector<16xi32>
        %add3A_573 = arith.addi %add3A_548, %masked_cumsum3A_572 : vector<16xi32>
        %add3A_574 = vector.broadcast %mul3A_552 : i32 to vector<16xi32>
        %add3A_575 = arith.addi %iota3A, %add3A_574 : vector<16xi32>
        tpu.vector_store_idx %arg19[%add3A_573], %add3A_575 masked %le3A_571 : memref<320xi32, #tpu.memory_space<vmem>>[vector<16xi32>], vector<16xi32>, vector<16xi1>
        %all_reduce_population_count3A_576 = tpu.all_reduce %le3A_571 {dim = 0 : i64, kind = #tpu.reduction_kind<sum>} : vector<16xi1> -> vector<16xi32>
        %add3A_577 = arith.addi %add3A_548, %all_reduce_population_count3A_576 : vector<16xi32>
        %add3A_578 = arith.constant 15 : i32
        %add3A_579 = arith.addi %while3A_142, %add3A_578 : i32
        %mul3A_580 = arith.constant 16 : i32
        %mul3A_581 = arith.muli %add3A_579, %mul3A_580 : i32
        %get3A_582 = arith.index_cast %mul3A_581 : i32 to index
        %get3A_583 = tpu.vector_load %arg12[%get3A_582] {strides = array<i32>} : memref<4096xf32, #tpu.memory_space<vmem>>, vector<16xf32>,
        %mul3A_584 = arith.mulf %get3A_583, %bitcast3A_81 : vector<16xf32>
        %get3A_585 = arith.index_cast %mul3A_581 : i32 to index
        %get3A_586 = tpu.vector_load %arg13[%get3A_585] {strides = array<i32>} : memref<4096xf32, #tpu.memory_space<vmem>>, vector<16xf32>,
        %mul3A_587 = arith.mulf %get3A_586, %bitcast3A_96 : vector<16xf32>
        %add3A_588 = arith.addf %mul3A_584, %mul3A_587 : vector<16xf32>
        %get3A_589 = arith.index_cast %mul3A_581 : i32 to index
        %get3A_590 = tpu.vector_load %arg14[%get3A_589] {strides = array<i32>} : memref<4096xf32, #tpu.memory_space<vmem>>, vector<16xf32>,
        %mul3A_591 = arith.mulf %get3A_590, %bitcast3A_111 : vector<16xf32>
        %add3A_592 = arith.addf %add3A_588, %mul3A_591 : vector<16xf32>
        %get3A_593 = arith.index_cast %mul3A_581 : i32 to index
        %get3A_594 = tpu.vector_load %arg15[%get3A_593] {strides = array<i32>} : memref<4096xf32, #tpu.memory_space<vmem>>, vector<16xf32>,
        %add3A_595 = arith.addf %add3A_68, %get3A_594 : vector<16xf32>
        %add3A_596 = arith.addf %add3A_592, %add3A_592 : vector<16xf32>
        %sub3A_597 = arith.subf %add3A_595, %add3A_596 : vector<16xf32>
        %le3A_598 = arith.constant 4.000000e-02 : f32
        %le3A_599 = vector.broadcast %le3A_598 : f32 to vector<16xf32>
        %le3A_600 = arith.cmpf ole, %sub3A_597, %le3A_599 : vector<16xf32>
        %masked_cumsum3A_601 = tpu.scan <sum>, %broadcast_in_dim3A_113 masked %le3A_600 : vector<16xi32>, vector<16xi1> -> vector<16xi32>
        %add3A_602 = arith.addi %add3A_577, %masked_cumsum3A_601 : vector<16xi32>
        %add3A_603 = vector.broadcast %mul3A_581 : i32 to vector<16xi32>
        %add3A_604 = arith.addi %iota3A, %add3A_603 : vector<16xi32>
        tpu.vector_store_idx %arg19[%add3A_602], %add3A_604 masked %le3A_600 : memref<320xi32, #tpu.memory_space<vmem>>[vector<16xi32>], vector<16xi32>, vector<16xi1>
        %all_reduce_population_count3A_605 = tpu.all_reduce %le3A_600 {dim = 0 : i64, kind = #tpu.reduction_kind<sum>} : vector<16xi1> -> vector<16xi32>
        %add3A_606 = arith.addi %add3A_577, %all_reduce_population_count3A_605 : vector<16xi32>
        %reduce_max3A = arith.constant true
        %reduce_max3A_607 = vector.broadcast %reduce_max3A : i1 to vector<16xi1>
        %reduce_max3A_608 = arith.constant -2147483648 : i32
        %reduce_max3A_609 = vector.broadcast %reduce_max3A_608 : i32 to vector<16xi32>
        %reduce_max3A_610 = arith.xori %add3A_606, %reduce_max3A_609 : vector<16xi32>
        %reduce_max3A_611 = tpu.scan <max>, %reduce_max3A_610 masked %reduce_max3A_607 : vector<16xi32>, vector<16xi1> -> vector<16xi32>
        %reduce_max3A_612 = arith.xori %reduce_max3A_611, %reduce_max3A_609 : vector<16xi32>
        %reduce_max3A_613 = vector.extract %reduce_max3A_612[15] : i32 from vector<16xi32>
        %add3A_614 = arith.constant 1 : i32
        %add3A_615 = arith.addi %reduce_max3A_613, %add3A_614 : i32
        %add3A_616 = arith.constant 16 : i32
        %add3A_617 = arith.addi %while3A_142, %add3A_616 : i32
        scf.yield %add3A_615, %add3A_617 : i32, i32
      }
      %broadcast_in_dim3A_116 = vector.broadcast %while3A_115#0 : i32 to vector<16xi32>
      %get3A_117 = arith.constant 0 : index
      %get3A_118 = tpu.vector_load %arg19[%get3A_117] {strides = array<i32>} : memref<320xi32, #tpu.memory_space<vmem>>, vector<16xi32>,
      %get3A_119 = arith.constant 16 : index
      %get3A_120 = tpu.vector_load %arg19[%get3A_119] {strides = array<i32>} : memref<320xi32, #tpu.memory_space<vmem>>, vector<16xi32>,
      %jit3A_121 = arith.constant 0 : i32
      %broadcast_in_dim3A_122 = vector.broadcast %jit3A_121 : i32 to vector<16xi32>
      %select_n3A_123 = arith.select %eq3A_35, %get3A_118, %broadcast_in_dim3A_122 : vector<16xi1>, vector<16xi32>
      %reduce_sum3A = arith.constant true
      %reduce_sum3A_124 = vector.broadcast %reduce_sum3A : i1 to vector<16xi1>
      %reduce_sum3A_125 = tpu.scan <sum>, %select_n3A_123 masked %reduce_sum3A_124 : vector<16xi32>, vector<16xi1> -> vector<16xi32>
      %reduce_sum3A_126 = vector.extract %reduce_sum3A_125[15] : i32 from vector<16xi32>
      %broadcast_in_dim3A_127 = vector.broadcast %reduce_sum3A_126 : i32 to vector<16xi32>
      %lt3A_128 = arith.cmpi slt, %iota3A, %broadcast_in_dim3A_116 : vector<16xi32>
      %select_n3A_129 = arith.select %lt3A_128, %get3A_118, %broadcast_in_dim3A_127 : vector<16xi1>, vector<16xi32>
      %swap3A = arith.index_cast %scan3A_51 : i32 to index
      %swap3A_130 = arith.constant 0 : index
      %swap3A_131 = tpu.vector_load %arg20[%swap3A, %swap3A_130] {strides = array<i32>} : memref<256x32xi32, #tpu.memory_space<vmem>>, vector<16xi32>,
      tpu.vector_store %arg20[%swap3A, %swap3A_130], %select_n3A_129 {strides = array<i32>} : memref<256x32xi32, #tpu.memory_space<vmem>>, vector<16xi32>,
      %add3A_132 = arith.constant 16 : i32
      %add3A_133 = vector.broadcast %add3A_132 : i32 to vector<16xi32>
      %add3A_134 = arith.addi %iota3A, %add3A_133 : vector<16xi32>
      %lt3A_135 = arith.cmpi slt, %add3A_134, %broadcast_in_dim3A_116 : vector<16xi32>
      %select_n3A_136 = arith.select %lt3A_135, %get3A_120, %broadcast_in_dim3A_127 : vector<16xi1>, vector<16xi32>
      %swap3A_137 = arith.index_cast %scan3A_51 : i32 to index
      %swap3A_138 = arith.constant 16 : index
      %swap3A_139 = tpu.vector_load %arg20[%swap3A_137, %swap3A_138] {strides = array<i32>} : memref<256x32xi32, #tpu.memory_space<vmem>>, vector<16xi32>,
      tpu.vector_store %arg20[%swap3A_137, %swap3A_138], %select_n3A_136 {strides = array<i32>} : memref<256x32xi32, #tpu.memory_space<vmem>>, vector<16xi32>,
      %scan3A_140 = arith.constant 0 : i32
      scf.yield %scan3A_140 : i32
    }
    %scan3A_48 = arith.constant 256 : i32
    %mul3A_49 = arith.constant 256 : i32
    %mul3A_50 = arith.muli %add3A, %mul3A_49 : i32
    "tpu.region"() ({
      %run_scoped3A = tpu.sem_alloc : memref<!tpu.dma_semaphore, #tpu.memory_space<semaphore_mem>>
      %dma_start3A = arith.constant 0 : i32
      %dma_start3A_51 = tpu.memref_slice %arg8[%mul3A_50, %dma_start3A] : memref<8192x32xi32, #tpu.memory_space<hbm>> -> memref<256x32xi32, #tpu.memory_space<hbm>>
      %dma_start3A_52 = arith.constant 0 : i32
      %dma_start3A_53 = tpu.memref_slice %arg8[%mul3A_50, %dma_start3A_52] : memref<8192x32xi32, #tpu.memory_space<hbm>> -> memref<256x32xi32, #tpu.memory_space<hbm>>
      tpu.enqueue_dma source(%arg20 : memref<256x32xi32, #tpu.memory_space<vmem>>) target(%dma_start3A_53 : memref<256x32xi32, #tpu.memory_space<hbm>>) target_semaphore(%run_scoped3A : memref<!tpu.dma_semaphore, #tpu.memory_space<semaphore_mem>>)
      %dma_wait3A = arith.constant 0 : i32
      %dma_wait3A_54 = tpu.memref_slice %arg8[%mul3A_50, %dma_wait3A] : memref<8192x32xi32, #tpu.memory_space<hbm>> -> memref<256x32xi32, #tpu.memory_space<hbm>>
      %dma_wait3A_55 = arith.constant 0 : i32
      %dma_wait3A_56 = tpu.memref_slice %arg8[%mul3A_50, %dma_wait3A_55] : memref<8192x32xi32, #tpu.memory_space<hbm>> -> memref<256x32xi32, #tpu.memory_space<hbm>>
      tpu.wait_dma2 semaphore(%run_scoped3A : memref<!tpu.dma_semaphore, #tpu.memory_space<semaphore_mem>>) src(%arg20 : memref<256x32xi32, #tpu.memory_space<vmem>>) dst(%dma_wait3A_56 : memref<256x32xi32, #tpu.memory_space<hbm>>)
      tpu.yield
    }) : () -> ()
    return
  }
}

module attributes {stable_mosaic.version = 14 : i64} {
  func.func @_fps_body(%arg0: memref<3x8x4096xf32, #tpu.memory_space<vmem>>, %arg1: memref<8x1024xf32, #tpu.memory_space<vmem>>, %arg2: memref<8x1024xf32, #tpu.memory_space<vmem>>, %arg3: memref<8x1024xf32, #tpu.memory_space<vmem>>) attributes {dimension_semantics = [], scalar_prefetch = 0 : i64, scratch_operands = 0 : i64, tpu.core_type = #tpu.core_type<tc>} {
    %get3A = arith.constant 0 : index
    %get3A_0 = arith.constant 0 : index
    %get3A_1 = arith.constant 0 : index
    %get3A_2 = vector.load %arg0[%get3A, %get3A_0, %get3A_1] : memref<3x8x4096xf32, #tpu.memory_space<vmem>>, vector<1x8x4096xf32>
    %get3A_3 = vector.shape_cast %get3A_2 : vector<1x8x4096xf32> to vector<8x4096xf32>
    %get3A_4 = arith.constant 1 : index
    %get3A_5 = arith.constant 0 : index
    %get3A_6 = arith.constant 0 : index
    %get3A_7 = vector.load %arg0[%get3A_4, %get3A_5, %get3A_6] : memref<3x8x4096xf32, #tpu.memory_space<vmem>>, vector<1x8x4096xf32>
    %get3A_8 = vector.shape_cast %get3A_7 : vector<1x8x4096xf32> to vector<8x4096xf32>
    %get3A_9 = arith.constant 2 : index
    %get3A_10 = arith.constant 0 : index
    %get3A_11 = arith.constant 0 : index
    %get3A_12 = vector.load %arg0[%get3A_9, %get3A_10, %get3A_11] : memref<3x8x4096xf32, #tpu.memory_space<vmem>>, vector<1x8x4096xf32>
    %get3A_13 = vector.shape_cast %get3A_12 : vector<1x8x4096xf32> to vector<8x4096xf32>
    %iota3A = tpu.iota {dimensions = array<i32: 1>} : vector<8x4096xi32>
    %iota3A_14 = tpu.iota {dimensions = array<i32: 1>} : vector<8x128xi32>
    %broadcast_in_dim3A = arith.constant 0.000000e+00 : f32
    %broadcast_in_dim3A_15 = vector.broadcast %broadcast_in_dim3A : f32 to vector<8x128xf32>
    %broadcast_in_dim3A_16 = arith.constant 0 : i32
    %broadcast_in_dim3A_17 = vector.broadcast %broadcast_in_dim3A_16 : i32 to vector<8x1xi32>
    %broadcast_in_dim3A_18 = arith.constant 1.000000e+10 : f32
    %broadcast_in_dim3A_19 = vector.broadcast %broadcast_in_dim3A_18 : f32 to vector<8x4096xf32>
    %scan3A = arith.constant 0 : i32
    %scan3A_20 = arith.constant 128 : i32
    %scan3A_21 = arith.addi %scan3A, %scan3A_20 : i32
    %scan3A_22 = arith.constant 2 : i32
    %scan3A_23:5 = scf.for %scan3A_138 = %scan3A to %scan3A_21 step %scan3A_22 iter_args(%scan3A_139 = %broadcast_in_dim3A_17, %scan3A_140 = %broadcast_in_dim3A_19, %scan3A_141 = %broadcast_in_dim3A_15, %scan3A_142 = %broadcast_in_dim3A_15, %scan3A_143 = %broadcast_in_dim3A_15) -> (vector<8x1xi32>, vector<8x4096xf32>, vector<8x128xf32>, vector<8x128xf32>, vector<8x128xf32>)  : i32 {
      %eq3A = vector.broadcast %scan3A_139 : vector<8x1xi32> to vector<8x4096xi32>
      %eq3A_144 = arith.cmpi eq, %iota3A, %eq3A : vector<8x4096xi32>
      %jit3A = arith.constant 0.000000e+00 : f32
      %broadcast_in_dim3A_145 = vector.broadcast %jit3A : f32 to vector<8x4096xf32>
      %select_n3A = arith.select %eq3A_144, %get3A_3, %broadcast_in_dim3A_145 : vector<8x4096xi1>, vector<8x4096xf32>
      %reduce_sum3A = arith.constant dense<0.000000e+00> : vector<8xf32>
      %reduce_sum3A_146 = vector.multi_reduction <add>, %select_n3A, %reduce_sum3A [1] : vector<8x4096xf32> to vector<8xf32>
      %broadcast_in_dim3A_147 = vector.shape_cast %reduce_sum3A_146 : vector<8xf32> to vector<8x1xf32>
      %jit3A_148 = arith.constant 0.000000e+00 : f32
      %broadcast_in_dim3A_149 = vector.broadcast %jit3A_148 : f32 to vector<8x4096xf32>
      %select_n3A_150 = arith.select %eq3A_144, %get3A_8, %broadcast_in_dim3A_149 : vector<8x4096xi1>, vector<8x4096xf32>
      %reduce_sum3A_151 = arith.constant dense<0.000000e+00> : vector<8xf32>
      %reduce_sum3A_152 = vector.multi_reduction <add>, %select_n3A_150, %reduce_sum3A_151 [1] : vector<8x4096xf32> to vector<8xf32>
      %broadcast_in_dim3A_153 = vector.shape_cast %reduce_sum3A_152 : vector<8xf32> to vector<8x1xf32>
      %jit3A_154 = arith.constant 0.000000e+00 : f32
      %broadcast_in_dim3A_155 = vector.broadcast %jit3A_154 : f32 to vector<8x4096xf32>
      %select_n3A_156 = arith.select %eq3A_144, %get3A_13, %broadcast_in_dim3A_155 : vector<8x4096xi1>, vector<8x4096xf32>
      %reduce_sum3A_157 = arith.constant dense<0.000000e+00> : vector<8xf32>
      %reduce_sum3A_158 = vector.multi_reduction <add>, %select_n3A_156, %reduce_sum3A_157 [1] : vector<8x4096xf32> to vector<8xf32>
      %broadcast_in_dim3A_159 = vector.shape_cast %reduce_sum3A_158 : vector<8xf32> to vector<8x1xf32>
      %eq3A_160 = vector.broadcast %scan3A_138 : i32 to vector<8x128xi32>
      %eq3A_161 = arith.cmpi eq, %iota3A_14, %eq3A_160 : vector<8x128xi32>
      %broadcast_in_dim3A_162 = vector.shape_cast %broadcast_in_dim3A_147 : vector<8x1xf32> to vector<8x1xf32>
      %broadcast_in_dim3A_163 = vector.broadcast %broadcast_in_dim3A_162 : vector<8x1xf32> to vector<8x128xf32>
      %select_n3A_164 = arith.select %eq3A_161, %broadcast_in_dim3A_163, %scan3A_141 : vector<8x128xi1>, vector<8x128xf32>
      %broadcast_in_dim3A_165 = vector.shape_cast %broadcast_in_dim3A_153 : vector<8x1xf32> to vector<8x1xf32>
      %broadcast_in_dim3A_166 = vector.broadcast %broadcast_in_dim3A_165 : vector<8x1xf32> to vector<8x128xf32>
      %select_n3A_167 = arith.select %eq3A_161, %broadcast_in_dim3A_166, %scan3A_142 : vector<8x128xi1>, vector<8x128xf32>
      %broadcast_in_dim3A_168 = vector.shape_cast %broadcast_in_dim3A_159 : vector<8x1xf32> to vector<8x1xf32>
      %broadcast_in_dim3A_169 = vector.broadcast %broadcast_in_dim3A_168 : vector<8x1xf32> to vector<8x128xf32>
      %select_n3A_170 = arith.select %eq3A_161, %broadcast_in_dim3A_169, %scan3A_143 : vector<8x128xi1>, vector<8x128xf32>
      %sub3A = vector.broadcast %broadcast_in_dim3A_147 : vector<8x1xf32> to vector<8x4096xf32>
      %sub3A_171 = arith.subf %get3A_3, %sub3A : vector<8x4096xf32>
      %sub3A_172 = vector.broadcast %broadcast_in_dim3A_153 : vector<8x1xf32> to vector<8x4096xf32>
      %sub3A_173 = arith.subf %get3A_8, %sub3A_172 : vector<8x4096xf32>
      %sub3A_174 = vector.broadcast %broadcast_in_dim3A_159 : vector<8x1xf32> to vector<8x4096xf32>
      %sub3A_175 = arith.subf %get3A_13, %sub3A_174 : vector<8x4096xf32>
      %mul3A = arith.mulf %sub3A_171, %sub3A_171 : vector<8x4096xf32>
      %mul3A_176 = arith.mulf %sub3A_173, %sub3A_173 : vector<8x4096xf32>
      %add3A = arith.addf %mul3A, %mul3A_176 : vector<8x4096xf32>
      %mul3A_177 = arith.mulf %sub3A_175, %sub3A_175 : vector<8x4096xf32>
      %add3A_178 = arith.addf %add3A, %mul3A_177 : vector<8x4096xf32>
      %min3A = arith.minimumf %scan3A_140, %add3A_178 : vector<8x4096xf32>
      %argmax3A = tpu.reduce_index %min3A {axis = 1 : i32, kind = #tpu.reduction_kind<arg_max>} : vector<8x4096xf32> -> vector<8xi32>
      %reshape3A = vector.shape_cast %argmax3A : vector<8xi32> to vector<8x1xi32>
      %scan3A_179 = arith.constant 1 : i32
      %scan3A_180 = arith.addi %scan3A_138, %scan3A_179 : i32
      %eq3A_181 = vector.broadcast %reshape3A : vector<8x1xi32> to vector<8x4096xi32>
      %eq3A_182 = arith.cmpi eq, %iota3A, %eq3A_181 : vector<8x4096xi32>
      %jit3A_183 = arith.constant 0.000000e+00 : f32
      %broadcast_in_dim3A_184 = vector.broadcast %jit3A_183 : f32 to vector<8x4096xf32>
      %select_n3A_185 = arith.select %eq3A_182, %get3A_3, %broadcast_in_dim3A_184 : vector<8x4096xi1>, vector<8x4096xf32>
      %reduce_sum3A_186 = arith.constant dense<0.000000e+00> : vector<8xf32>
      %reduce_sum3A_187 = vector.multi_reduction <add>, %select_n3A_185, %reduce_sum3A_186 [1] : vector<8x4096xf32> to vector<8xf32>
      %broadcast_in_dim3A_188 = vector.shape_cast %reduce_sum3A_187 : vector<8xf32> to vector<8x1xf32>
      %jit3A_189 = arith.constant 0.000000e+00 : f32
      %broadcast_in_dim3A_190 = vector.broadcast %jit3A_189 : f32 to vector<8x4096xf32>
      %select_n3A_191 = arith.select %eq3A_182, %get3A_8, %broadcast_in_dim3A_190 : vector<8x4096xi1>, vector<8x4096xf32>
      %reduce_sum3A_192 = arith.constant dense<0.000000e+00> : vector<8xf32>
      %reduce_sum3A_193 = vector.multi_reduction <add>, %select_n3A_191, %reduce_sum3A_192 [1] : vector<8x4096xf32> to vector<8xf32>
      %broadcast_in_dim3A_194 = vector.shape_cast %reduce_sum3A_193 : vector<8xf32> to vector<8x1xf32>
      %jit3A_195 = arith.constant 0.000000e+00 : f32
      %broadcast_in_dim3A_196 = vector.broadcast %jit3A_195 : f32 to vector<8x4096xf32>
      %select_n3A_197 = arith.select %eq3A_182, %get3A_13, %broadcast_in_dim3A_196 : vector<8x4096xi1>, vector<8x4096xf32>
      %reduce_sum3A_198 = arith.constant dense<0.000000e+00> : vector<8xf32>
      %reduce_sum3A_199 = vector.multi_reduction <add>, %select_n3A_197, %reduce_sum3A_198 [1] : vector<8x4096xf32> to vector<8xf32>
      %broadcast_in_dim3A_200 = vector.shape_cast %reduce_sum3A_199 : vector<8xf32> to vector<8x1xf32>
      %eq3A_201 = vector.broadcast %scan3A_180 : i32 to vector<8x128xi32>
      %eq3A_202 = arith.cmpi eq, %iota3A_14, %eq3A_201 : vector<8x128xi32>
      %broadcast_in_dim3A_203 = vector.shape_cast %broadcast_in_dim3A_188 : vector<8x1xf32> to vector<8x1xf32>
      %broadcast_in_dim3A_204 = vector.broadcast %broadcast_in_dim3A_203 : vector<8x1xf32> to vector<8x128xf32>
      %select_n3A_205 = arith.select %eq3A_202, %broadcast_in_dim3A_204, %select_n3A_164 : vector<8x128xi1>, vector<8x128xf32>
      %broadcast_in_dim3A_206 = vector.shape_cast %broadcast_in_dim3A_194 : vector<8x1xf32> to vector<8x1xf32>
      %broadcast_in_dim3A_207 = vector.broadcast %broadcast_in_dim3A_206 : vector<8x1xf32> to vector<8x128xf32>
      %select_n3A_208 = arith.select %eq3A_202, %broadcast_in_dim3A_207, %select_n3A_167 : vector<8x128xi1>, vector<8x128xf32>
      %broadcast_in_dim3A_209 = vector.shape_cast %broadcast_in_dim3A_200 : vector<8x1xf32> to vector<8x1xf32>
      %broadcast_in_dim3A_210 = vector.broadcast %broadcast_in_dim3A_209 : vector<8x1xf32> to vector<8x128xf32>
      %select_n3A_211 = arith.select %eq3A_202, %broadcast_in_dim3A_210, %select_n3A_170 : vector<8x128xi1>, vector<8x128xf32>
      %sub3A_212 = vector.broadcast %broadcast_in_dim3A_188 : vector<8x1xf32> to vector<8x4096xf32>
      %sub3A_213 = arith.subf %get3A_3, %sub3A_212 : vector<8x4096xf32>
      %sub3A_214 = vector.broadcast %broadcast_in_dim3A_194 : vector<8x1xf32> to vector<8x4096xf32>
      %sub3A_215 = arith.subf %get3A_8, %sub3A_214 : vector<8x4096xf32>
      %sub3A_216 = vector.broadcast %broadcast_in_dim3A_200 : vector<8x1xf32> to vector<8x4096xf32>
      %sub3A_217 = arith.subf %get3A_13, %sub3A_216 : vector<8x4096xf32>
      %mul3A_218 = arith.mulf %sub3A_213, %sub3A_213 : vector<8x4096xf32>
      %mul3A_219 = arith.mulf %sub3A_215, %sub3A_215 : vector<8x4096xf32>
      %add3A_220 = arith.addf %mul3A_218, %mul3A_219 : vector<8x4096xf32>
      %mul3A_221 = arith.mulf %sub3A_217, %sub3A_217 : vector<8x4096xf32>
      %add3A_222 = arith.addf %add3A_220, %mul3A_221 : vector<8x4096xf32>
      %min3A_223 = arith.minimumf %min3A, %add3A_222 : vector<8x4096xf32>
      %argmax3A_224 = tpu.reduce_index %min3A_223 {axis = 1 : i32, kind = #tpu.reduction_kind<arg_max>} : vector<8x4096xf32> -> vector<8xi32>
      %reshape3A_225 = vector.shape_cast %argmax3A_224 : vector<8xi32> to vector<8x1xi32>
      scf.yield %reshape3A_225, %min3A_223, %select_n3A_205, %select_n3A_208, %select_n3A_211 : vector<8x1xi32>, vector<8x4096xf32>, vector<8x128xf32>, vector<8x128xf32>, vector<8x128xf32>
    }
    %scan3A_24 = arith.constant 128 : i32
    %swap3A = arith.constant 0 : index
    %swap3A_25 = arith.constant 0 : index
    %swap3A_26 = vector.load %arg1[%swap3A, %swap3A_25] : memref<8x1024xf32, #tpu.memory_space<vmem>>, vector<8x128xf32>
    tpu.vector_store %arg1[%swap3A, %swap3A_25], %scan3A_23#2 {strides = array<i32>} : memref<8x1024xf32, #tpu.memory_space<vmem>>, vector<8x128xf32>,
    %swap3A_27 = arith.constant 0 : index
    %swap3A_28 = arith.constant 0 : index
    %swap3A_29 = vector.load %arg2[%swap3A_27, %swap3A_28] : memref<8x1024xf32, #tpu.memory_space<vmem>>, vector<8x128xf32>
    tpu.vector_store %arg2[%swap3A_27, %swap3A_28], %scan3A_23#3 {strides = array<i32>} : memref<8x1024xf32, #tpu.memory_space<vmem>>, vector<8x128xf32>,
    %swap3A_30 = arith.constant 0 : index
    %swap3A_31 = arith.constant 0 : index
    %swap3A_32 = vector.load %arg3[%swap3A_30, %swap3A_31] : memref<8x1024xf32, #tpu.memory_space<vmem>>, vector<8x128xf32>
    tpu.vector_store %arg3[%swap3A_30, %swap3A_31], %scan3A_23#4 {strides = array<i32>} : memref<8x1024xf32, #tpu.memory_space<vmem>>, vector<8x128xf32>,
    %scan3A_33 = arith.constant 0 : i32
    %scan3A_34 = arith.constant 128 : i32
    %scan3A_35 = arith.addi %scan3A_33, %scan3A_34 : i32
    %scan3A_36 = arith.constant 2 : i32
    %scan3A_37:5 = scf.for %scan3A_138 = %scan3A_33 to %scan3A_35 step %scan3A_36 iter_args(%scan3A_139 = %scan3A_23#0, %scan3A_140 = %scan3A_23#1, %scan3A_141 = %broadcast_in_dim3A_15, %scan3A_142 = %broadcast_in_dim3A_15, %scan3A_143 = %broadcast_in_dim3A_15) -> (vector<8x1xi32>, vector<8x4096xf32>, vector<8x128xf32>, vector<8x128xf32>, vector<8x128xf32>)  : i32 {
      %eq3A = vector.broadcast %scan3A_139 : vector<8x1xi32> to vector<8x4096xi32>
      %eq3A_144 = arith.cmpi eq, %iota3A, %eq3A : vector<8x4096xi32>
      %jit3A = arith.constant 0.000000e+00 : f32
      %broadcast_in_dim3A_145 = vector.broadcast %jit3A : f32 to vector<8x4096xf32>
      %select_n3A = arith.select %eq3A_144, %get3A_3, %broadcast_in_dim3A_145 : vector<8x4096xi1>, vector<8x4096xf32>
      %reduce_sum3A = arith.constant dense<0.000000e+00> : vector<8xf32>
      %reduce_sum3A_146 = vector.multi_reduction <add>, %select_n3A, %reduce_sum3A [1] : vector<8x4096xf32> to vector<8xf32>
      %broadcast_in_dim3A_147 = vector.shape_cast %reduce_sum3A_146 : vector<8xf32> to vector<8x1xf32>
      %jit3A_148 = arith.constant 0.000000e+00 : f32
      %broadcast_in_dim3A_149 = vector.broadcast %jit3A_148 : f32 to vector<8x4096xf32>
      %select_n3A_150 = arith.select %eq3A_144, %get3A_8, %broadcast_in_dim3A_149 : vector<8x4096xi1>, vector<8x4096xf32>
      %reduce_sum3A_151 = arith.constant dense<0.000000e+00> : vector<8xf32>
      %reduce_sum3A_152 = vector.multi_reduction <add>, %select_n3A_150, %reduce_sum3A_151 [1] : vector<8x4096xf32> to vector<8xf32>
      %broadcast_in_dim3A_153 = vector.shape_cast %reduce_sum3A_152 : vector<8xf32> to vector<8x1xf32>
      %jit3A_154 = arith.constant 0.000000e+00 : f32
      %broadcast_in_dim3A_155 = vector.broadcast %jit3A_154 : f32 to vector<8x4096xf32>
      %select_n3A_156 = arith.select %eq3A_144, %get3A_13, %broadcast_in_dim3A_155 : vector<8x4096xi1>, vector<8x4096xf32>
      %reduce_sum3A_157 = arith.constant dense<0.000000e+00> : vector<8xf32>
      %reduce_sum3A_158 = vector.multi_reduction <add>, %select_n3A_156, %reduce_sum3A_157 [1] : vector<8x4096xf32> to vector<8xf32>
      %broadcast_in_dim3A_159 = vector.shape_cast %reduce_sum3A_158 : vector<8xf32> to vector<8x1xf32>
      %eq3A_160 = vector.broadcast %scan3A_138 : i32 to vector<8x128xi32>
      %eq3A_161 = arith.cmpi eq, %iota3A_14, %eq3A_160 : vector<8x128xi32>
      %broadcast_in_dim3A_162 = vector.shape_cast %broadcast_in_dim3A_147 : vector<8x1xf32> to vector<8x1xf32>
      %broadcast_in_dim3A_163 = vector.broadcast %broadcast_in_dim3A_162 : vector<8x1xf32> to vector<8x128xf32>
      %select_n3A_164 = arith.select %eq3A_161, %broadcast_in_dim3A_163, %scan3A_141 : vector<8x128xi1>, vector<8x128xf32>
      %broadcast_in_dim3A_165 = vector.shape_cast %broadcast_in_dim3A_153 : vector<8x1xf32> to vector<8x1xf32>
      %broadcast_in_dim3A_166 = vector.broadcast %broadcast_in_dim3A_165 : vector<8x1xf32> to vector<8x128xf32>
      %select_n3A_167 = arith.select %eq3A_161, %broadcast_in_dim3A_166, %scan3A_142 : vector<8x128xi1>, vector<8x128xf32>
      %broadcast_in_dim3A_168 = vector.shape_cast %broadcast_in_dim3A_159 : vector<8x1xf32> to vector<8x1xf32>
      %broadcast_in_dim3A_169 = vector.broadcast %broadcast_in_dim3A_168 : vector<8x1xf32> to vector<8x128xf32>
      %select_n3A_170 = arith.select %eq3A_161, %broadcast_in_dim3A_169, %scan3A_143 : vector<8x128xi1>, vector<8x128xf32>
      %sub3A = vector.broadcast %broadcast_in_dim3A_147 : vector<8x1xf32> to vector<8x4096xf32>
      %sub3A_171 = arith.subf %get3A_3, %sub3A : vector<8x4096xf32>
      %sub3A_172 = vector.broadcast %broadcast_in_dim3A_153 : vector<8x1xf32> to vector<8x4096xf32>
      %sub3A_173 = arith.subf %get3A_8, %sub3A_172 : vector<8x4096xf32>
      %sub3A_174 = vector.broadcast %broadcast_in_dim3A_159 : vector<8x1xf32> to vector<8x4096xf32>
      %sub3A_175 = arith.subf %get3A_13, %sub3A_174 : vector<8x4096xf32>
      %mul3A = arith.mulf %sub3A_171, %sub3A_171 : vector<8x4096xf32>
      %mul3A_176 = arith.mulf %sub3A_173, %sub3A_173 : vector<8x4096xf32>
      %add3A = arith.addf %mul3A, %mul3A_176 : vector<8x4096xf32>
      %mul3A_177 = arith.mulf %sub3A_175, %sub3A_175 : vector<8x4096xf32>
      %add3A_178 = arith.addf %add3A, %mul3A_177 : vector<8x4096xf32>
      %min3A = arith.minimumf %scan3A_140, %add3A_178 : vector<8x4096xf32>
      %argmax3A = tpu.reduce_index %min3A {axis = 1 : i32, kind = #tpu.reduction_kind<arg_max>} : vector<8x4096xf32> -> vector<8xi32>
      %reshape3A = vector.shape_cast %argmax3A : vector<8xi32> to vector<8x1xi32>
      %scan3A_179 = arith.constant 1 : i32
      %scan3A_180 = arith.addi %scan3A_138, %scan3A_179 : i32
      %eq3A_181 = vector.broadcast %reshape3A : vector<8x1xi32> to vector<8x4096xi32>
      %eq3A_182 = arith.cmpi eq, %iota3A, %eq3A_181 : vector<8x4096xi32>
      %jit3A_183 = arith.constant 0.000000e+00 : f32
      %broadcast_in_dim3A_184 = vector.broadcast %jit3A_183 : f32 to vector<8x4096xf32>
      %select_n3A_185 = arith.select %eq3A_182, %get3A_3, %broadcast_in_dim3A_184 : vector<8x4096xi1>, vector<8x4096xf32>
      %reduce_sum3A_186 = arith.constant dense<0.000000e+00> : vector<8xf32>
      %reduce_sum3A_187 = vector.multi_reduction <add>, %select_n3A_185, %reduce_sum3A_186 [1] : vector<8x4096xf32> to vector<8xf32>
      %broadcast_in_dim3A_188 = vector.shape_cast %reduce_sum3A_187 : vector<8xf32> to vector<8x1xf32>
      %jit3A_189 = arith.constant 0.000000e+00 : f32
      %broadcast_in_dim3A_190 = vector.broadcast %jit3A_189 : f32 to vector<8x4096xf32>
      %select_n3A_191 = arith.select %eq3A_182, %get3A_8, %broadcast_in_dim3A_190 : vector<8x4096xi1>, vector<8x4096xf32>
      %reduce_sum3A_192 = arith.constant dense<0.000000e+00> : vector<8xf32>
      %reduce_sum3A_193 = vector.multi_reduction <add>, %select_n3A_191, %reduce_sum3A_192 [1] : vector<8x4096xf32> to vector<8xf32>
      %broadcast_in_dim3A_194 = vector.shape_cast %reduce_sum3A_193 : vector<8xf32> to vector<8x1xf32>
      %jit3A_195 = arith.constant 0.000000e+00 : f32
      %broadcast_in_dim3A_196 = vector.broadcast %jit3A_195 : f32 to vector<8x4096xf32>
      %select_n3A_197 = arith.select %eq3A_182, %get3A_13, %broadcast_in_dim3A_196 : vector<8x4096xi1>, vector<8x4096xf32>
      %reduce_sum3A_198 = arith.constant dense<0.000000e+00> : vector<8xf32>
      %reduce_sum3A_199 = vector.multi_reduction <add>, %select_n3A_197, %reduce_sum3A_198 [1] : vector<8x4096xf32> to vector<8xf32>
      %broadcast_in_dim3A_200 = vector.shape_cast %reduce_sum3A_199 : vector<8xf32> to vector<8x1xf32>
      %eq3A_201 = vector.broadcast %scan3A_180 : i32 to vector<8x128xi32>
      %eq3A_202 = arith.cmpi eq, %iota3A_14, %eq3A_201 : vector<8x128xi32>
      %broadcast_in_dim3A_203 = vector.shape_cast %broadcast_in_dim3A_188 : vector<8x1xf32> to vector<8x1xf32>
      %broadcast_in_dim3A_204 = vector.broadcast %broadcast_in_dim3A_203 : vector<8x1xf32> to vector<8x128xf32>
      %select_n3A_205 = arith.select %eq3A_202, %broadcast_in_dim3A_204, %select_n3A_164 : vector<8x128xi1>, vector<8x128xf32>
      %broadcast_in_dim3A_206 = vector.shape_cast %broadcast_in_dim3A_194 : vector<8x1xf32> to vector<8x1xf32>
      %broadcast_in_dim3A_207 = vector.broadcast %broadcast_in_dim3A_206 : vector<8x1xf32> to vector<8x128xf32>
      %select_n3A_208 = arith.select %eq3A_202, %broadcast_in_dim3A_207, %select_n3A_167 : vector<8x128xi1>, vector<8x128xf32>
      %broadcast_in_dim3A_209 = vector.shape_cast %broadcast_in_dim3A_200 : vector<8x1xf32> to vector<8x1xf32>
      %broadcast_in_dim3A_210 = vector.broadcast %broadcast_in_dim3A_209 : vector<8x1xf32> to vector<8x128xf32>
      %select_n3A_211 = arith.select %eq3A_202, %broadcast_in_dim3A_210, %select_n3A_170 : vector<8x128xi1>, vector<8x128xf32>
      %sub3A_212 = vector.broadcast %broadcast_in_dim3A_188 : vector<8x1xf32> to vector<8x4096xf32>
      %sub3A_213 = arith.subf %get3A_3, %sub3A_212 : vector<8x4096xf32>
      %sub3A_214 = vector.broadcast %broadcast_in_dim3A_194 : vector<8x1xf32> to vector<8x4096xf32>
      %sub3A_215 = arith.subf %get3A_8, %sub3A_214 : vector<8x4096xf32>
      %sub3A_216 = vector.broadcast %broadcast_in_dim3A_200 : vector<8x1xf32> to vector<8x4096xf32>
      %sub3A_217 = arith.subf %get3A_13, %sub3A_216 : vector<8x4096xf32>
      %mul3A_218 = arith.mulf %sub3A_213, %sub3A_213 : vector<8x4096xf32>
      %mul3A_219 = arith.mulf %sub3A_215, %sub3A_215 : vector<8x4096xf32>
      %add3A_220 = arith.addf %mul3A_218, %mul3A_219 : vector<8x4096xf32>
      %mul3A_221 = arith.mulf %sub3A_217, %sub3A_217 : vector<8x4096xf32>
      %add3A_222 = arith.addf %add3A_220, %mul3A_221 : vector<8x4096xf32>
      %min3A_223 = arith.minimumf %min3A, %add3A_222 : vector<8x4096xf32>
      %argmax3A_224 = tpu.reduce_index %min3A_223 {axis = 1 : i32, kind = #tpu.reduction_kind<arg_max>} : vector<8x4096xf32> -> vector<8xi32>
      %reshape3A_225 = vector.shape_cast %argmax3A_224 : vector<8xi32> to vector<8x1xi32>
      scf.yield %reshape3A_225, %min3A_223, %select_n3A_205, %select_n3A_208, %select_n3A_211 : vector<8x1xi32>, vector<8x4096xf32>, vector<8x128xf32>, vector<8x128xf32>, vector<8x128xf32>
    }
    %scan3A_38 = arith.constant 128 : i32
    %swap3A_39 = arith.constant 0 : index
    %swap3A_40 = arith.constant 128 : index
    %swap3A_41 = vector.load %arg1[%swap3A_39, %swap3A_40] : memref<8x1024xf32, #tpu.memory_space<vmem>>, vector<8x128xf32>
    tpu.vector_store %arg1[%swap3A_39, %swap3A_40], %scan3A_37#2 {strides = array<i32>} : memref<8x1024xf32, #tpu.memory_space<vmem>>, vector<8x128xf32>,
    %swap3A_42 = arith.constant 0 : index
    %swap3A_43 = arith.constant 128 : index
    %swap3A_44 = vector.load %arg2[%swap3A_42, %swap3A_43] : memref<8x1024xf32, #tpu.memory_space<vmem>>, vector<8x128xf32>
    tpu.vector_store %arg2[%swap3A_42, %swap3A_43], %scan3A_37#3 {strides = array<i32>} : memref<8x1024xf32, #tpu.memory_space<vmem>>, vector<8x128xf32>,
    %swap3A_45 = arith.constant 0 : index
    %swap3A_46 = arith.constant 128 : index
    %swap3A_47 = vector.load %arg3[%swap3A_45, %swap3A_46] : memref<8x1024xf32, #tpu.memory_space<vmem>>, vector<8x128xf32>
    tpu.vector_store %arg3[%swap3A_45, %swap3A_46], %scan3A_37#4 {strides = array<i32>} : memref<8x1024xf32, #tpu.memory_space<vmem>>, vector<8x128xf32>,
    %scan3A_48 = arith.constant 0 : i32
    %scan3A_49 = arith.constant 128 : i32
    %scan3A_50 = arith.addi %scan3A_48, %scan3A_49 : i32
    %scan3A_51 = arith.constant 2 : i32
    %scan3A_52:5 = scf.for %scan3A_138 = %scan3A_48 to %scan3A_50 step %scan3A_51 iter_args(%scan3A_139 = %scan3A_37#0, %scan3A_140 = %scan3A_37#1, %scan3A_141 = %broadcast_in_dim3A_15, %scan3A_142 = %broadcast_in_dim3A_15, %scan3A_143 = %broadcast_in_dim3A_15) -> (vector<8x1xi32>, vector<8x4096xf32>, vector<8x128xf32>, vector<8x128xf32>, vector<8x128xf32>)  : i32 {
      %eq3A = vector.broadcast %scan3A_139 : vector<8x1xi32> to vector<8x4096xi32>
      %eq3A_144 = arith.cmpi eq, %iota3A, %eq3A : vector<8x4096xi32>
      %jit3A = arith.constant 0.000000e+00 : f32
      %broadcast_in_dim3A_145 = vector.broadcast %jit3A : f32 to vector<8x4096xf32>
      %select_n3A = arith.select %eq3A_144, %get3A_3, %broadcast_in_dim3A_145 : vector<8x4096xi1>, vector<8x4096xf32>
      %reduce_sum3A = arith.constant dense<0.000000e+00> : vector<8xf32>
      %reduce_sum3A_146 = vector.multi_reduction <add>, %select_n3A, %reduce_sum3A [1] : vector<8x4096xf32> to vector<8xf32>
      %broadcast_in_dim3A_147 = vector.shape_cast %reduce_sum3A_146 : vector<8xf32> to vector<8x1xf32>
      %jit3A_148 = arith.constant 0.000000e+00 : f32
      %broadcast_in_dim3A_149 = vector.broadcast %jit3A_148 : f32 to vector<8x4096xf32>
      %select_n3A_150 = arith.select %eq3A_144, %get3A_8, %broadcast_in_dim3A_149 : vector<8x4096xi1>, vector<8x4096xf32>
      %reduce_sum3A_151 = arith.constant dense<0.000000e+00> : vector<8xf32>
      %reduce_sum3A_152 = vector.multi_reduction <add>, %select_n3A_150, %reduce_sum3A_151 [1] : vector<8x4096xf32> to vector<8xf32>
      %broadcast_in_dim3A_153 = vector.shape_cast %reduce_sum3A_152 : vector<8xf32> to vector<8x1xf32>
      %jit3A_154 = arith.constant 0.000000e+00 : f32
      %broadcast_in_dim3A_155 = vector.broadcast %jit3A_154 : f32 to vector<8x4096xf32>
      %select_n3A_156 = arith.select %eq3A_144, %get3A_13, %broadcast_in_dim3A_155 : vector<8x4096xi1>, vector<8x4096xf32>
      %reduce_sum3A_157 = arith.constant dense<0.000000e+00> : vector<8xf32>
      %reduce_sum3A_158 = vector.multi_reduction <add>, %select_n3A_156, %reduce_sum3A_157 [1] : vector<8x4096xf32> to vector<8xf32>
      %broadcast_in_dim3A_159 = vector.shape_cast %reduce_sum3A_158 : vector<8xf32> to vector<8x1xf32>
      %eq3A_160 = vector.broadcast %scan3A_138 : i32 to vector<8x128xi32>
      %eq3A_161 = arith.cmpi eq, %iota3A_14, %eq3A_160 : vector<8x128xi32>
      %broadcast_in_dim3A_162 = vector.shape_cast %broadcast_in_dim3A_147 : vector<8x1xf32> to vector<8x1xf32>
      %broadcast_in_dim3A_163 = vector.broadcast %broadcast_in_dim3A_162 : vector<8x1xf32> to vector<8x128xf32>
      %select_n3A_164 = arith.select %eq3A_161, %broadcast_in_dim3A_163, %scan3A_141 : vector<8x128xi1>, vector<8x128xf32>
      %broadcast_in_dim3A_165 = vector.shape_cast %broadcast_in_dim3A_153 : vector<8x1xf32> to vector<8x1xf32>
      %broadcast_in_dim3A_166 = vector.broadcast %broadcast_in_dim3A_165 : vector<8x1xf32> to vector<8x128xf32>
      %select_n3A_167 = arith.select %eq3A_161, %broadcast_in_dim3A_166, %scan3A_142 : vector<8x128xi1>, vector<8x128xf32>
      %broadcast_in_dim3A_168 = vector.shape_cast %broadcast_in_dim3A_159 : vector<8x1xf32> to vector<8x1xf32>
      %broadcast_in_dim3A_169 = vector.broadcast %broadcast_in_dim3A_168 : vector<8x1xf32> to vector<8x128xf32>
      %select_n3A_170 = arith.select %eq3A_161, %broadcast_in_dim3A_169, %scan3A_143 : vector<8x128xi1>, vector<8x128xf32>
      %sub3A = vector.broadcast %broadcast_in_dim3A_147 : vector<8x1xf32> to vector<8x4096xf32>
      %sub3A_171 = arith.subf %get3A_3, %sub3A : vector<8x4096xf32>
      %sub3A_172 = vector.broadcast %broadcast_in_dim3A_153 : vector<8x1xf32> to vector<8x4096xf32>
      %sub3A_173 = arith.subf %get3A_8, %sub3A_172 : vector<8x4096xf32>
      %sub3A_174 = vector.broadcast %broadcast_in_dim3A_159 : vector<8x1xf32> to vector<8x4096xf32>
      %sub3A_175 = arith.subf %get3A_13, %sub3A_174 : vector<8x4096xf32>
      %mul3A = arith.mulf %sub3A_171, %sub3A_171 : vector<8x4096xf32>
      %mul3A_176 = arith.mulf %sub3A_173, %sub3A_173 : vector<8x4096xf32>
      %add3A = arith.addf %mul3A, %mul3A_176 : vector<8x4096xf32>
      %mul3A_177 = arith.mulf %sub3A_175, %sub3A_175 : vector<8x4096xf32>
      %add3A_178 = arith.addf %add3A, %mul3A_177 : vector<8x4096xf32>
      %min3A = arith.minimumf %scan3A_140, %add3A_178 : vector<8x4096xf32>
      %argmax3A = tpu.reduce_index %min3A {axis = 1 : i32, kind = #tpu.reduction_kind<arg_max>} : vector<8x4096xf32> -> vector<8xi32>
      %reshape3A = vector.shape_cast %argmax3A : vector<8xi32> to vector<8x1xi32>
      %scan3A_179 = arith.constant 1 : i32
      %scan3A_180 = arith.addi %scan3A_138, %scan3A_179 : i32
      %eq3A_181 = vector.broadcast %reshape3A : vector<8x1xi32> to vector<8x4096xi32>
      %eq3A_182 = arith.cmpi eq, %iota3A, %eq3A_181 : vector<8x4096xi32>
      %jit3A_183 = arith.constant 0.000000e+00 : f32
      %broadcast_in_dim3A_184 = vector.broadcast %jit3A_183 : f32 to vector<8x4096xf32>
      %select_n3A_185 = arith.select %eq3A_182, %get3A_3, %broadcast_in_dim3A_184 : vector<8x4096xi1>, vector<8x4096xf32>
      %reduce_sum3A_186 = arith.constant dense<0.000000e+00> : vector<8xf32>
      %reduce_sum3A_187 = vector.multi_reduction <add>, %select_n3A_185, %reduce_sum3A_186 [1] : vector<8x4096xf32> to vector<8xf32>
      %broadcast_in_dim3A_188 = vector.shape_cast %reduce_sum3A_187 : vector<8xf32> to vector<8x1xf32>
      %jit3A_189 = arith.constant 0.000000e+00 : f32
      %broadcast_in_dim3A_190 = vector.broadcast %jit3A_189 : f32 to vector<8x4096xf32>
      %select_n3A_191 = arith.select %eq3A_182, %get3A_8, %broadcast_in_dim3A_190 : vector<8x4096xi1>, vector<8x4096xf32>
      %reduce_sum3A_192 = arith.constant dense<0.000000e+00> : vector<8xf32>
      %reduce_sum3A_193 = vector.multi_reduction <add>, %select_n3A_191, %reduce_sum3A_192 [1] : vector<8x4096xf32> to vector<8xf32>
      %broadcast_in_dim3A_194 = vector.shape_cast %reduce_sum3A_193 : vector<8xf32> to vector<8x1xf32>
      %jit3A_195 = arith.constant 0.000000e+00 : f32
      %broadcast_in_dim3A_196 = vector.broadcast %jit3A_195 : f32 to vector<8x4096xf32>
      %select_n3A_197 = arith.select %eq3A_182, %get3A_13, %broadcast_in_dim3A_196 : vector<8x4096xi1>, vector<8x4096xf32>
      %reduce_sum3A_198 = arith.constant dense<0.000000e+00> : vector<8xf32>
      %reduce_sum3A_199 = vector.multi_reduction <add>, %select_n3A_197, %reduce_sum3A_198 [1] : vector<8x4096xf32> to vector<8xf32>
      %broadcast_in_dim3A_200 = vector.shape_cast %reduce_sum3A_199 : vector<8xf32> to vector<8x1xf32>
      %eq3A_201 = vector.broadcast %scan3A_180 : i32 to vector<8x128xi32>
      %eq3A_202 = arith.cmpi eq, %iota3A_14, %eq3A_201 : vector<8x128xi32>
      %broadcast_in_dim3A_203 = vector.shape_cast %broadcast_in_dim3A_188 : vector<8x1xf32> to vector<8x1xf32>
      %broadcast_in_dim3A_204 = vector.broadcast %broadcast_in_dim3A_203 : vector<8x1xf32> to vector<8x128xf32>
      %select_n3A_205 = arith.select %eq3A_202, %broadcast_in_dim3A_204, %select_n3A_164 : vector<8x128xi1>, vector<8x128xf32>
      %broadcast_in_dim3A_206 = vector.shape_cast %broadcast_in_dim3A_194 : vector<8x1xf32> to vector<8x1xf32>
      %broadcast_in_dim3A_207 = vector.broadcast %broadcast_in_dim3A_206 : vector<8x1xf32> to vector<8x128xf32>
      %select_n3A_208 = arith.select %eq3A_202, %broadcast_in_dim3A_207, %select_n3A_167 : vector<8x128xi1>, vector<8x128xf32>
      %broadcast_in_dim3A_209 = vector.shape_cast %broadcast_in_dim3A_200 : vector<8x1xf32> to vector<8x1xf32>
      %broadcast_in_dim3A_210 = vector.broadcast %broadcast_in_dim3A_209 : vector<8x1xf32> to vector<8x128xf32>
      %select_n3A_211 = arith.select %eq3A_202, %broadcast_in_dim3A_210, %select_n3A_170 : vector<8x128xi1>, vector<8x128xf32>
      %sub3A_212 = vector.broadcast %broadcast_in_dim3A_188 : vector<8x1xf32> to vector<8x4096xf32>
      %sub3A_213 = arith.subf %get3A_3, %sub3A_212 : vector<8x4096xf32>
      %sub3A_214 = vector.broadcast %broadcast_in_dim3A_194 : vector<8x1xf32> to vector<8x4096xf32>
      %sub3A_215 = arith.subf %get3A_8, %sub3A_214 : vector<8x4096xf32>
      %sub3A_216 = vector.broadcast %broadcast_in_dim3A_200 : vector<8x1xf32> to vector<8x4096xf32>
      %sub3A_217 = arith.subf %get3A_13, %sub3A_216 : vector<8x4096xf32>
      %mul3A_218 = arith.mulf %sub3A_213, %sub3A_213 : vector<8x4096xf32>
      %mul3A_219 = arith.mulf %sub3A_215, %sub3A_215 : vector<8x4096xf32>
      %add3A_220 = arith.addf %mul3A_218, %mul3A_219 : vector<8x4096xf32>
      %mul3A_221 = arith.mulf %sub3A_217, %sub3A_217 : vector<8x4096xf32>
      %add3A_222 = arith.addf %add3A_220, %mul3A_221 : vector<8x4096xf32>
      %min3A_223 = arith.minimumf %min3A, %add3A_222 : vector<8x4096xf32>
      %argmax3A_224 = tpu.reduce_index %min3A_223 {axis = 1 : i32, kind = #tpu.reduction_kind<arg_max>} : vector<8x4096xf32> -> vector<8xi32>
      %reshape3A_225 = vector.shape_cast %argmax3A_224 : vector<8xi32> to vector<8x1xi32>
      scf.yield %reshape3A_225, %min3A_223, %select_n3A_205, %select_n3A_208, %select_n3A_211 : vector<8x1xi32>, vector<8x4096xf32>, vector<8x128xf32>, vector<8x128xf32>, vector<8x128xf32>
    }
    %scan3A_53 = arith.constant 128 : i32
    %swap3A_54 = arith.constant 0 : index
    %swap3A_55 = arith.constant 256 : index
    %swap3A_56 = vector.load %arg1[%swap3A_54, %swap3A_55] : memref<8x1024xf32, #tpu.memory_space<vmem>>, vector<8x128xf32>
    tpu.vector_store %arg1[%swap3A_54, %swap3A_55], %scan3A_52#2 {strides = array<i32>} : memref<8x1024xf32, #tpu.memory_space<vmem>>, vector<8x128xf32>,
    %swap3A_57 = arith.constant 0 : index
    %swap3A_58 = arith.constant 256 : index
    %swap3A_59 = vector.load %arg2[%swap3A_57, %swap3A_58] : memref<8x1024xf32, #tpu.memory_space<vmem>>, vector<8x128xf32>
    tpu.vector_store %arg2[%swap3A_57, %swap3A_58], %scan3A_52#3 {strides = array<i32>} : memref<8x1024xf32, #tpu.memory_space<vmem>>, vector<8x128xf32>,
    %swap3A_60 = arith.constant 0 : index
    %swap3A_61 = arith.constant 256 : index
    %swap3A_62 = vector.load %arg3[%swap3A_60, %swap3A_61] : memref<8x1024xf32, #tpu.memory_space<vmem>>, vector<8x128xf32>
    tpu.vector_store %arg3[%swap3A_60, %swap3A_61], %scan3A_52#4 {strides = array<i32>} : memref<8x1024xf32, #tpu.memory_space<vmem>>, vector<8x128xf32>,
    %scan3A_63 = arith.constant 0 : i32
    %scan3A_64 = arith.constant 128 : i32
    %scan3A_65 = arith.addi %scan3A_63, %scan3A_64 : i32
    %scan3A_66 = arith.constant 2 : i32
    %scan3A_67:5 = scf.for %scan3A_138 = %scan3A_63 to %scan3A_65 step %scan3A_66 iter_args(%scan3A_139 = %scan3A_52#0, %scan3A_140 = %scan3A_52#1, %scan3A_141 = %broadcast_in_dim3A_15, %scan3A_142 = %broadcast_in_dim3A_15, %scan3A_143 = %broadcast_in_dim3A_15) -> (vector<8x1xi32>, vector<8x4096xf32>, vector<8x128xf32>, vector<8x128xf32>, vector<8x128xf32>)  : i32 {
      %eq3A = vector.broadcast %scan3A_139 : vector<8x1xi32> to vector<8x4096xi32>
      %eq3A_144 = arith.cmpi eq, %iota3A, %eq3A : vector<8x4096xi32>
      %jit3A = arith.constant 0.000000e+00 : f32
      %broadcast_in_dim3A_145 = vector.broadcast %jit3A : f32 to vector<8x4096xf32>
      %select_n3A = arith.select %eq3A_144, %get3A_3, %broadcast_in_dim3A_145 : vector<8x4096xi1>, vector<8x4096xf32>
      %reduce_sum3A = arith.constant dense<0.000000e+00> : vector<8xf32>
      %reduce_sum3A_146 = vector.multi_reduction <add>, %select_n3A, %reduce_sum3A [1] : vector<8x4096xf32> to vector<8xf32>
      %broadcast_in_dim3A_147 = vector.shape_cast %reduce_sum3A_146 : vector<8xf32> to vector<8x1xf32>
      %jit3A_148 = arith.constant 0.000000e+00 : f32
      %broadcast_in_dim3A_149 = vector.broadcast %jit3A_148 : f32 to vector<8x4096xf32>
      %select_n3A_150 = arith.select %eq3A_144, %get3A_8, %broadcast_in_dim3A_149 : vector<8x4096xi1>, vector<8x4096xf32>
      %reduce_sum3A_151 = arith.constant dense<0.000000e+00> : vector<8xf32>
      %reduce_sum3A_152 = vector.multi_reduction <add>, %select_n3A_150, %reduce_sum3A_151 [1] : vector<8x4096xf32> to vector<8xf32>
      %broadcast_in_dim3A_153 = vector.shape_cast %reduce_sum3A_152 : vector<8xf32> to vector<8x1xf32>
      %jit3A_154 = arith.constant 0.000000e+00 : f32
      %broadcast_in_dim3A_155 = vector.broadcast %jit3A_154 : f32 to vector<8x4096xf32>
      %select_n3A_156 = arith.select %eq3A_144, %get3A_13, %broadcast_in_dim3A_155 : vector<8x4096xi1>, vector<8x4096xf32>
      %reduce_sum3A_157 = arith.constant dense<0.000000e+00> : vector<8xf32>
      %reduce_sum3A_158 = vector.multi_reduction <add>, %select_n3A_156, %reduce_sum3A_157 [1] : vector<8x4096xf32> to vector<8xf32>
      %broadcast_in_dim3A_159 = vector.shape_cast %reduce_sum3A_158 : vector<8xf32> to vector<8x1xf32>
      %eq3A_160 = vector.broadcast %scan3A_138 : i32 to vector<8x128xi32>
      %eq3A_161 = arith.cmpi eq, %iota3A_14, %eq3A_160 : vector<8x128xi32>
      %broadcast_in_dim3A_162 = vector.shape_cast %broadcast_in_dim3A_147 : vector<8x1xf32> to vector<8x1xf32>
      %broadcast_in_dim3A_163 = vector.broadcast %broadcast_in_dim3A_162 : vector<8x1xf32> to vector<8x128xf32>
      %select_n3A_164 = arith.select %eq3A_161, %broadcast_in_dim3A_163, %scan3A_141 : vector<8x128xi1>, vector<8x128xf32>
      %broadcast_in_dim3A_165 = vector.shape_cast %broadcast_in_dim3A_153 : vector<8x1xf32> to vector<8x1xf32>
      %broadcast_in_dim3A_166 = vector.broadcast %broadcast_in_dim3A_165 : vector<8x1xf32> to vector<8x128xf32>
      %select_n3A_167 = arith.select %eq3A_161, %broadcast_in_dim3A_166, %scan3A_142 : vector<8x128xi1>, vector<8x128xf32>
      %broadcast_in_dim3A_168 = vector.shape_cast %broadcast_in_dim3A_159 : vector<8x1xf32> to vector<8x1xf32>
      %broadcast_in_dim3A_169 = vector.broadcast %broadcast_in_dim3A_168 : vector<8x1xf32> to vector<8x128xf32>
      %select_n3A_170 = arith.select %eq3A_161, %broadcast_in_dim3A_169, %scan3A_143 : vector<8x128xi1>, vector<8x128xf32>
      %sub3A = vector.broadcast %broadcast_in_dim3A_147 : vector<8x1xf32> to vector<8x4096xf32>
      %sub3A_171 = arith.subf %get3A_3, %sub3A : vector<8x4096xf32>
      %sub3A_172 = vector.broadcast %broadcast_in_dim3A_153 : vector<8x1xf32> to vector<8x4096xf32>
      %sub3A_173 = arith.subf %get3A_8, %sub3A_172 : vector<8x4096xf32>
      %sub3A_174 = vector.broadcast %broadcast_in_dim3A_159 : vector<8x1xf32> to vector<8x4096xf32>
      %sub3A_175 = arith.subf %get3A_13, %sub3A_174 : vector<8x4096xf32>
      %mul3A = arith.mulf %sub3A_171, %sub3A_171 : vector<8x4096xf32>
      %mul3A_176 = arith.mulf %sub3A_173, %sub3A_173 : vector<8x4096xf32>
      %add3A = arith.addf %mul3A, %mul3A_176 : vector<8x4096xf32>
      %mul3A_177 = arith.mulf %sub3A_175, %sub3A_175 : vector<8x4096xf32>
      %add3A_178 = arith.addf %add3A, %mul3A_177 : vector<8x4096xf32>
      %min3A = arith.minimumf %scan3A_140, %add3A_178 : vector<8x4096xf32>
      %argmax3A = tpu.reduce_index %min3A {axis = 1 : i32, kind = #tpu.reduction_kind<arg_max>} : vector<8x4096xf32> -> vector<8xi32>
      %reshape3A = vector.shape_cast %argmax3A : vector<8xi32> to vector<8x1xi32>
      %scan3A_179 = arith.constant 1 : i32
      %scan3A_180 = arith.addi %scan3A_138, %scan3A_179 : i32
      %eq3A_181 = vector.broadcast %reshape3A : vector<8x1xi32> to vector<8x4096xi32>
      %eq3A_182 = arith.cmpi eq, %iota3A, %eq3A_181 : vector<8x4096xi32>
      %jit3A_183 = arith.constant 0.000000e+00 : f32
      %broadcast_in_dim3A_184 = vector.broadcast %jit3A_183 : f32 to vector<8x4096xf32>
      %select_n3A_185 = arith.select %eq3A_182, %get3A_3, %broadcast_in_dim3A_184 : vector<8x4096xi1>, vector<8x4096xf32>
      %reduce_sum3A_186 = arith.constant dense<0.000000e+00> : vector<8xf32>
      %reduce_sum3A_187 = vector.multi_reduction <add>, %select_n3A_185, %reduce_sum3A_186 [1] : vector<8x4096xf32> to vector<8xf32>
      %broadcast_in_dim3A_188 = vector.shape_cast %reduce_sum3A_187 : vector<8xf32> to vector<8x1xf32>
      %jit3A_189 = arith.constant 0.000000e+00 : f32
      %broadcast_in_dim3A_190 = vector.broadcast %jit3A_189 : f32 to vector<8x4096xf32>
      %select_n3A_191 = arith.select %eq3A_182, %get3A_8, %broadcast_in_dim3A_190 : vector<8x4096xi1>, vector<8x4096xf32>
      %reduce_sum3A_192 = arith.constant dense<0.000000e+00> : vector<8xf32>
      %reduce_sum3A_193 = vector.multi_reduction <add>, %select_n3A_191, %reduce_sum3A_192 [1] : vector<8x4096xf32> to vector<8xf32>
      %broadcast_in_dim3A_194 = vector.shape_cast %reduce_sum3A_193 : vector<8xf32> to vector<8x1xf32>
      %jit3A_195 = arith.constant 0.000000e+00 : f32
      %broadcast_in_dim3A_196 = vector.broadcast %jit3A_195 : f32 to vector<8x4096xf32>
      %select_n3A_197 = arith.select %eq3A_182, %get3A_13, %broadcast_in_dim3A_196 : vector<8x4096xi1>, vector<8x4096xf32>
      %reduce_sum3A_198 = arith.constant dense<0.000000e+00> : vector<8xf32>
      %reduce_sum3A_199 = vector.multi_reduction <add>, %select_n3A_197, %reduce_sum3A_198 [1] : vector<8x4096xf32> to vector<8xf32>
      %broadcast_in_dim3A_200 = vector.shape_cast %reduce_sum3A_199 : vector<8xf32> to vector<8x1xf32>
      %eq3A_201 = vector.broadcast %scan3A_180 : i32 to vector<8x128xi32>
      %eq3A_202 = arith.cmpi eq, %iota3A_14, %eq3A_201 : vector<8x128xi32>
      %broadcast_in_dim3A_203 = vector.shape_cast %broadcast_in_dim3A_188 : vector<8x1xf32> to vector<8x1xf32>
      %broadcast_in_dim3A_204 = vector.broadcast %broadcast_in_dim3A_203 : vector<8x1xf32> to vector<8x128xf32>
      %select_n3A_205 = arith.select %eq3A_202, %broadcast_in_dim3A_204, %select_n3A_164 : vector<8x128xi1>, vector<8x128xf32>
      %broadcast_in_dim3A_206 = vector.shape_cast %broadcast_in_dim3A_194 : vector<8x1xf32> to vector<8x1xf32>
      %broadcast_in_dim3A_207 = vector.broadcast %broadcast_in_dim3A_206 : vector<8x1xf32> to vector<8x128xf32>
      %select_n3A_208 = arith.select %eq3A_202, %broadcast_in_dim3A_207, %select_n3A_167 : vector<8x128xi1>, vector<8x128xf32>
      %broadcast_in_dim3A_209 = vector.shape_cast %broadcast_in_dim3A_200 : vector<8x1xf32> to vector<8x1xf32>
      %broadcast_in_dim3A_210 = vector.broadcast %broadcast_in_dim3A_209 : vector<8x1xf32> to vector<8x128xf32>
      %select_n3A_211 = arith.select %eq3A_202, %broadcast_in_dim3A_210, %select_n3A_170 : vector<8x128xi1>, vector<8x128xf32>
      %sub3A_212 = vector.broadcast %broadcast_in_dim3A_188 : vector<8x1xf32> to vector<8x4096xf32>
      %sub3A_213 = arith.subf %get3A_3, %sub3A_212 : vector<8x4096xf32>
      %sub3A_214 = vector.broadcast %broadcast_in_dim3A_194 : vector<8x1xf32> to vector<8x4096xf32>
      %sub3A_215 = arith.subf %get3A_8, %sub3A_214 : vector<8x4096xf32>
      %sub3A_216 = vector.broadcast %broadcast_in_dim3A_200 : vector<8x1xf32> to vector<8x4096xf32>
      %sub3A_217 = arith.subf %get3A_13, %sub3A_216 : vector<8x4096xf32>
      %mul3A_218 = arith.mulf %sub3A_213, %sub3A_213 : vector<8x4096xf32>
      %mul3A_219 = arith.mulf %sub3A_215, %sub3A_215 : vector<8x4096xf32>
      %add3A_220 = arith.addf %mul3A_218, %mul3A_219 : vector<8x4096xf32>
      %mul3A_221 = arith.mulf %sub3A_217, %sub3A_217 : vector<8x4096xf32>
      %add3A_222 = arith.addf %add3A_220, %mul3A_221 : vector<8x4096xf32>
      %min3A_223 = arith.minimumf %min3A, %add3A_222 : vector<8x4096xf32>
      %argmax3A_224 = tpu.reduce_index %min3A_223 {axis = 1 : i32, kind = #tpu.reduction_kind<arg_max>} : vector<8x4096xf32> -> vector<8xi32>
      %reshape3A_225 = vector.shape_cast %argmax3A_224 : vector<8xi32> to vector<8x1xi32>
      scf.yield %reshape3A_225, %min3A_223, %select_n3A_205, %select_n3A_208, %select_n3A_211 : vector<8x1xi32>, vector<8x4096xf32>, vector<8x128xf32>, vector<8x128xf32>, vector<8x128xf32>
    }
    %scan3A_68 = arith.constant 128 : i32
    %swap3A_69 = arith.constant 0 : index
    %swap3A_70 = arith.constant 384 : index
    %swap3A_71 = vector.load %arg1[%swap3A_69, %swap3A_70] : memref<8x1024xf32, #tpu.memory_space<vmem>>, vector<8x128xf32>
    tpu.vector_store %arg1[%swap3A_69, %swap3A_70], %scan3A_67#2 {strides = array<i32>} : memref<8x1024xf32, #tpu.memory_space<vmem>>, vector<8x128xf32>,
    %swap3A_72 = arith.constant 0 : index
    %swap3A_73 = arith.constant 384 : index
    %swap3A_74 = vector.load %arg2[%swap3A_72, %swap3A_73] : memref<8x1024xf32, #tpu.memory_space<vmem>>, vector<8x128xf32>
    tpu.vector_store %arg2[%swap3A_72, %swap3A_73], %scan3A_67#3 {strides = array<i32>} : memref<8x1024xf32, #tpu.memory_space<vmem>>, vector<8x128xf32>,
    %swap3A_75 = arith.constant 0 : index
    %swap3A_76 = arith.constant 384 : index
    %swap3A_77 = vector.load %arg3[%swap3A_75, %swap3A_76] : memref<8x1024xf32, #tpu.memory_space<vmem>>, vector<8x128xf32>
    tpu.vector_store %arg3[%swap3A_75, %swap3A_76], %scan3A_67#4 {strides = array<i32>} : memref<8x1024xf32, #tpu.memory_space<vmem>>, vector<8x128xf32>,
    %scan3A_78 = arith.constant 0 : i32
    %scan3A_79 = arith.constant 128 : i32
    %scan3A_80 = arith.addi %scan3A_78, %scan3A_79 : i32
    %scan3A_81 = arith.constant 2 : i32
    %scan3A_82:5 = scf.for %scan3A_138 = %scan3A_78 to %scan3A_80 step %scan3A_81 iter_args(%scan3A_139 = %scan3A_67#0, %scan3A_140 = %scan3A_67#1, %scan3A_141 = %broadcast_in_dim3A_15, %scan3A_142 = %broadcast_in_dim3A_15, %scan3A_143 = %broadcast_in_dim3A_15) -> (vector<8x1xi32>, vector<8x4096xf32>, vector<8x128xf32>, vector<8x128xf32>, vector<8x128xf32>)  : i32 {
      %eq3A = vector.broadcast %scan3A_139 : vector<8x1xi32> to vector<8x4096xi32>
      %eq3A_144 = arith.cmpi eq, %iota3A, %eq3A : vector<8x4096xi32>
      %jit3A = arith.constant 0.000000e+00 : f32
      %broadcast_in_dim3A_145 = vector.broadcast %jit3A : f32 to vector<8x4096xf32>
      %select_n3A = arith.select %eq3A_144, %get3A_3, %broadcast_in_dim3A_145 : vector<8x4096xi1>, vector<8x4096xf32>
      %reduce_sum3A = arith.constant dense<0.000000e+00> : vector<8xf32>
      %reduce_sum3A_146 = vector.multi_reduction <add>, %select_n3A, %reduce_sum3A [1] : vector<8x4096xf32> to vector<8xf32>
      %broadcast_in_dim3A_147 = vector.shape_cast %reduce_sum3A_146 : vector<8xf32> to vector<8x1xf32>
      %jit3A_148 = arith.constant 0.000000e+00 : f32
      %broadcast_in_dim3A_149 = vector.broadcast %jit3A_148 : f32 to vector<8x4096xf32>
      %select_n3A_150 = arith.select %eq3A_144, %get3A_8, %broadcast_in_dim3A_149 : vector<8x4096xi1>, vector<8x4096xf32>
      %reduce_sum3A_151 = arith.constant dense<0.000000e+00> : vector<8xf32>
      %reduce_sum3A_152 = vector.multi_reduction <add>, %select_n3A_150, %reduce_sum3A_151 [1] : vector<8x4096xf32> to vector<8xf32>
      %broadcast_in_dim3A_153 = vector.shape_cast %reduce_sum3A_152 : vector<8xf32> to vector<8x1xf32>
      %jit3A_154 = arith.constant 0.000000e+00 : f32
      %broadcast_in_dim3A_155 = vector.broadcast %jit3A_154 : f32 to vector<8x4096xf32>
      %select_n3A_156 = arith.select %eq3A_144, %get3A_13, %broadcast_in_dim3A_155 : vector<8x4096xi1>, vector<8x4096xf32>
      %reduce_sum3A_157 = arith.constant dense<0.000000e+00> : vector<8xf32>
      %reduce_sum3A_158 = vector.multi_reduction <add>, %select_n3A_156, %reduce_sum3A_157 [1] : vector<8x4096xf32> to vector<8xf32>
      %broadcast_in_dim3A_159 = vector.shape_cast %reduce_sum3A_158 : vector<8xf32> to vector<8x1xf32>
      %eq3A_160 = vector.broadcast %scan3A_138 : i32 to vector<8x128xi32>
      %eq3A_161 = arith.cmpi eq, %iota3A_14, %eq3A_160 : vector<8x128xi32>
      %broadcast_in_dim3A_162 = vector.shape_cast %broadcast_in_dim3A_147 : vector<8x1xf32> to vector<8x1xf32>
      %broadcast_in_dim3A_163 = vector.broadcast %broadcast_in_dim3A_162 : vector<8x1xf32> to vector<8x128xf32>
      %select_n3A_164 = arith.select %eq3A_161, %broadcast_in_dim3A_163, %scan3A_141 : vector<8x128xi1>, vector<8x128xf32>
      %broadcast_in_dim3A_165 = vector.shape_cast %broadcast_in_dim3A_153 : vector<8x1xf32> to vector<8x1xf32>
      %broadcast_in_dim3A_166 = vector.broadcast %broadcast_in_dim3A_165 : vector<8x1xf32> to vector<8x128xf32>
      %select_n3A_167 = arith.select %eq3A_161, %broadcast_in_dim3A_166, %scan3A_142 : vector<8x128xi1>, vector<8x128xf32>
      %broadcast_in_dim3A_168 = vector.shape_cast %broadcast_in_dim3A_159 : vector<8x1xf32> to vector<8x1xf32>
      %broadcast_in_dim3A_169 = vector.broadcast %broadcast_in_dim3A_168 : vector<8x1xf32> to vector<8x128xf32>
      %select_n3A_170 = arith.select %eq3A_161, %broadcast_in_dim3A_169, %scan3A_143 : vector<8x128xi1>, vector<8x128xf32>
      %sub3A = vector.broadcast %broadcast_in_dim3A_147 : vector<8x1xf32> to vector<8x4096xf32>
      %sub3A_171 = arith.subf %get3A_3, %sub3A : vector<8x4096xf32>
      %sub3A_172 = vector.broadcast %broadcast_in_dim3A_153 : vector<8x1xf32> to vector<8x4096xf32>
      %sub3A_173 = arith.subf %get3A_8, %sub3A_172 : vector<8x4096xf32>
      %sub3A_174 = vector.broadcast %broadcast_in_dim3A_159 : vector<8x1xf32> to vector<8x4096xf32>
      %sub3A_175 = arith.subf %get3A_13, %sub3A_174 : vector<8x4096xf32>
      %mul3A = arith.mulf %sub3A_171, %sub3A_171 : vector<8x4096xf32>
      %mul3A_176 = arith.mulf %sub3A_173, %sub3A_173 : vector<8x4096xf32>
      %add3A = arith.addf %mul3A, %mul3A_176 : vector<8x4096xf32>
      %mul3A_177 = arith.mulf %sub3A_175, %sub3A_175 : vector<8x4096xf32>
      %add3A_178 = arith.addf %add3A, %mul3A_177 : vector<8x4096xf32>
      %min3A = arith.minimumf %scan3A_140, %add3A_178 : vector<8x4096xf32>
      %argmax3A = tpu.reduce_index %min3A {axis = 1 : i32, kind = #tpu.reduction_kind<arg_max>} : vector<8x4096xf32> -> vector<8xi32>
      %reshape3A = vector.shape_cast %argmax3A : vector<8xi32> to vector<8x1xi32>
      %scan3A_179 = arith.constant 1 : i32
      %scan3A_180 = arith.addi %scan3A_138, %scan3A_179 : i32
      %eq3A_181 = vector.broadcast %reshape3A : vector<8x1xi32> to vector<8x4096xi32>
      %eq3A_182 = arith.cmpi eq, %iota3A, %eq3A_181 : vector<8x4096xi32>
      %jit3A_183 = arith.constant 0.000000e+00 : f32
      %broadcast_in_dim3A_184 = vector.broadcast %jit3A_183 : f32 to vector<8x4096xf32>
      %select_n3A_185 = arith.select %eq3A_182, %get3A_3, %broadcast_in_dim3A_184 : vector<8x4096xi1>, vector<8x4096xf32>
      %reduce_sum3A_186 = arith.constant dense<0.000000e+00> : vector<8xf32>
      %reduce_sum3A_187 = vector.multi_reduction <add>, %select_n3A_185, %reduce_sum3A_186 [1] : vector<8x4096xf32> to vector<8xf32>
      %broadcast_in_dim3A_188 = vector.shape_cast %reduce_sum3A_187 : vector<8xf32> to vector<8x1xf32>
      %jit3A_189 = arith.constant 0.000000e+00 : f32
      %broadcast_in_dim3A_190 = vector.broadcast %jit3A_189 : f32 to vector<8x4096xf32>
      %select_n3A_191 = arith.select %eq3A_182, %get3A_8, %broadcast_in_dim3A_190 : vector<8x4096xi1>, vector<8x4096xf32>
      %reduce_sum3A_192 = arith.constant dense<0.000000e+00> : vector<8xf32>
      %reduce_sum3A_193 = vector.multi_reduction <add>, %select_n3A_191, %reduce_sum3A_192 [1] : vector<8x4096xf32> to vector<8xf32>
      %broadcast_in_dim3A_194 = vector.shape_cast %reduce_sum3A_193 : vector<8xf32> to vector<8x1xf32>
      %jit3A_195 = arith.constant 0.000000e+00 : f32
      %broadcast_in_dim3A_196 = vector.broadcast %jit3A_195 : f32 to vector<8x4096xf32>
      %select_n3A_197 = arith.select %eq3A_182, %get3A_13, %broadcast_in_dim3A_196 : vector<8x4096xi1>, vector<8x4096xf32>
      %reduce_sum3A_198 = arith.constant dense<0.000000e+00> : vector<8xf32>
      %reduce_sum3A_199 = vector.multi_reduction <add>, %select_n3A_197, %reduce_sum3A_198 [1] : vector<8x4096xf32> to vector<8xf32>
      %broadcast_in_dim3A_200 = vector.shape_cast %reduce_sum3A_199 : vector<8xf32> to vector<8x1xf32>
      %eq3A_201 = vector.broadcast %scan3A_180 : i32 to vector<8x128xi32>
      %eq3A_202 = arith.cmpi eq, %iota3A_14, %eq3A_201 : vector<8x128xi32>
      %broadcast_in_dim3A_203 = vector.shape_cast %broadcast_in_dim3A_188 : vector<8x1xf32> to vector<8x1xf32>
      %broadcast_in_dim3A_204 = vector.broadcast %broadcast_in_dim3A_203 : vector<8x1xf32> to vector<8x128xf32>
      %select_n3A_205 = arith.select %eq3A_202, %broadcast_in_dim3A_204, %select_n3A_164 : vector<8x128xi1>, vector<8x128xf32>
      %broadcast_in_dim3A_206 = vector.shape_cast %broadcast_in_dim3A_194 : vector<8x1xf32> to vector<8x1xf32>
      %broadcast_in_dim3A_207 = vector.broadcast %broadcast_in_dim3A_206 : vector<8x1xf32> to vector<8x128xf32>
      %select_n3A_208 = arith.select %eq3A_202, %broadcast_in_dim3A_207, %select_n3A_167 : vector<8x128xi1>, vector<8x128xf32>
      %broadcast_in_dim3A_209 = vector.shape_cast %broadcast_in_dim3A_200 : vector<8x1xf32> to vector<8x1xf32>
      %broadcast_in_dim3A_210 = vector.broadcast %broadcast_in_dim3A_209 : vector<8x1xf32> to vector<8x128xf32>
      %select_n3A_211 = arith.select %eq3A_202, %broadcast_in_dim3A_210, %select_n3A_170 : vector<8x128xi1>, vector<8x128xf32>
      %sub3A_212 = vector.broadcast %broadcast_in_dim3A_188 : vector<8x1xf32> to vector<8x4096xf32>
      %sub3A_213 = arith.subf %get3A_3, %sub3A_212 : vector<8x4096xf32>
      %sub3A_214 = vector.broadcast %broadcast_in_dim3A_194 : vector<8x1xf32> to vector<8x4096xf32>
      %sub3A_215 = arith.subf %get3A_8, %sub3A_214 : vector<8x4096xf32>
      %sub3A_216 = vector.broadcast %broadcast_in_dim3A_200 : vector<8x1xf32> to vector<8x4096xf32>
      %sub3A_217 = arith.subf %get3A_13, %sub3A_216 : vector<8x4096xf32>
      %mul3A_218 = arith.mulf %sub3A_213, %sub3A_213 : vector<8x4096xf32>
      %mul3A_219 = arith.mulf %sub3A_215, %sub3A_215 : vector<8x4096xf32>
      %add3A_220 = arith.addf %mul3A_218, %mul3A_219 : vector<8x4096xf32>
      %mul3A_221 = arith.mulf %sub3A_217, %sub3A_217 : vector<8x4096xf32>
      %add3A_222 = arith.addf %add3A_220, %mul3A_221 : vector<8x4096xf32>
      %min3A_223 = arith.minimumf %min3A, %add3A_222 : vector<8x4096xf32>
      %argmax3A_224 = tpu.reduce_index %min3A_223 {axis = 1 : i32, kind = #tpu.reduction_kind<arg_max>} : vector<8x4096xf32> -> vector<8xi32>
      %reshape3A_225 = vector.shape_cast %argmax3A_224 : vector<8xi32> to vector<8x1xi32>
      scf.yield %reshape3A_225, %min3A_223, %select_n3A_205, %select_n3A_208, %select_n3A_211 : vector<8x1xi32>, vector<8x4096xf32>, vector<8x128xf32>, vector<8x128xf32>, vector<8x128xf32>
    }
    %scan3A_83 = arith.constant 128 : i32
    %swap3A_84 = arith.constant 0 : index
    %swap3A_85 = arith.constant 512 : index
    %swap3A_86 = vector.load %arg1[%swap3A_84, %swap3A_85] : memref<8x1024xf32, #tpu.memory_space<vmem>>, vector<8x128xf32>
    tpu.vector_store %arg1[%swap3A_84, %swap3A_85], %scan3A_82#2 {strides = array<i32>} : memref<8x1024xf32, #tpu.memory_space<vmem>>, vector<8x128xf32>,
    %swap3A_87 = arith.constant 0 : index
    %swap3A_88 = arith.constant 512 : index
    %swap3A_89 = vector.load %arg2[%swap3A_87, %swap3A_88] : memref<8x1024xf32, #tpu.memory_space<vmem>>, vector<8x128xf32>
    tpu.vector_store %arg2[%swap3A_87, %swap3A_88], %scan3A_82#3 {strides = array<i32>} : memref<8x1024xf32, #tpu.memory_space<vmem>>, vector<8x128xf32>,
    %swap3A_90 = arith.constant 0 : index
    %swap3A_91 = arith.constant 512 : index
    %swap3A_92 = vector.load %arg3[%swap3A_90, %swap3A_91] : memref<8x1024xf32, #tpu.memory_space<vmem>>, vector<8x128xf32>
    tpu.vector_store %arg3[%swap3A_90, %swap3A_91], %scan3A_82#4 {strides = array<i32>} : memref<8x1024xf32, #tpu.memory_space<vmem>>, vector<8x128xf32>,
    %scan3A_93 = arith.constant 0 : i32
    %scan3A_94 = arith.constant 128 : i32
    %scan3A_95 = arith.addi %scan3A_93, %scan3A_94 : i32
    %scan3A_96 = arith.constant 2 : i32
    %scan3A_97:5 = scf.for %scan3A_138 = %scan3A_93 to %scan3A_95 step %scan3A_96 iter_args(%scan3A_139 = %scan3A_82#0, %scan3A_140 = %scan3A_82#1, %scan3A_141 = %broadcast_in_dim3A_15, %scan3A_142 = %broadcast_in_dim3A_15, %scan3A_143 = %broadcast_in_dim3A_15) -> (vector<8x1xi32>, vector<8x4096xf32>, vector<8x128xf32>, vector<8x128xf32>, vector<8x128xf32>)  : i32 {
      %eq3A = vector.broadcast %scan3A_139 : vector<8x1xi32> to vector<8x4096xi32>
      %eq3A_144 = arith.cmpi eq, %iota3A, %eq3A : vector<8x4096xi32>
      %jit3A = arith.constant 0.000000e+00 : f32
      %broadcast_in_dim3A_145 = vector.broadcast %jit3A : f32 to vector<8x4096xf32>
      %select_n3A = arith.select %eq3A_144, %get3A_3, %broadcast_in_dim3A_145 : vector<8x4096xi1>, vector<8x4096xf32>
      %reduce_sum3A = arith.constant dense<0.000000e+00> : vector<8xf32>
      %reduce_sum3A_146 = vector.multi_reduction <add>, %select_n3A, %reduce_sum3A [1] : vector<8x4096xf32> to vector<8xf32>
      %broadcast_in_dim3A_147 = vector.shape_cast %reduce_sum3A_146 : vector<8xf32> to vector<8x1xf32>
      %jit3A_148 = arith.constant 0.000000e+00 : f32
      %broadcast_in_dim3A_149 = vector.broadcast %jit3A_148 : f32 to vector<8x4096xf32>
      %select_n3A_150 = arith.select %eq3A_144, %get3A_8, %broadcast_in_dim3A_149 : vector<8x4096xi1>, vector<8x4096xf32>
      %reduce_sum3A_151 = arith.constant dense<0.000000e+00> : vector<8xf32>
      %reduce_sum3A_152 = vector.multi_reduction <add>, %select_n3A_150, %reduce_sum3A_151 [1] : vector<8x4096xf32> to vector<8xf32>
      %broadcast_in_dim3A_153 = vector.shape_cast %reduce_sum3A_152 : vector<8xf32> to vector<8x1xf32>
      %jit3A_154 = arith.constant 0.000000e+00 : f32
      %broadcast_in_dim3A_155 = vector.broadcast %jit3A_154 : f32 to vector<8x4096xf32>
      %select_n3A_156 = arith.select %eq3A_144, %get3A_13, %broadcast_in_dim3A_155 : vector<8x4096xi1>, vector<8x4096xf32>
      %reduce_sum3A_157 = arith.constant dense<0.000000e+00> : vector<8xf32>
      %reduce_sum3A_158 = vector.multi_reduction <add>, %select_n3A_156, %reduce_sum3A_157 [1] : vector<8x4096xf32> to vector<8xf32>
      %broadcast_in_dim3A_159 = vector.shape_cast %reduce_sum3A_158 : vector<8xf32> to vector<8x1xf32>
      %eq3A_160 = vector.broadcast %scan3A_138 : i32 to vector<8x128xi32>
      %eq3A_161 = arith.cmpi eq, %iota3A_14, %eq3A_160 : vector<8x128xi32>
      %broadcast_in_dim3A_162 = vector.shape_cast %broadcast_in_dim3A_147 : vector<8x1xf32> to vector<8x1xf32>
      %broadcast_in_dim3A_163 = vector.broadcast %broadcast_in_dim3A_162 : vector<8x1xf32> to vector<8x128xf32>
      %select_n3A_164 = arith.select %eq3A_161, %broadcast_in_dim3A_163, %scan3A_141 : vector<8x128xi1>, vector<8x128xf32>
      %broadcast_in_dim3A_165 = vector.shape_cast %broadcast_in_dim3A_153 : vector<8x1xf32> to vector<8x1xf32>
      %broadcast_in_dim3A_166 = vector.broadcast %broadcast_in_dim3A_165 : vector<8x1xf32> to vector<8x128xf32>
      %select_n3A_167 = arith.select %eq3A_161, %broadcast_in_dim3A_166, %scan3A_142 : vector<8x128xi1>, vector<8x128xf32>
      %broadcast_in_dim3A_168 = vector.shape_cast %broadcast_in_dim3A_159 : vector<8x1xf32> to vector<8x1xf32>
      %broadcast_in_dim3A_169 = vector.broadcast %broadcast_in_dim3A_168 : vector<8x1xf32> to vector<8x128xf32>
      %select_n3A_170 = arith.select %eq3A_161, %broadcast_in_dim3A_169, %scan3A_143 : vector<8x128xi1>, vector<8x128xf32>
      %sub3A = vector.broadcast %broadcast_in_dim3A_147 : vector<8x1xf32> to vector<8x4096xf32>
      %sub3A_171 = arith.subf %get3A_3, %sub3A : vector<8x4096xf32>
      %sub3A_172 = vector.broadcast %broadcast_in_dim3A_153 : vector<8x1xf32> to vector<8x4096xf32>
      %sub3A_173 = arith.subf %get3A_8, %sub3A_172 : vector<8x4096xf32>
      %sub3A_174 = vector.broadcast %broadcast_in_dim3A_159 : vector<8x1xf32> to vector<8x4096xf32>
      %sub3A_175 = arith.subf %get3A_13, %sub3A_174 : vector<8x4096xf32>
      %mul3A = arith.mulf %sub3A_171, %sub3A_171 : vector<8x4096xf32>
      %mul3A_176 = arith.mulf %sub3A_173, %sub3A_173 : vector<8x4096xf32>
      %add3A = arith.addf %mul3A, %mul3A_176 : vector<8x4096xf32>
      %mul3A_177 = arith.mulf %sub3A_175, %sub3A_175 : vector<8x4096xf32>
      %add3A_178 = arith.addf %add3A, %mul3A_177 : vector<8x4096xf32>
      %min3A = arith.minimumf %scan3A_140, %add3A_178 : vector<8x4096xf32>
      %argmax3A = tpu.reduce_index %min3A {axis = 1 : i32, kind = #tpu.reduction_kind<arg_max>} : vector<8x4096xf32> -> vector<8xi32>
      %reshape3A = vector.shape_cast %argmax3A : vector<8xi32> to vector<8x1xi32>
      %scan3A_179 = arith.constant 1 : i32
      %scan3A_180 = arith.addi %scan3A_138, %scan3A_179 : i32
      %eq3A_181 = vector.broadcast %reshape3A : vector<8x1xi32> to vector<8x4096xi32>
      %eq3A_182 = arith.cmpi eq, %iota3A, %eq3A_181 : vector<8x4096xi32>
      %jit3A_183 = arith.constant 0.000000e+00 : f32
      %broadcast_in_dim3A_184 = vector.broadcast %jit3A_183 : f32 to vector<8x4096xf32>
      %select_n3A_185 = arith.select %eq3A_182, %get3A_3, %broadcast_in_dim3A_184 : vector<8x4096xi1>, vector<8x4096xf32>
      %reduce_sum3A_186 = arith.constant dense<0.000000e+00> : vector<8xf32>
      %reduce_sum3A_187 = vector.multi_reduction <add>, %select_n3A_185, %reduce_sum3A_186 [1] : vector<8x4096xf32> to vector<8xf32>
      %broadcast_in_dim3A_188 = vector.shape_cast %reduce_sum3A_187 : vector<8xf32> to vector<8x1xf32>
      %jit3A_189 = arith.constant 0.000000e+00 : f32
      %broadcast_in_dim3A_190 = vector.broadcast %jit3A_189 : f32 to vector<8x4096xf32>
      %select_n3A_191 = arith.select %eq3A_182, %get3A_8, %broadcast_in_dim3A_190 : vector<8x4096xi1>, vector<8x4096xf32>
      %reduce_sum3A_192 = arith.constant dense<0.000000e+00> : vector<8xf32>
      %reduce_sum3A_193 = vector.multi_reduction <add>, %select_n3A_191, %reduce_sum3A_192 [1] : vector<8x4096xf32> to vector<8xf32>
      %broadcast_in_dim3A_194 = vector.shape_cast %reduce_sum3A_193 : vector<8xf32> to vector<8x1xf32>
      %jit3A_195 = arith.constant 0.000000e+00 : f32
      %broadcast_in_dim3A_196 = vector.broadcast %jit3A_195 : f32 to vector<8x4096xf32>
      %select_n3A_197 = arith.select %eq3A_182, %get3A_13, %broadcast_in_dim3A_196 : vector<8x4096xi1>, vector<8x4096xf32>
      %reduce_sum3A_198 = arith.constant dense<0.000000e+00> : vector<8xf32>
      %reduce_sum3A_199 = vector.multi_reduction <add>, %select_n3A_197, %reduce_sum3A_198 [1] : vector<8x4096xf32> to vector<8xf32>
      %broadcast_in_dim3A_200 = vector.shape_cast %reduce_sum3A_199 : vector<8xf32> to vector<8x1xf32>
      %eq3A_201 = vector.broadcast %scan3A_180 : i32 to vector<8x128xi32>
      %eq3A_202 = arith.cmpi eq, %iota3A_14, %eq3A_201 : vector<8x128xi32>
      %broadcast_in_dim3A_203 = vector.shape_cast %broadcast_in_dim3A_188 : vector<8x1xf32> to vector<8x1xf32>
      %broadcast_in_dim3A_204 = vector.broadcast %broadcast_in_dim3A_203 : vector<8x1xf32> to vector<8x128xf32>
      %select_n3A_205 = arith.select %eq3A_202, %broadcast_in_dim3A_204, %select_n3A_164 : vector<8x128xi1>, vector<8x128xf32>
      %broadcast_in_dim3A_206 = vector.shape_cast %broadcast_in_dim3A_194 : vector<8x1xf32> to vector<8x1xf32>
      %broadcast_in_dim3A_207 = vector.broadcast %broadcast_in_dim3A_206 : vector<8x1xf32> to vector<8x128xf32>
      %select_n3A_208 = arith.select %eq3A_202, %broadcast_in_dim3A_207, %select_n3A_167 : vector<8x128xi1>, vector<8x128xf32>
      %broadcast_in_dim3A_209 = vector.shape_cast %broadcast_in_dim3A_200 : vector<8x1xf32> to vector<8x1xf32>
      %broadcast_in_dim3A_210 = vector.broadcast %broadcast_in_dim3A_209 : vector<8x1xf32> to vector<8x128xf32>
      %select_n3A_211 = arith.select %eq3A_202, %broadcast_in_dim3A_210, %select_n3A_170 : vector<8x128xi1>, vector<8x128xf32>
      %sub3A_212 = vector.broadcast %broadcast_in_dim3A_188 : vector<8x1xf32> to vector<8x4096xf32>
      %sub3A_213 = arith.subf %get3A_3, %sub3A_212 : vector<8x4096xf32>
      %sub3A_214 = vector.broadcast %broadcast_in_dim3A_194 : vector<8x1xf32> to vector<8x4096xf32>
      %sub3A_215 = arith.subf %get3A_8, %sub3A_214 : vector<8x4096xf32>
      %sub3A_216 = vector.broadcast %broadcast_in_dim3A_200 : vector<8x1xf32> to vector<8x4096xf32>
      %sub3A_217 = arith.subf %get3A_13, %sub3A_216 : vector<8x4096xf32>
      %mul3A_218 = arith.mulf %sub3A_213, %sub3A_213 : vector<8x4096xf32>
      %mul3A_219 = arith.mulf %sub3A_215, %sub3A_215 : vector<8x4096xf32>
      %add3A_220 = arith.addf %mul3A_218, %mul3A_219 : vector<8x4096xf32>
      %mul3A_221 = arith.mulf %sub3A_217, %sub3A_217 : vector<8x4096xf32>
      %add3A_222 = arith.addf %add3A_220, %mul3A_221 : vector<8x4096xf32>
      %min3A_223 = arith.minimumf %min3A, %add3A_222 : vector<8x4096xf32>
      %argmax3A_224 = tpu.reduce_index %min3A_223 {axis = 1 : i32, kind = #tpu.reduction_kind<arg_max>} : vector<8x4096xf32> -> vector<8xi32>
      %reshape3A_225 = vector.shape_cast %argmax3A_224 : vector<8xi32> to vector<8x1xi32>
      scf.yield %reshape3A_225, %min3A_223, %select_n3A_205, %select_n3A_208, %select_n3A_211 : vector<8x1xi32>, vector<8x4096xf32>, vector<8x128xf32>, vector<8x128xf32>, vector<8x128xf32>
    }
    %scan3A_98 = arith.constant 128 : i32
    %swap3A_99 = arith.constant 0 : index
    %swap3A_100 = arith.constant 640 : index
    %swap3A_101 = vector.load %arg1[%swap3A_99, %swap3A_100] : memref<8x1024xf32, #tpu.memory_space<vmem>>, vector<8x128xf32>
    tpu.vector_store %arg1[%swap3A_99, %swap3A_100], %scan3A_97#2 {strides = array<i32>} : memref<8x1024xf32, #tpu.memory_space<vmem>>, vector<8x128xf32>,
    %swap3A_102 = arith.constant 0 : index
    %swap3A_103 = arith.constant 640 : index
    %swap3A_104 = vector.load %arg2[%swap3A_102, %swap3A_103] : memref<8x1024xf32, #tpu.memory_space<vmem>>, vector<8x128xf32>
    tpu.vector_store %arg2[%swap3A_102, %swap3A_103], %scan3A_97#3 {strides = array<i32>} : memref<8x1024xf32, #tpu.memory_space<vmem>>, vector<8x128xf32>,
    %swap3A_105 = arith.constant 0 : index
    %swap3A_106 = arith.constant 640 : index
    %swap3A_107 = vector.load %arg3[%swap3A_105, %swap3A_106] : memref<8x1024xf32, #tpu.memory_space<vmem>>, vector<8x128xf32>
    tpu.vector_store %arg3[%swap3A_105, %swap3A_106], %scan3A_97#4 {strides = array<i32>} : memref<8x1024xf32, #tpu.memory_space<vmem>>, vector<8x128xf32>,
    %scan3A_108 = arith.constant 0 : i32
    %scan3A_109 = arith.constant 128 : i32
    %scan3A_110 = arith.addi %scan3A_108, %scan3A_109 : i32
    %scan3A_111 = arith.constant 2 : i32
    %scan3A_112:5 = scf.for %scan3A_138 = %scan3A_108 to %scan3A_110 step %scan3A_111 iter_args(%scan3A_139 = %scan3A_97#0, %scan3A_140 = %scan3A_97#1, %scan3A_141 = %broadcast_in_dim3A_15, %scan3A_142 = %broadcast_in_dim3A_15, %scan3A_143 = %broadcast_in_dim3A_15) -> (vector<8x1xi32>, vector<8x4096xf32>, vector<8x128xf32>, vector<8x128xf32>, vector<8x128xf32>)  : i32 {
      %eq3A = vector.broadcast %scan3A_139 : vector<8x1xi32> to vector<8x4096xi32>
      %eq3A_144 = arith.cmpi eq, %iota3A, %eq3A : vector<8x4096xi32>
      %jit3A = arith.constant 0.000000e+00 : f32
      %broadcast_in_dim3A_145 = vector.broadcast %jit3A : f32 to vector<8x4096xf32>
      %select_n3A = arith.select %eq3A_144, %get3A_3, %broadcast_in_dim3A_145 : vector<8x4096xi1>, vector<8x4096xf32>
      %reduce_sum3A = arith.constant dense<0.000000e+00> : vector<8xf32>
      %reduce_sum3A_146 = vector.multi_reduction <add>, %select_n3A, %reduce_sum3A [1] : vector<8x4096xf32> to vector<8xf32>
      %broadcast_in_dim3A_147 = vector.shape_cast %reduce_sum3A_146 : vector<8xf32> to vector<8x1xf32>
      %jit3A_148 = arith.constant 0.000000e+00 : f32
      %broadcast_in_dim3A_149 = vector.broadcast %jit3A_148 : f32 to vector<8x4096xf32>
      %select_n3A_150 = arith.select %eq3A_144, %get3A_8, %broadcast_in_dim3A_149 : vector<8x4096xi1>, vector<8x4096xf32>
      %reduce_sum3A_151 = arith.constant dense<0.000000e+00> : vector<8xf32>
      %reduce_sum3A_152 = vector.multi_reduction <add>, %select_n3A_150, %reduce_sum3A_151 [1] : vector<8x4096xf32> to vector<8xf32>
      %broadcast_in_dim3A_153 = vector.shape_cast %reduce_sum3A_152 : vector<8xf32> to vector<8x1xf32>
      %jit3A_154 = arith.constant 0.000000e+00 : f32
      %broadcast_in_dim3A_155 = vector.broadcast %jit3A_154 : f32 to vector<8x4096xf32>
      %select_n3A_156 = arith.select %eq3A_144, %get3A_13, %broadcast_in_dim3A_155 : vector<8x4096xi1>, vector<8x4096xf32>
      %reduce_sum3A_157 = arith.constant dense<0.000000e+00> : vector<8xf32>
      %reduce_sum3A_158 = vector.multi_reduction <add>, %select_n3A_156, %reduce_sum3A_157 [1] : vector<8x4096xf32> to vector<8xf32>
      %broadcast_in_dim3A_159 = vector.shape_cast %reduce_sum3A_158 : vector<8xf32> to vector<8x1xf32>
      %eq3A_160 = vector.broadcast %scan3A_138 : i32 to vector<8x128xi32>
      %eq3A_161 = arith.cmpi eq, %iota3A_14, %eq3A_160 : vector<8x128xi32>
      %broadcast_in_dim3A_162 = vector.shape_cast %broadcast_in_dim3A_147 : vector<8x1xf32> to vector<8x1xf32>
      %broadcast_in_dim3A_163 = vector.broadcast %broadcast_in_dim3A_162 : vector<8x1xf32> to vector<8x128xf32>
      %select_n3A_164 = arith.select %eq3A_161, %broadcast_in_dim3A_163, %scan3A_141 : vector<8x128xi1>, vector<8x128xf32>
      %broadcast_in_dim3A_165 = vector.shape_cast %broadcast_in_dim3A_153 : vector<8x1xf32> to vector<8x1xf32>
      %broadcast_in_dim3A_166 = vector.broadcast %broadcast_in_dim3A_165 : vector<8x1xf32> to vector<8x128xf32>
      %select_n3A_167 = arith.select %eq3A_161, %broadcast_in_dim3A_166, %scan3A_142 : vector<8x128xi1>, vector<8x128xf32>
      %broadcast_in_dim3A_168 = vector.shape_cast %broadcast_in_dim3A_159 : vector<8x1xf32> to vector<8x1xf32>
      %broadcast_in_dim3A_169 = vector.broadcast %broadcast_in_dim3A_168 : vector<8x1xf32> to vector<8x128xf32>
      %select_n3A_170 = arith.select %eq3A_161, %broadcast_in_dim3A_169, %scan3A_143 : vector<8x128xi1>, vector<8x128xf32>
      %sub3A = vector.broadcast %broadcast_in_dim3A_147 : vector<8x1xf32> to vector<8x4096xf32>
      %sub3A_171 = arith.subf %get3A_3, %sub3A : vector<8x4096xf32>
      %sub3A_172 = vector.broadcast %broadcast_in_dim3A_153 : vector<8x1xf32> to vector<8x4096xf32>
      %sub3A_173 = arith.subf %get3A_8, %sub3A_172 : vector<8x4096xf32>
      %sub3A_174 = vector.broadcast %broadcast_in_dim3A_159 : vector<8x1xf32> to vector<8x4096xf32>
      %sub3A_175 = arith.subf %get3A_13, %sub3A_174 : vector<8x4096xf32>
      %mul3A = arith.mulf %sub3A_171, %sub3A_171 : vector<8x4096xf32>
      %mul3A_176 = arith.mulf %sub3A_173, %sub3A_173 : vector<8x4096xf32>
      %add3A = arith.addf %mul3A, %mul3A_176 : vector<8x4096xf32>
      %mul3A_177 = arith.mulf %sub3A_175, %sub3A_175 : vector<8x4096xf32>
      %add3A_178 = arith.addf %add3A, %mul3A_177 : vector<8x4096xf32>
      %min3A = arith.minimumf %scan3A_140, %add3A_178 : vector<8x4096xf32>
      %argmax3A = tpu.reduce_index %min3A {axis = 1 : i32, kind = #tpu.reduction_kind<arg_max>} : vector<8x4096xf32> -> vector<8xi32>
      %reshape3A = vector.shape_cast %argmax3A : vector<8xi32> to vector<8x1xi32>
      %scan3A_179 = arith.constant 1 : i32
      %scan3A_180 = arith.addi %scan3A_138, %scan3A_179 : i32
      %eq3A_181 = vector.broadcast %reshape3A : vector<8x1xi32> to vector<8x4096xi32>
      %eq3A_182 = arith.cmpi eq, %iota3A, %eq3A_181 : vector<8x4096xi32>
      %jit3A_183 = arith.constant 0.000000e+00 : f32
      %broadcast_in_dim3A_184 = vector.broadcast %jit3A_183 : f32 to vector<8x4096xf32>
      %select_n3A_185 = arith.select %eq3A_182, %get3A_3, %broadcast_in_dim3A_184 : vector<8x4096xi1>, vector<8x4096xf32>
      %reduce_sum3A_186 = arith.constant dense<0.000000e+00> : vector<8xf32>
      %reduce_sum3A_187 = vector.multi_reduction <add>, %select_n3A_185, %reduce_sum3A_186 [1] : vector<8x4096xf32> to vector<8xf32>
      %broadcast_in_dim3A_188 = vector.shape_cast %reduce_sum3A_187 : vector<8xf32> to vector<8x1xf32>
      %jit3A_189 = arith.constant 0.000000e+00 : f32
      %broadcast_in_dim3A_190 = vector.broadcast %jit3A_189 : f32 to vector<8x4096xf32>
      %select_n3A_191 = arith.select %eq3A_182, %get3A_8, %broadcast_in_dim3A_190 : vector<8x4096xi1>, vector<8x4096xf32>
      %reduce_sum3A_192 = arith.constant dense<0.000000e+00> : vector<8xf32>
      %reduce_sum3A_193 = vector.multi_reduction <add>, %select_n3A_191, %reduce_sum3A_192 [1] : vector<8x4096xf32> to vector<8xf32>
      %broadcast_in_dim3A_194 = vector.shape_cast %reduce_sum3A_193 : vector<8xf32> to vector<8x1xf32>
      %jit3A_195 = arith.constant 0.000000e+00 : f32
      %broadcast_in_dim3A_196 = vector.broadcast %jit3A_195 : f32 to vector<8x4096xf32>
      %select_n3A_197 = arith.select %eq3A_182, %get3A_13, %broadcast_in_dim3A_196 : vector<8x4096xi1>, vector<8x4096xf32>
      %reduce_sum3A_198 = arith.constant dense<0.000000e+00> : vector<8xf32>
      %reduce_sum3A_199 = vector.multi_reduction <add>, %select_n3A_197, %reduce_sum3A_198 [1] : vector<8x4096xf32> to vector<8xf32>
      %broadcast_in_dim3A_200 = vector.shape_cast %reduce_sum3A_199 : vector<8xf32> to vector<8x1xf32>
      %eq3A_201 = vector.broadcast %scan3A_180 : i32 to vector<8x128xi32>
      %eq3A_202 = arith.cmpi eq, %iota3A_14, %eq3A_201 : vector<8x128xi32>
      %broadcast_in_dim3A_203 = vector.shape_cast %broadcast_in_dim3A_188 : vector<8x1xf32> to vector<8x1xf32>
      %broadcast_in_dim3A_204 = vector.broadcast %broadcast_in_dim3A_203 : vector<8x1xf32> to vector<8x128xf32>
      %select_n3A_205 = arith.select %eq3A_202, %broadcast_in_dim3A_204, %select_n3A_164 : vector<8x128xi1>, vector<8x128xf32>
      %broadcast_in_dim3A_206 = vector.shape_cast %broadcast_in_dim3A_194 : vector<8x1xf32> to vector<8x1xf32>
      %broadcast_in_dim3A_207 = vector.broadcast %broadcast_in_dim3A_206 : vector<8x1xf32> to vector<8x128xf32>
      %select_n3A_208 = arith.select %eq3A_202, %broadcast_in_dim3A_207, %select_n3A_167 : vector<8x128xi1>, vector<8x128xf32>
      %broadcast_in_dim3A_209 = vector.shape_cast %broadcast_in_dim3A_200 : vector<8x1xf32> to vector<8x1xf32>
      %broadcast_in_dim3A_210 = vector.broadcast %broadcast_in_dim3A_209 : vector<8x1xf32> to vector<8x128xf32>
      %select_n3A_211 = arith.select %eq3A_202, %broadcast_in_dim3A_210, %select_n3A_170 : vector<8x128xi1>, vector<8x128xf32>
      %sub3A_212 = vector.broadcast %broadcast_in_dim3A_188 : vector<8x1xf32> to vector<8x4096xf32>
      %sub3A_213 = arith.subf %get3A_3, %sub3A_212 : vector<8x4096xf32>
      %sub3A_214 = vector.broadcast %broadcast_in_dim3A_194 : vector<8x1xf32> to vector<8x4096xf32>
      %sub3A_215 = arith.subf %get3A_8, %sub3A_214 : vector<8x4096xf32>
      %sub3A_216 = vector.broadcast %broadcast_in_dim3A_200 : vector<8x1xf32> to vector<8x4096xf32>
      %sub3A_217 = arith.subf %get3A_13, %sub3A_216 : vector<8x4096xf32>
      %mul3A_218 = arith.mulf %sub3A_213, %sub3A_213 : vector<8x4096xf32>
      %mul3A_219 = arith.mulf %sub3A_215, %sub3A_215 : vector<8x4096xf32>
      %add3A_220 = arith.addf %mul3A_218, %mul3A_219 : vector<8x4096xf32>
      %mul3A_221 = arith.mulf %sub3A_217, %sub3A_217 : vector<8x4096xf32>
      %add3A_222 = arith.addf %add3A_220, %mul3A_221 : vector<8x4096xf32>
      %min3A_223 = arith.minimumf %min3A, %add3A_222 : vector<8x4096xf32>
      %argmax3A_224 = tpu.reduce_index %min3A_223 {axis = 1 : i32, kind = #tpu.reduction_kind<arg_max>} : vector<8x4096xf32> -> vector<8xi32>
      %reshape3A_225 = vector.shape_cast %argmax3A_224 : vector<8xi32> to vector<8x1xi32>
      scf.yield %reshape3A_225, %min3A_223, %select_n3A_205, %select_n3A_208, %select_n3A_211 : vector<8x1xi32>, vector<8x4096xf32>, vector<8x128xf32>, vector<8x128xf32>, vector<8x128xf32>
    }
    %scan3A_113 = arith.constant 128 : i32
    %swap3A_114 = arith.constant 0 : index
    %swap3A_115 = arith.constant 768 : index
    %swap3A_116 = vector.load %arg1[%swap3A_114, %swap3A_115] : memref<8x1024xf32, #tpu.memory_space<vmem>>, vector<8x128xf32>
    tpu.vector_store %arg1[%swap3A_114, %swap3A_115], %scan3A_112#2 {strides = array<i32>} : memref<8x1024xf32, #tpu.memory_space<vmem>>, vector<8x128xf32>,
    %swap3A_117 = arith.constant 0 : index
    %swap3A_118 = arith.constant 768 : index
    %swap3A_119 = vector.load %arg2[%swap3A_117, %swap3A_118] : memref<8x1024xf32, #tpu.memory_space<vmem>>, vector<8x128xf32>
    tpu.vector_store %arg2[%swap3A_117, %swap3A_118], %scan3A_112#3 {strides = array<i32>} : memref<8x1024xf32, #tpu.memory_space<vmem>>, vector<8x128xf32>,
    %swap3A_120 = arith.constant 0 : index
    %swap3A_121 = arith.constant 768 : index
    %swap3A_122 = vector.load %arg3[%swap3A_120, %swap3A_121] : memref<8x1024xf32, #tpu.memory_space<vmem>>, vector<8x128xf32>
    tpu.vector_store %arg3[%swap3A_120, %swap3A_121], %scan3A_112#4 {strides = array<i32>} : memref<8x1024xf32, #tpu.memory_space<vmem>>, vector<8x128xf32>,
    %scan3A_123 = arith.constant 0 : i32
    %scan3A_124 = arith.constant 128 : i32
    %scan3A_125 = arith.addi %scan3A_123, %scan3A_124 : i32
    %scan3A_126 = arith.constant 2 : i32
    %scan3A_127:5 = scf.for %scan3A_138 = %scan3A_123 to %scan3A_125 step %scan3A_126 iter_args(%scan3A_139 = %scan3A_112#0, %scan3A_140 = %scan3A_112#1, %scan3A_141 = %broadcast_in_dim3A_15, %scan3A_142 = %broadcast_in_dim3A_15, %scan3A_143 = %broadcast_in_dim3A_15) -> (vector<8x1xi32>, vector<8x4096xf32>, vector<8x128xf32>, vector<8x128xf32>, vector<8x128xf32>)  : i32 {
      %eq3A = vector.broadcast %scan3A_139 : vector<8x1xi32> to vector<8x4096xi32>
      %eq3A_144 = arith.cmpi eq, %iota3A, %eq3A : vector<8x4096xi32>
      %jit3A = arith.constant 0.000000e+00 : f32
      %broadcast_in_dim3A_145 = vector.broadcast %jit3A : f32 to vector<8x4096xf32>
      %select_n3A = arith.select %eq3A_144, %get3A_3, %broadcast_in_dim3A_145 : vector<8x4096xi1>, vector<8x4096xf32>
      %reduce_sum3A = arith.constant dense<0.000000e+00> : vector<8xf32>
      %reduce_sum3A_146 = vector.multi_reduction <add>, %select_n3A, %reduce_sum3A [1] : vector<8x4096xf32> to vector<8xf32>
      %broadcast_in_dim3A_147 = vector.shape_cast %reduce_sum3A_146 : vector<8xf32> to vector<8x1xf32>
      %jit3A_148 = arith.constant 0.000000e+00 : f32
      %broadcast_in_dim3A_149 = vector.broadcast %jit3A_148 : f32 to vector<8x4096xf32>
      %select_n3A_150 = arith.select %eq3A_144, %get3A_8, %broadcast_in_dim3A_149 : vector<8x4096xi1>, vector<8x4096xf32>
      %reduce_sum3A_151 = arith.constant dense<0.000000e+00> : vector<8xf32>
      %reduce_sum3A_152 = vector.multi_reduction <add>, %select_n3A_150, %reduce_sum3A_151 [1] : vector<8x4096xf32> to vector<8xf32>
      %broadcast_in_dim3A_153 = vector.shape_cast %reduce_sum3A_152 : vector<8xf32> to vector<8x1xf32>
      %jit3A_154 = arith.constant 0.000000e+00 : f32
      %broadcast_in_dim3A_155 = vector.broadcast %jit3A_154 : f32 to vector<8x4096xf32>
      %select_n3A_156 = arith.select %eq3A_144, %get3A_13, %broadcast_in_dim3A_155 : vector<8x4096xi1>, vector<8x4096xf32>
      %reduce_sum3A_157 = arith.constant dense<0.000000e+00> : vector<8xf32>
      %reduce_sum3A_158 = vector.multi_reduction <add>, %select_n3A_156, %reduce_sum3A_157 [1] : vector<8x4096xf32> to vector<8xf32>
      %broadcast_in_dim3A_159 = vector.shape_cast %reduce_sum3A_158 : vector<8xf32> to vector<8x1xf32>
      %eq3A_160 = vector.broadcast %scan3A_138 : i32 to vector<8x128xi32>
      %eq3A_161 = arith.cmpi eq, %iota3A_14, %eq3A_160 : vector<8x128xi32>
      %broadcast_in_dim3A_162 = vector.shape_cast %broadcast_in_dim3A_147 : vector<8x1xf32> to vector<8x1xf32>
      %broadcast_in_dim3A_163 = vector.broadcast %broadcast_in_dim3A_162 : vector<8x1xf32> to vector<8x128xf32>
      %select_n3A_164 = arith.select %eq3A_161, %broadcast_in_dim3A_163, %scan3A_141 : vector<8x128xi1>, vector<8x128xf32>
      %broadcast_in_dim3A_165 = vector.shape_cast %broadcast_in_dim3A_153 : vector<8x1xf32> to vector<8x1xf32>
      %broadcast_in_dim3A_166 = vector.broadcast %broadcast_in_dim3A_165 : vector<8x1xf32> to vector<8x128xf32>
      %select_n3A_167 = arith.select %eq3A_161, %broadcast_in_dim3A_166, %scan3A_142 : vector<8x128xi1>, vector<8x128xf32>
      %broadcast_in_dim3A_168 = vector.shape_cast %broadcast_in_dim3A_159 : vector<8x1xf32> to vector<8x1xf32>
      %broadcast_in_dim3A_169 = vector.broadcast %broadcast_in_dim3A_168 : vector<8x1xf32> to vector<8x128xf32>
      %select_n3A_170 = arith.select %eq3A_161, %broadcast_in_dim3A_169, %scan3A_143 : vector<8x128xi1>, vector<8x128xf32>
      %sub3A = vector.broadcast %broadcast_in_dim3A_147 : vector<8x1xf32> to vector<8x4096xf32>
      %sub3A_171 = arith.subf %get3A_3, %sub3A : vector<8x4096xf32>
      %sub3A_172 = vector.broadcast %broadcast_in_dim3A_153 : vector<8x1xf32> to vector<8x4096xf32>
      %sub3A_173 = arith.subf %get3A_8, %sub3A_172 : vector<8x4096xf32>
      %sub3A_174 = vector.broadcast %broadcast_in_dim3A_159 : vector<8x1xf32> to vector<8x4096xf32>
      %sub3A_175 = arith.subf %get3A_13, %sub3A_174 : vector<8x4096xf32>
      %mul3A = arith.mulf %sub3A_171, %sub3A_171 : vector<8x4096xf32>
      %mul3A_176 = arith.mulf %sub3A_173, %sub3A_173 : vector<8x4096xf32>
      %add3A = arith.addf %mul3A, %mul3A_176 : vector<8x4096xf32>
      %mul3A_177 = arith.mulf %sub3A_175, %sub3A_175 : vector<8x4096xf32>
      %add3A_178 = arith.addf %add3A, %mul3A_177 : vector<8x4096xf32>
      %min3A = arith.minimumf %scan3A_140, %add3A_178 : vector<8x4096xf32>
      %argmax3A = tpu.reduce_index %min3A {axis = 1 : i32, kind = #tpu.reduction_kind<arg_max>} : vector<8x4096xf32> -> vector<8xi32>
      %reshape3A = vector.shape_cast %argmax3A : vector<8xi32> to vector<8x1xi32>
      %scan3A_179 = arith.constant 1 : i32
      %scan3A_180 = arith.addi %scan3A_138, %scan3A_179 : i32
      %eq3A_181 = vector.broadcast %reshape3A : vector<8x1xi32> to vector<8x4096xi32>
      %eq3A_182 = arith.cmpi eq, %iota3A, %eq3A_181 : vector<8x4096xi32>
      %jit3A_183 = arith.constant 0.000000e+00 : f32
      %broadcast_in_dim3A_184 = vector.broadcast %jit3A_183 : f32 to vector<8x4096xf32>
      %select_n3A_185 = arith.select %eq3A_182, %get3A_3, %broadcast_in_dim3A_184 : vector<8x4096xi1>, vector<8x4096xf32>
      %reduce_sum3A_186 = arith.constant dense<0.000000e+00> : vector<8xf32>
      %reduce_sum3A_187 = vector.multi_reduction <add>, %select_n3A_185, %reduce_sum3A_186 [1] : vector<8x4096xf32> to vector<8xf32>
      %broadcast_in_dim3A_188 = vector.shape_cast %reduce_sum3A_187 : vector<8xf32> to vector<8x1xf32>
      %jit3A_189 = arith.constant 0.000000e+00 : f32
      %broadcast_in_dim3A_190 = vector.broadcast %jit3A_189 : f32 to vector<8x4096xf32>
      %select_n3A_191 = arith.select %eq3A_182, %get3A_8, %broadcast_in_dim3A_190 : vector<8x4096xi1>, vector<8x4096xf32>
      %reduce_sum3A_192 = arith.constant dense<0.000000e+00> : vector<8xf32>
      %reduce_sum3A_193 = vector.multi_reduction <add>, %select_n3A_191, %reduce_sum3A_192 [1] : vector<8x4096xf32> to vector<8xf32>
      %broadcast_in_dim3A_194 = vector.shape_cast %reduce_sum3A_193 : vector<8xf32> to vector<8x1xf32>
      %jit3A_195 = arith.constant 0.000000e+00 : f32
      %broadcast_in_dim3A_196 = vector.broadcast %jit3A_195 : f32 to vector<8x4096xf32>
      %select_n3A_197 = arith.select %eq3A_182, %get3A_13, %broadcast_in_dim3A_196 : vector<8x4096xi1>, vector<8x4096xf32>
      %reduce_sum3A_198 = arith.constant dense<0.000000e+00> : vector<8xf32>
      %reduce_sum3A_199 = vector.multi_reduction <add>, %select_n3A_197, %reduce_sum3A_198 [1] : vector<8x4096xf32> to vector<8xf32>
      %broadcast_in_dim3A_200 = vector.shape_cast %reduce_sum3A_199 : vector<8xf32> to vector<8x1xf32>
      %eq3A_201 = vector.broadcast %scan3A_180 : i32 to vector<8x128xi32>
      %eq3A_202 = arith.cmpi eq, %iota3A_14, %eq3A_201 : vector<8x128xi32>
      %broadcast_in_dim3A_203 = vector.shape_cast %broadcast_in_dim3A_188 : vector<8x1xf32> to vector<8x1xf32>
      %broadcast_in_dim3A_204 = vector.broadcast %broadcast_in_dim3A_203 : vector<8x1xf32> to vector<8x128xf32>
      %select_n3A_205 = arith.select %eq3A_202, %broadcast_in_dim3A_204, %select_n3A_164 : vector<8x128xi1>, vector<8x128xf32>
      %broadcast_in_dim3A_206 = vector.shape_cast %broadcast_in_dim3A_194 : vector<8x1xf32> to vector<8x1xf32>
      %broadcast_in_dim3A_207 = vector.broadcast %broadcast_in_dim3A_206 : vector<8x1xf32> to vector<8x128xf32>
      %select_n3A_208 = arith.select %eq3A_202, %broadcast_in_dim3A_207, %select_n3A_167 : vector<8x128xi1>, vector<8x128xf32>
      %broadcast_in_dim3A_209 = vector.shape_cast %broadcast_in_dim3A_200 : vector<8x1xf32> to vector<8x1xf32>
      %broadcast_in_dim3A_210 = vector.broadcast %broadcast_in_dim3A_209 : vector<8x1xf32> to vector<8x128xf32>
      %select_n3A_211 = arith.select %eq3A_202, %broadcast_in_dim3A_210, %select_n3A_170 : vector<8x128xi1>, vector<8x128xf32>
      %sub3A_212 = vector.broadcast %broadcast_in_dim3A_188 : vector<8x1xf32> to vector<8x4096xf32>
      %sub3A_213 = arith.subf %get3A_3, %sub3A_212 : vector<8x4096xf32>
      %sub3A_214 = vector.broadcast %broadcast_in_dim3A_194 : vector<8x1xf32> to vector<8x4096xf32>
      %sub3A_215 = arith.subf %get3A_8, %sub3A_214 : vector<8x4096xf32>
      %sub3A_216 = vector.broadcast %broadcast_in_dim3A_200 : vector<8x1xf32> to vector<8x4096xf32>
      %sub3A_217 = arith.subf %get3A_13, %sub3A_216 : vector<8x4096xf32>
      %mul3A_218 = arith.mulf %sub3A_213, %sub3A_213 : vector<8x4096xf32>
      %mul3A_219 = arith.mulf %sub3A_215, %sub3A_215 : vector<8x4096xf32>
      %add3A_220 = arith.addf %mul3A_218, %mul3A_219 : vector<8x4096xf32>
      %mul3A_221 = arith.mulf %sub3A_217, %sub3A_217 : vector<8x4096xf32>
      %add3A_222 = arith.addf %add3A_220, %mul3A_221 : vector<8x4096xf32>
      %min3A_223 = arith.minimumf %min3A, %add3A_222 : vector<8x4096xf32>
      %argmax3A_224 = tpu.reduce_index %min3A_223 {axis = 1 : i32, kind = #tpu.reduction_kind<arg_max>} : vector<8x4096xf32> -> vector<8xi32>
      %reshape3A_225 = vector.shape_cast %argmax3A_224 : vector<8xi32> to vector<8x1xi32>
      scf.yield %reshape3A_225, %min3A_223, %select_n3A_205, %select_n3A_208, %select_n3A_211 : vector<8x1xi32>, vector<8x4096xf32>, vector<8x128xf32>, vector<8x128xf32>, vector<8x128xf32>
    }
    %scan3A_128 = arith.constant 128 : i32
    %swap3A_129 = arith.constant 0 : index
    %swap3A_130 = arith.constant 896 : index
    %swap3A_131 = vector.load %arg1[%swap3A_129, %swap3A_130] : memref<8x1024xf32, #tpu.memory_space<vmem>>, vector<8x128xf32>
    tpu.vector_store %arg1[%swap3A_129, %swap3A_130], %scan3A_127#2 {strides = array<i32>} : memref<8x1024xf32, #tpu.memory_space<vmem>>, vector<8x128xf32>,
    %swap3A_132 = arith.constant 0 : index
    %swap3A_133 = arith.constant 896 : index
    %swap3A_134 = vector.load %arg2[%swap3A_132, %swap3A_133] : memref<8x1024xf32, #tpu.memory_space<vmem>>, vector<8x128xf32>
    tpu.vector_store %arg2[%swap3A_132, %swap3A_133], %scan3A_127#3 {strides = array<i32>} : memref<8x1024xf32, #tpu.memory_space<vmem>>, vector<8x128xf32>,
    %swap3A_135 = arith.constant 0 : index
    %swap3A_136 = arith.constant 896 : index
    %swap3A_137 = vector.load %arg3[%swap3A_135, %swap3A_136] : memref<8x1024xf32, #tpu.memory_space<vmem>>, vector<8x128xf32>
    tpu.vector_store %arg3[%swap3A_135, %swap3A_136], %scan3A_127#4 {strides = array<i32>} : memref<8x1024xf32, #tpu.memory_space<vmem>>, vector<8x128xf32>,
    return
  }
}

module attributes {stable_mosaic.version = 14 : i64} {
  func.func @_uproj_body(%arg0: i32, %arg1: memref<1x4096x3xf32, #tpu.memory_space<vmem>>, %arg2: memref<1x4096x29xf32, #tpu.memory_space<vmem>>, %arg3: memref<3x32xf32, #tpu.memory_space<vmem>>, %arg4: memref<29x32xf32, #tpu.memory_space<vmem>>, %arg5: memref<1x32xf32, #tpu.memory_space<vmem>>, %arg6: memref<1x4096x32xf32, #tpu.memory_space<vmem>>) attributes {dimension_semantics = [#tpu.dimension_semantics<arbitrary>], iteration_bounds = array<i64: 8>, scalar_prefetch = 0 : i64, scratch_operands = 0 : i64, tpu.core_type = #tpu.core_type<tc>, window_params = [{transform_indices = @transform_0, window_bounds = array<i64: 1, 4096, 3>}, {transform_indices = @transform_1, window_bounds = array<i64: 1, 4096, 29>}, {pipeline_mode = #tpu.pipeline_mode<synchronous>, transform_indices = @transform_2, window_bounds = array<i64: 3, 32>}, {pipeline_mode = #tpu.pipeline_mode<synchronous>, transform_indices = @transform_3, window_bounds = array<i64: 29, 32>}, {pipeline_mode = #tpu.pipeline_mode<synchronous>, transform_indices = @transform_4, window_bounds = array<i64: 1, 32>}, {transform_indices = @transform_5, window_bounds = array<i64: 1, 4096, 32>}]} {
    %get3A = arith.constant 0 : index
    %get3A_0 = arith.constant 0 : index
    %get3A_1 = arith.constant 0 : index
    %get3A_2 = vector.load %arg1[%get3A, %get3A_0, %get3A_1] : memref<1x4096x3xf32, #tpu.memory_space<vmem>>, vector<1x4096x3xf32>
    %get3A_3 = vector.shape_cast %get3A_2 : vector<1x4096x3xf32> to vector<4096x3xf32>
    %get3A_4 = arith.constant 0 : index
    %get3A_5 = arith.constant 0 : index
    %get3A_6 = vector.load %arg3[%get3A_4, %get3A_5] : memref<3x32xf32, #tpu.memory_space<vmem>>, vector<3x32xf32>
    %dot_general3A = arith.constant dense<0.000000e+00> : vector<4096x32xf32>
    %dot_general3A_7 = tpu.matmul %get3A_3, %get3A_6, %dot_general3A {dimension_numbers = #tpu.dot_dimension_numbers<[1], [0], [0], [1], [0, 0, 1, 1], [], []>, transpose_lhs_hint = false} : vector<4096x3xf32>, vector<3x32xf32>, vector<4096x32xf32> -> vector<4096x32xf32>
    %get3A_8 = arith.constant 0 : index
    %get3A_9 = arith.constant 0 : index
    %get3A_10 = arith.constant 0 : index
    %get3A_11 = vector.load %arg2[%get3A_8, %get3A_9, %get3A_10] : memref<1x4096x29xf32, #tpu.memory_space<vmem>>, vector<1x4096x29xf32>
    %get3A_12 = vector.shape_cast %get3A_11 : vector<1x4096x29xf32> to vector<4096x29xf32>
    %get3A_13 = arith.constant 0 : index
    %get3A_14 = arith.constant 0 : index
    %get3A_15 = vector.load %arg4[%get3A_13, %get3A_14] : memref<29x32xf32, #tpu.memory_space<vmem>>, vector<29x32xf32>
    %dot_general3A_16 = arith.constant dense<0.000000e+00> : vector<4096x32xf32>
    %dot_general3A_17 = tpu.matmul %get3A_12, %get3A_15, %dot_general3A_16 {dimension_numbers = #tpu.dot_dimension_numbers<[1], [0], [0], [1], [0, 0, 1, 1], [], []>, transpose_lhs_hint = false} : vector<4096x29xf32>, vector<29x32xf32>, vector<4096x32xf32> -> vector<4096x32xf32>
    %add3A = arith.addf %dot_general3A_7, %dot_general3A_17 : vector<4096x32xf32>
    %get3A_18 = arith.constant 0 : index
    %get3A_19 = arith.constant 0 : index
    %get3A_20 = vector.load %arg5[%get3A_18, %get3A_19] : memref<1x32xf32, #tpu.memory_space<vmem>>, vector<1x32xf32>
    %add3A_21 = vector.broadcast %get3A_20 : vector<1x32xf32> to vector<4096x32xf32>
    %add3A_22 = arith.addf %add3A, %add3A_21 : vector<4096x32xf32>
    %swap3A = arith.constant 0 : index
    %swap3A_23 = arith.constant 0 : index
    %swap3A_24 = arith.constant 0 : index
    %swap3A_25 = vector.load %arg6[%swap3A, %swap3A_23, %swap3A_24] : memref<1x4096x32xf32, #tpu.memory_space<vmem>>, vector<1x4096x32xf32>
    %swap3A_26 = vector.shape_cast %swap3A_25 : vector<1x4096x32xf32> to vector<4096x32xf32>
    %swap3A_27 = vector.shape_cast %add3A_22 : vector<4096x32xf32> to vector<1x4096x32xf32>
    tpu.vector_store %arg6[%swap3A, %swap3A_23, %swap3A_24], %swap3A_27 {strides = array<i32>} : memref<1x4096x32xf32, #tpu.memory_space<vmem>>, vector<1x4096x32xf32>,
    return
  }
  func.func @transform_0(%arg0: i32) -> (i32, i32, i32) {
    %c0_i32 = arith.constant 0 : i32
    %c0_i32_0 = arith.constant 0 : i32
    %c0_i32_1 = arith.constant 0 : i32
    return %arg0, %c0_i32, %c0_i32_0 : i32, i32, i32
  }
  func.func @transform_1(%arg0: i32) -> (i32, i32, i32) {
    %c0_i32 = arith.constant 0 : i32
    %c0_i32_0 = arith.constant 0 : i32
    %c0_i32_1 = arith.constant 0 : i32
    return %arg0, %c0_i32, %c0_i32_0 : i32, i32, i32
  }
  func.func @transform_2(%arg0: i32) -> (i32, i32) {
    %c0_i32 = arith.constant 0 : i32
    %c0_i32_0 = arith.constant 0 : i32
    %c0_i32_1 = arith.constant 0 : i32
    return %c0_i32, %c0_i32_0 : i32, i32
  }
  func.func @transform_3(%arg0: i32) -> (i32, i32) {
    %c0_i32 = arith.constant 0 : i32
    %c0_i32_0 = arith.constant 0 : i32
    %c0_i32_1 = arith.constant 0 : i32
    return %c0_i32, %c0_i32_0 : i32, i32
  }
  func.func @transform_4(%arg0: i32) -> (i32, i32) {
    %c0_i32 = arith.constant 0 : i32
    %c0_i32_0 = arith.constant 0 : i32
    %c0_i32_1 = arith.constant 0 : i32
    return %c0_i32, %c0_i32_0 : i32, i32
  }
  func.func @transform_5(%arg0: i32) -> (i32, i32, i32) {
    %c0_i32 = arith.constant 0 : i32
    %c0_i32_0 = arith.constant 0 : i32
    %c0_i32_1 = arith.constant 0 : i32
    return %arg0, %c0_i32, %c0_i32_0 : i32, i32, i32
  }
}

module attributes {stable_mosaic.version = 14 : i64} {
  func.func @_mlp_body(%arg0: i32, %arg1: memref<8192x32xf32, #tpu.memory_space<vmem>>, %arg2: memref<256x3xf32, #tpu.memory_space<vmem>>, %arg3: memref<3x32xf32, #tpu.memory_space<vmem>>, %arg4: memref<1x32xf32, #tpu.memory_space<vmem>>, %arg5: memref<1x32xf32, #tpu.memory_space<vmem>>, %arg6: memref<32x32xf32, #tpu.memory_space<vmem>>, %arg7: memref<1x32xf32, #tpu.memory_space<vmem>>, %arg8: memref<1x32xf32, #tpu.memory_space<vmem>>, %arg9: memref<1x32xf32, #tpu.memory_space<vmem>>, %arg10: memref<32x64xf32, #tpu.memory_space<vmem>>, %arg11: memref<1x64xf32, #tpu.memory_space<vmem>>, %arg12: memref<1x64xf32, #tpu.memory_space<vmem>>, %arg13: memref<1x64xf32, #tpu.memory_space<vmem>>, %arg14: memref<256x64xf32, #tpu.memory_space<vmem>>) attributes {dimension_semantics = [#tpu.dimension_semantics<arbitrary>], iteration_bounds = array<i64: 32>, scalar_prefetch = 0 : i64, scratch_operands = 0 : i64, tpu.core_type = #tpu.core_type<tc>, window_params = [{transform_indices = @transform_0, window_bounds = array<i64: 8192, 32>}, {transform_indices = @transform_1, window_bounds = array<i64: 256, 3>}, {pipeline_mode = #tpu.pipeline_mode<synchronous>, transform_indices = @transform_2, window_bounds = array<i64: 3, 32>}, {pipeline_mode = #tpu.pipeline_mode<synchronous>, transform_indices = @transform_3, window_bounds = array<i64: 1, 32>}, {pipeline_mode = #tpu.pipeline_mode<synchronous>, transform_indices = @transform_4, window_bounds = array<i64: 1, 32>}, {pipeline_mode = #tpu.pipeline_mode<synchronous>, transform_indices = @transform_5, window_bounds = array<i64: 32, 32>}, {pipeline_mode = #tpu.pipeline_mode<synchronous>, transform_indices = @transform_6, window_bounds = array<i64: 1, 32>}, {pipeline_mode = #tpu.pipeline_mode<synchronous>, transform_indices = @transform_7, window_bounds = array<i64: 1, 32>}, {pipeline_mode = #tpu.pipeline_mode<synchronous>, transform_indices = @transform_8, window_bounds = array<i64: 1, 32>}, {pipeline_mode = #tpu.pipeline_mode<synchronous>, transform_indices = @transform_9, window_bounds = array<i64: 32, 64>}, {pipeline_mode = #tpu.pipeline_mode<synchronous>, transform_indices = @transform_10, window_bounds = array<i64: 1, 64>}, {pipeline_mode = #tpu.pipeline_mode<synchronous>, transform_indices = @transform_11, window_bounds = array<i64: 1, 64>}, {pipeline_mode = #tpu.pipeline_mode<synchronous>, transform_indices = @transform_12, window_bounds = array<i64: 1, 64>}, {transform_indices = @transform_13, window_bounds = array<i64: 256, 64>}]} {
    %get3A = arith.constant 0 : index
    %get3A_0 = arith.constant 0 : index
    %get3A_1 = vector.load %arg2[%get3A, %get3A_0] : memref<256x3xf32, #tpu.memory_space<vmem>>, vector<256x3xf32>
    %get3A_2 = arith.constant 0 : index
    %get3A_3 = arith.constant 0 : index
    %get3A_4 = vector.load %arg3[%get3A_2, %get3A_3] : memref<3x32xf32, #tpu.memory_space<vmem>>, vector<3x32xf32>
    %dot_general3A = arith.constant dense<0.000000e+00> : vector<256x32xf32>
    %dot_general3A_5 = tpu.matmul %get3A_1, %get3A_4, %dot_general3A {dimension_numbers = #tpu.dot_dimension_numbers<[1], [0], [0], [1], [0, 0, 1, 1], [], []>, transpose_lhs_hint = false} : vector<256x3xf32>, vector<3x32xf32>, vector<256x32xf32> -> vector<256x32xf32>
    %get3A_6 = arith.constant 0 : index
    %get3A_7 = arith.constant 0 : index
    %get3A_8 = vector.load %arg1[%get3A_6, %get3A_7] : memref<8192x32xf32, #tpu.memory_space<vmem>>, vector<8192x32xf32>
    %reshape3A = vector.shape_cast %get3A_8 : vector<8192x32xf32> to vector<256x32x32xf32>
    %get3A_9 = arith.constant 0 : index
    %get3A_10 = arith.constant 0 : index
    %get3A_11 = vector.load %arg4[%get3A_9, %get3A_10] : memref<1x32xf32, #tpu.memory_space<vmem>>, vector<1x32xf32>
    %reshape3A_12 = vector.shape_cast %get3A_11 : vector<1x32xf32> to vector<1x1x32xf32>
    %broadcast_in_dim3A = vector.shape_cast %dot_general3A_5 : vector<256x32xf32> to vector<256x1x32xf32>
    %sub3A = vector.broadcast %broadcast_in_dim3A : vector<256x1x32xf32> to vector<256x32x32xf32>
    %sub3A_13 = arith.subf %reshape3A, %sub3A : vector<256x32x32xf32>
    %mul3A = vector.broadcast %reshape3A_12 : vector<1x1x32xf32> to vector<256x32x32xf32>
    %mul3A_14 = arith.mulf %mul3A, %sub3A_13 : vector<256x32x32xf32>
    %get3A_15 = arith.constant 0 : index
    %get3A_16 = arith.constant 0 : index
    %get3A_17 = vector.load %arg5[%get3A_15, %get3A_16] : memref<1x32xf32, #tpu.memory_space<vmem>>, vector<1x32xf32>
    %reshape3A_18 = vector.shape_cast %get3A_17 : vector<1x32xf32> to vector<1x1x32xf32>
    %add3A = vector.broadcast %reshape3A_18 : vector<1x1x32xf32> to vector<256x32x32xf32>
    %add3A_19 = arith.addf %mul3A_14, %add3A : vector<256x32x32xf32>
    %max3A = arith.constant 0.000000e+00 : f32
    %max3A_20 = vector.broadcast %max3A : f32 to vector<256x32x32xf32>
    %max3A_21 = arith.maximumf %add3A_19, %max3A_20 : vector<256x32x32xf32>
    %reshape3A_22 = vector.shape_cast %max3A_21 : vector<256x32x32xf32> to vector<8192x32xf32>
    %get3A_23 = arith.constant 0 : index
    %get3A_24 = arith.constant 0 : index
    %get3A_25 = vector.load %arg8[%get3A_23, %get3A_24] : memref<1x32xf32, #tpu.memory_space<vmem>>, vector<1x32xf32>
    %get3A_26 = arith.constant 0 : index
    %get3A_27 = arith.constant 0 : index
    %get3A_28 = vector.load %arg6[%get3A_26, %get3A_27] : memref<32x32xf32, #tpu.memory_space<vmem>>, vector<32x32xf32>
    %dot_general3A_29 = arith.constant dense<0.000000e+00> : vector<8192x32xf32>
    %dot_general3A_30 = tpu.matmul %reshape3A_22, %get3A_28, %dot_general3A_29 {dimension_numbers = #tpu.dot_dimension_numbers<[1], [0], [0], [1], [0, 0, 1, 1], [], []>, transpose_lhs_hint = false} : vector<8192x32xf32>, vector<32x32xf32>, vector<8192x32xf32> -> vector<8192x32xf32>
    %get3A_31 = arith.constant 0 : index
    %get3A_32 = arith.constant 0 : index
    %get3A_33 = vector.load %arg7[%get3A_31, %get3A_32] : memref<1x32xf32, #tpu.memory_space<vmem>>, vector<1x32xf32>
    %add3A_34 = vector.broadcast %get3A_33 : vector<1x32xf32> to vector<8192x32xf32>
    %add3A_35 = arith.addf %dot_general3A_30, %add3A_34 : vector<8192x32xf32>
    %mul3A_36 = vector.broadcast %get3A_25 : vector<1x32xf32> to vector<8192x32xf32>
    %mul3A_37 = arith.mulf %mul3A_36, %add3A_35 : vector<8192x32xf32>
    %get3A_38 = arith.constant 0 : index
    %get3A_39 = arith.constant 0 : index
    %get3A_40 = vector.load %arg9[%get3A_38, %get3A_39] : memref<1x32xf32, #tpu.memory_space<vmem>>, vector<1x32xf32>
    %add3A_41 = vector.broadcast %get3A_40 : vector<1x32xf32> to vector<8192x32xf32>
    %add3A_42 = arith.addf %mul3A_37, %add3A_41 : vector<8192x32xf32>
    %max3A_43 = arith.constant 0.000000e+00 : f32
    %max3A_44 = vector.broadcast %max3A_43 : f32 to vector<8192x32xf32>
    %max3A_45 = arith.maximumf %add3A_42, %max3A_44 : vector<8192x32xf32>
    %get3A_46 = arith.constant 0 : index
    %get3A_47 = arith.constant 0 : index
    %get3A_48 = vector.load %arg12[%get3A_46, %get3A_47] : memref<1x64xf32, #tpu.memory_space<vmem>>, vector<1x64xf32>
    %get3A_49 = arith.constant 0 : index
    %get3A_50 = arith.constant 0 : index
    %get3A_51 = vector.load %arg10[%get3A_49, %get3A_50] : memref<32x64xf32, #tpu.memory_space<vmem>>, vector<32x64xf32>
    %dot_general3A_52 = arith.constant dense<0.000000e+00> : vector<8192x64xf32>
    %dot_general3A_53 = tpu.matmul %max3A_45, %get3A_51, %dot_general3A_52 {dimension_numbers = #tpu.dot_dimension_numbers<[1], [0], [0], [1], [0, 0, 1, 1], [], []>, transpose_lhs_hint = false} : vector<8192x32xf32>, vector<32x64xf32>, vector<8192x64xf32> -> vector<8192x64xf32>
    %get3A_54 = arith.constant 0 : index
    %get3A_55 = arith.constant 0 : index
    %get3A_56 = vector.load %arg11[%get3A_54, %get3A_55] : memref<1x64xf32, #tpu.memory_space<vmem>>, vector<1x64xf32>
    %add3A_57 = vector.broadcast %get3A_56 : vector<1x64xf32> to vector<8192x64xf32>
    %add3A_58 = arith.addf %dot_general3A_53, %add3A_57 : vector<8192x64xf32>
    %mul3A_59 = vector.broadcast %get3A_48 : vector<1x64xf32> to vector<8192x64xf32>
    %mul3A_60 = arith.mulf %mul3A_59, %add3A_58 : vector<8192x64xf32>
    %get3A_61 = arith.constant 0 : index
    %get3A_62 = arith.constant 0 : index
    %get3A_63 = vector.load %arg13[%get3A_61, %get3A_62] : memref<1x64xf32, #tpu.memory_space<vmem>>, vector<1x64xf32>
    %add3A_64 = vector.broadcast %get3A_63 : vector<1x64xf32> to vector<8192x64xf32>
    %add3A_65 = arith.addf %mul3A_60, %add3A_64 : vector<8192x64xf32>
    %max3A_66 = arith.constant 0.000000e+00 : f32
    %max3A_67 = vector.broadcast %max3A_66 : f32 to vector<8192x64xf32>
    %max3A_68 = arith.maximumf %add3A_65, %max3A_67 : vector<8192x64xf32>
    %reshape3A_69 = vector.shape_cast %max3A_68 : vector<8192x64xf32> to vector<256x32x64xf32>
    %reduce_max3A = arith.constant dense<0xFF800000> : vector<256x64xf32>
    %reduce_max3A_70 = vector.multi_reduction <maximumf>, %reshape3A_69, %reduce_max3A [1] : vector<256x32x64xf32> to vector<256x64xf32>
    %swap3A = arith.constant 0 : index
    %swap3A_71 = arith.constant 0 : index
    %swap3A_72 = vector.load %arg14[%swap3A, %swap3A_71] : memref<256x64xf32, #tpu.memory_space<vmem>>, vector<256x64xf32>
    tpu.vector_store %arg14[%swap3A, %swap3A_71], %reduce_max3A_70 {strides = array<i32>} : memref<256x64xf32, #tpu.memory_space<vmem>>, vector<256x64xf32>,
    return
  }
  func.func @transform_0(%arg0: i32) -> (i32, i32) {
    %c0_i32 = arith.constant 0 : i32
    %c0_i32_0 = arith.constant 0 : i32
    return %arg0, %c0_i32 : i32, i32
  }
  func.func @transform_1(%arg0: i32) -> (i32, i32) {
    %c0_i32 = arith.constant 0 : i32
    %c0_i32_0 = arith.constant 0 : i32
    return %arg0, %c0_i32 : i32, i32
  }
  func.func @transform_2(%arg0: i32) -> (i32, i32) {
    %c0_i32 = arith.constant 0 : i32
    %c0_i32_0 = arith.constant 0 : i32
    %c0_i32_1 = arith.constant 0 : i32
    return %c0_i32, %c0_i32_0 : i32, i32
  }
  func.func @transform_3(%arg0: i32) -> (i32, i32) {
    %c0_i32 = arith.constant 0 : i32
    %c0_i32_0 = arith.constant 0 : i32
    %c0_i32_1 = arith.constant 0 : i32
    return %c0_i32, %c0_i32_0 : i32, i32
  }
  func.func @transform_4(%arg0: i32) -> (i32, i32) {
    %c0_i32 = arith.constant 0 : i32
    %c0_i32_0 = arith.constant 0 : i32
    %c0_i32_1 = arith.constant 0 : i32
    return %c0_i32, %c0_i32_0 : i32, i32
  }
  func.func @transform_5(%arg0: i32) -> (i32, i32) {
    %c0_i32 = arith.constant 0 : i32
    %c0_i32_0 = arith.constant 0 : i32
    %c0_i32_1 = arith.constant 0 : i32
    return %c0_i32, %c0_i32_0 : i32, i32
  }
  func.func @transform_6(%arg0: i32) -> (i32, i32) {
    %c0_i32 = arith.constant 0 : i32
    %c0_i32_0 = arith.constant 0 : i32
    %c0_i32_1 = arith.constant 0 : i32
    return %c0_i32, %c0_i32_0 : i32, i32
  }
  func.func @transform_7(%arg0: i32) -> (i32, i32) {
    %c0_i32 = arith.constant 0 : i32
    %c0_i32_0 = arith.constant 0 : i32
    %c0_i32_1 = arith.constant 0 : i32
    return %c0_i32, %c0_i32_0 : i32, i32
  }
  func.func @transform_8(%arg0: i32) -> (i32, i32) {
    %c0_i32 = arith.constant 0 : i32
    %c0_i32_0 = arith.constant 0 : i32
    %c0_i32_1 = arith.constant 0 : i32
    return %c0_i32, %c0_i32_0 : i32, i32
  }
  func.func @transform_9(%arg0: i32) -> (i32, i32) {
    %c0_i32 = arith.constant 0 : i32
    %c0_i32_0 = arith.constant 0 : i32
    %c0_i32_1 = arith.constant 0 : i32
    return %c0_i32, %c0_i32_0 : i32, i32
  }
  func.func @transform_10(%arg0: i32) -> (i32, i32) {
    %c0_i32 = arith.constant 0 : i32
    %c0_i32_0 = arith.constant 0 : i32
    %c0_i32_1 = arith.constant 0 : i32
    return %c0_i32, %c0_i32_0 : i32, i32
  }
  func.func @transform_11(%arg0: i32) -> (i32, i32) {
    %c0_i32 = arith.constant 0 : i32
    %c0_i32_0 = arith.constant 0 : i32
    %c0_i32_1 = arith.constant 0 : i32
    return %c0_i32, %c0_i32_0 : i32, i32
  }
  func.func @transform_12(%arg0: i32) -> (i32, i32) {
    %c0_i32 = arith.constant 0 : i32
    %c0_i32_0 = arith.constant 0 : i32
    %c0_i32_1 = arith.constant 0 : i32
    return %c0_i32, %c0_i32_0 : i32, i32
  }
  func.func @transform_13(%arg0: i32) -> (i32, i32) {
    %c0_i32 = arith.constant 0 : i32
    %c0_i32_0 = arith.constant 0 : i32
    return %arg0, %c0_i32 : i32, i32
  }
}

</mosaic_0001>

<sc_bundles>
// kernel: kernel.10.cloned.1.call-start
scs
__scs_entry_jumppad:
0x0: {  	(pc) =	sbr.rel $0x88, $3  }
0x1: {  	(tag) =	ssettag $0x0;
	lr =	simm.s32 $0x1  }
0x2: {  	[smem:$0x3F93] =	sst lr;
	_ =	strace $0xD0000000  }
0x3: {  	_ = 	snop  }
0x4: {  	_ = 	snop  }
0x5: {  	_ = 	snop  }
0x6: {  	_ = 	snop  }
0x7: {  	_ = 	snop  }
__scs_overlays_trampoline_lowered:
0x8: {  	[smem:$0x3FA2] =	sst s0  }
0x9: {  	[smem:$0x3FA3] =	sst s1  }
0xa: {  	[smem:$0x3FA4] =	sst s2  }
0xb: {  	[smem:$0x3FA5] =	sst s3  }
0xc: {  	[smem:$0x3FA6] =	sst s4  }
0xd: {  	[smem:$0x3FA7] =	sst s5  }
0xe: {  	[smem:$0x3FA8] =	sst s6  }
0xf: {  	[smem:$0x3FA9] =	sst s7  }
0x10: {  	[smem:$0x3FAA] =	sst s8  }
0x11: {  	[smem:$0x3FAB] =	sst s9;
	s0 =	simm.s32 @!p0 $0x0  }
0x12: {  	s1 =	sld [smem:$0x3F91];
	s0 =	simm.s32 @p0 $0x1  }
0x13: {  	[smem:$0x3FAC] =	sst s0;
	s0 =	simm.s32 @!p1 $0x0  }
0x14: {  	s2 =	sld [smem:$0x3F90];
	s0 =	simm.s32 @p1 $0x1  }
0x15: {  	[smem:$0x3FAD] =	sst s0;
	s0 =	simm.s32 @!p2 $0x0  }
0x16: {  	s3 =	sld [smem:$0x3FDB];
	s0 =	simm.s32 @p2 $0x1  }
0x17: {  	s4 =	simm.s32 $0x1BF5;
	[smem:$0x3FAF] =	sst s0  }
0x18: {  	s0 =	sld [smem:$0x3F92];
	_ =	swait.ge [sflag:s4], $0x0  }
0x19: {  	s7 =	sld [smem:$0x3F93]  }
0x1a: {  	s8 =	sadd.s32 $0xFFFFE003, lr  }
0x1b: {  	s9 =	sadd.s32 $0xFFFFFEF7, lr;
	s5 =	simm.s32 $0xFFFFFFFF;
	p2 =	slt.u32 s8, $0xFFFFF086  }
0x1c: {  	p1 =	slt.u32 s9, $0xF7A;
	s5 =	simm.s32 @!p2 $0x0  }
0x1d: {  	s5 =	simm.s32 @p1 $0x1;
	p0 =	seq.s32 s7, s2  }
0x1e: {  	s7 =	smul.u32 @!p0 $0xF7A, s2;
	p2 =	seq.s32 @!p0 s5, $0x0  }
0x1f: {  	s9 =	smul.u32 $0xF7A, s1;
	s8 =	simm.s32 @!p0 $0x1BF5;
	p2 =	por !p2, p0  }
0x20: {  	[sflag:s8] =	ssyncset.s32 @!p0 $0xFFFFF086;
	s6 =	sadd.s32 @!p0 s3, s7;
	s7 =	simm.s32 @!p0 $0x108  }
0x21: {  	s3 =	sadd.s32 s3, s9;
	s6 =	sadd.s32 @!p0 $0x88, s6;
	s7 =	simm.s32 @p2 $0x1082  }
0x22: {  	[simem:s7], [sflag:s8] =	dma.local @!p0 [hbm:s6], $0xF7A  }
0x23: {  	s9 =	sor.u32 $0xD0000000, s2;
	s6 =	simm.s32 $0x108;
	_ =	swait.ge @!p0 [sflag:s8], $0x0  }
0x24: {  	s3 =	sadd.s32 $0x88, s3;
	s6 =	simm.s32 @!p1 $0x1082;
	[sflag:s4] =	ssyncset.s32 $0xFFFFF086  }
0x25: {  	[simem:s6], [sflag:s4] =	dma.local [hbm:s3], $0xF7A  }
0x26: {  	[smem:$0x3F93] =	sst s1;
	(tag) =	ssettag s2;
	_ =	strace s9  }
0x27: {  	s1 =	sld [smem:$0x3FA3]  }
0x28: {  	s2 =	sld [smem:$0x3FA4]  }
0x29: {  	s4 =	sld [smem:$0x3FA6]  }
0x2a: {  	p0 =	seq.s32 s5, $0x0;
	s5 =	sld [smem:$0x3FA7]  }
0x2b: {  	s6 =	sld [smem:$0x3FA8]  }
0x2c: {  	s7 =	sld [smem:$0x3FA9]  }
0x2d: {  	s3 =	simm.s32 $0x108;
	s8 =	sld [smem:$0x3FAA]  }
0x2e: {  	s3 =	simm.s32 @!p0 $0x1082;
	s9 =	sld [smem:$0x3FAB]  }
0x2f: {  	lr =	sadd.s32 s0, s3;
	s0 =	sld [smem:$0x3FA2]  }
0x30: {  	s3 =	sld [smem:$0x3FA5]  }
0x31: {  	[smem:$0x3FAE] =	sst s10  }
0x32: {  	s10 =	sld [smem:$0x3FAC];
	_ =	sdelay $0x3  }
0x33: {  	p0 =	seq.s32 s10, $0x1;
	s10 =	sld [smem:$0x3FAE];
	_ =	sdelay $0x3  }
0x34: {  	[smem:$0x3FAE] =	sst s10  }
0x35: {  	s10 =	sld [smem:$0x3FAD];
	_ =	sdelay $0x3  }
0x36: {  	p1 =	seq.s32 s10, $0x1;
	s10 =	sld [smem:$0x3FAE];
	_ =	sdelay $0x3  }
0x37: {  	[smem:$0x3FAE] =	sst s10  }
0x38: {  	s10 =	sld [smem:$0x3FAF]  }
0x39: {  	_ = 	snop;
	(pc) =	sbr.ind lr, $3  }
0x3a: {  	_ = 	snop  }
0x3b: {  	_ = 	snop  }
0x3c: {  	p2 =	seq.s32 s10, $0x1;
	s10 =	sld [smem:$0x3FAE]  }
0x3d: {  	_ =	shalt  }
0x3e: {  	_ =	shalt  }
0x3f: {  	_ =	shalt  }
0x40: {  	_ =	shalt  }
0x41: {  	_ =	shalt  }
0x42: {  	_ =	shalt  }
0x43: {  	_ =	shalt  }
0x44: {  	_ =	shalt  }
0x45: {  	_ =	shalt  }
0x46: {  	_ =	shalt  }
0x47: {  	_ =	shalt  }
0x48: {  	_ =	shalt  }
0x49: {  	_ =	shalt  }
0x4a: {  	_ =	shalt  }
0x4b: {  	_ =	shalt  }
0x4c: {  	_ =	shalt  }
0x4d: {  	_ =	shalt  }
0x4e: {  	_ =	shalt  }
0x4f: {  	_ =	shalt  }
0x50: {  	_ =	shalt  }
0x51: {  	_ =	shalt  }
0x52: {  	_ =	shalt  }
0x53: {  	_ =	shalt  }
0x54: {  	_ =	shalt  }
0x55: {  	_ =	shalt  }
0x56: {  	_ =	shalt  }
0x57: {  	_ =	shalt  }
0x58: {  	_ =	shalt  }
0x59: {  	_ =	shalt  }
0x5a: {  	_ =	shalt  }
0x5b: {  	_ =	shalt  }
0x5c: {  	_ =	shalt  }
0x5d: {  	_ =	shalt  }
0x5e: {  	_ =	shalt  }
0x5f: {  	_ =	shalt  }
0x60: {  	_ =	shalt  }
0x61: {  	_ =	shalt  }
0x62: {  	_ =	shalt  }
0x63: {  	_ =	shalt  }
0x64: {  	_ =	shalt  }
0x65: {  	_ =	shalt  }
0x66: {  	_ =	shalt  }
0x67: {  	_ =	shalt  }
0x68: {  	_ =	shalt  }
0x69: {  	_ =	shalt  }
0x6a: {  	_ =	shalt  }
0x6b: {  	_ =	shalt  }
0x6c: {  	_ =	shalt  }
0x6d: {  	_ =	shalt  }
0x6e: {  	_ =	shalt  }
0x6f: {  	_ =	shalt  }
0x70: {  	_ =	shalt  }
0x71: {  	_ =	shalt  }
0x72: {  	_ =	shalt  }
0x73: {  	_ =	shalt  }
0x74: {  	_ =	shalt  }
0x75: {  	_ =	shalt  }
0x76: {  	_ =	shalt  }
0x77: {  	_ =	shalt  }
0x78: {  	_ =	shalt  }
0x79: {  	_ =	shalt  }
0x7a: {  	_ =	shalt  }
0x7b: {  	_ =	shalt  }
0x7c: {  	_ =	shalt  }
0x7d: {  	_ =	shalt  }
0x7e: {  	_ =	shalt  }
0x7f: {  	_ =	shalt  }
0x80: {  	_ =	shalt  }
0x81: {  	_ =	shalt  }
0x82: {  	_ =	shalt  }
0x83: {  	_ =	shalt  }
0x84: {  	_ =	shalt  }
0x85: {  	_ =	shalt  }
0x86: {  	_ =	shalt  }
0x87: {  	_ =	shalt  }
.Lfunc_end0:
.L_simem_size_0:
called_computation.1_lowered:
.L_overlay_start_0:
0x88: {  	s2 =	sld [smem:$0x3FD9]  }
0x89: {  	s3 =	sld [smem:$0x3FFE];
	_ =	sdelay $0x1  }
0x8a: {  	s1 =	srdreg.scid  }
0x8b: {  	s0 =	sand.u32 $0x1, s1  }
0x8c: {  	s14 =	sshll.u32 s0, $0xA;
	s2 =	sadd.s32 s3, s2  }
0x8d: {  	s2 =	sadd.s32 s2, s14  }
0x8e: {  	[smem:$0x3FBA] =	sst s2  }
0x8f: {  	_ = 	snop  }
0x90: {  	s2 =	sld [smem:$0x3FD0];
	_ =	sdelay $0x2  }
0x91: {  	s15 =	simm.s32 $0xA;
	s4 =	simm.s32 $0x10  }
0x92: {  	[smem:s4], [sflag:s15] =	dma.local [hbm:s2], $0x1  }
0x93: {  	_ =	swait.eq [sflag:s15], $0x1  }
0x94: {  	[sflag:s15] =	ssyncset.done $0x0  }
0x95: {  	[sflag:s15] =	ssyncadd.s32 $0xFFFFFFFF  }
0x96: {  	s16 =	sld [smem:$0x11];
	(tm) =	ssettm $0x1  }
0x97: {  	s17 =	sld [smem:$0x3FFB];
	_ =	sdelay $0x3  }
0x98: {  	_ =	strace s17  }
0x99: {  	s3 =	sld [smem:$0x3FFC];
	_ =	sdelay $0x3  }
0x9a: {  	_ =	strace s3  }
0x9b: {  	s3 =	sld [smem:$0x3FFD];
	_ =	sdelay $0x3  }
0x9c: {  	_ =	strace s3  }
0x9d: {  	_ =	strace $0x8FFFFFFF  }
0x9e: {  	s18 =	sld [smem:$0x3FDB];
	_ =	sdelay $0x1  }
0x9f: {  	s19 =	simm.s32 $_scs_section_size  }
0xa0: {  	s5 =	simm.s32 $_size__tile_overlayer_lowered;
	s6 =	simm.s32 $_tile_overlayer_lowered  }
0xa1: {  	s22 =	simm.s32 $0x1BFF;
	s21 =	sshll.u32 s6, $0x1;
	s3 =	sadd.s32 s19, s18  }
0xa2: {  	s7 =	simm.s32 $0x0;
	s20 =	sshll.u32 s5, $0x1;
	s5 =	sadd.s32 s21, s3  }
0xa3: {  	[timem:s7], [sflag:s22] =	dma.local [hbm:s5], s20  }
0xa4: {  	_ =	swait.ge [sflag:s22], s20  }
0xa5: {  	s4 =	ssub.s32 $0x0, s20;
	[sflag:s22] =	ssyncset.done $0x0  }
0xa6: {  	[sflag:s22] =	ssyncadd.s32 s4;
	_ =	sdelay $0x1  }
0xa7: {  	s23 =	simm.s32 $0x1B8B  }
0xa8: {  	_ =	swait.ge [sflag:s23], $0x1  }
0xa9: {  	[sflag:s23] =	ssyncset.done $0x0  }
0xaa: {  	s25 =	simm.s32 $0x1B8E;
	s24 =	sld [smem:$0x3FFE];
	[sflag:s23] =	ssyncadd.s32 $0xFFFFFFFF  }
0xab: {  	s26 =	simm.s32 $execute0_lowered;
	[smem:$0x3FD2] =	sst s25  }
0xac: {  	s5 =	sshll.u32 s26, $0x1;
	_ =	strace $0x80000049;
	[dreg:$0x1] =	wrdreg $0xFFFFFFFF  }
0xad: {  	s28 =	simm.s32 $_size_execute0_lowered;
	s3 =	sadd.s32 s3, s5;
	[dreg:$0x0] =	wrdreg $0x0  }
0xae: {  	s5 =	sshll.u32 s28, $0x1;
	[dreg:$0x2] =	wrdreg s3  }
0xaf: {  	[dreg:$0x3] =	wrdreg s5  }
0xb0: {  	[dreg:$0x4] =	wrdreg $0xC0  }
0xb1: {  	_ =	task [dreg:s7], $0x5FFFF  }
0xb2: {  	[dreg:$0x1] =	wrdreg $0xFFFFFFFF  }
0xb3: {  	[dreg:$0x0] =	wrdreg $0x60  }
0xb4: {  	[dreg:$0x2] =	wrdreg s24  }
0xb5: {  	[dreg:$0x3] =	wrdreg s16  }
0xb6: {  	[dreg:$0x4] =	wrdreg $0x9  }
0xb7: {  	_ =	task.clear_ibuf [dreg:s7], $0x5FFFF;
	_ =	strace $0x90000049  }
0xb8: {  	s29 =	simm.s32 $0x9;
	_ =	strace $0x8000004B  }
0xb9: {  	_ =	swait.ge [sflag:s29], $0x1  }
0xba: {  	[sflag:s29] =	ssyncadd.s32 $0xFFFFFFFF  }
0xbb: {  	_ =	strace $0x9000004B  }
0xbc: {  	_ =	sfence  }
0xbd: {  	s30 =	sld [smem:$0x0];
	_ =	sdelay $0x2  }
0xbe: {  	s31 =	sshll.u32 s1, $0xD;
	s1 =	sshrl.u32 s1, $0x2  }
0xbf: {  	s3 =	sand.u32 $0x4000, s31;
	s1 =	sadd.s32 s1, s30  }
0xc0: {  	s0 =	sor.u32 s3, s0;
	s1 =	sshll.u32 s1, $0x11  }
0xc1: {  	s0 =	sor.u32 s1, s0  }
0xc2: {  	s0 =	sadd.s32 $0x8F2B, s0  }
0xc3: {  	[sflag:s0] =	ssyncadd.remote.s32 $0x1  }
0xc4: {  	_ =	sfence.sel $0xFFFF  }
0xc5: {  	[dreg:$0x0] =	wrdreg $0xFFFFFFFF;
	(pc) =	sbr.abs _section_cstart, $3  }
0xc6: {  	[dreg:$0x1] =	wrdreg $0xFFFFFFFF  }
0xc7: {  	_ =	task.clear_ibuf [dreg:s7], $0x2FFFF;
	_ =	strace $0x9FFFFFFF  }
0xc8: {  	(tm) =	ssettm $0x7FFFFFFF  }
0xc9: {  	_ =	shalt  }
tec
execute0_lowered:
.L_overlay_start_1:
0x0: {  	(tag) =	ssettag $0x1  }
0x1: {  	s4 =	rddreg [dreg:$0x0]  }
0x2: {  	s5 =	rddreg [dreg:$0x1]  }
0x3: {  	s0 =	rddreg [dreg:$0x2];
	s2 =	simm.s32 $0x0;
	s3 =	srdreg.scid  }
0x4: {  	s1 =	stileid.u32;
	s9 =	simm.s32 $0x2000;
	s11 =	simm.s32 $0x1  }
0x5: {  	s12 =	simm.s32 $0x0;
	[smem:$0x7FF] =	sst s2;
	s6 =	sand.u32 $0x1, s3  }
0x6: {  	s29 =	sshll.u32 s1, $0x1;
	s3 =	sadd.s32 $0x24E00, s4;
	s31 =	sshll.u32 s1, $0xB  }
0x7: {  	_ =	strace $0x8000004A;
	s7 =	sor.u32 s6, s29;
	s6 =	ssub.s32 $0x2, s6  }
0x8: {  	s10 =	sand.u32 $0x7000, s31;
	s8 =	sshll.u32 s7, $0xF;
	s30 =	sshrl.u32 s6, $0x1  }
0x9: {  	s7 =	sshll.u32 s7, $0xA;
	v0 =	vmov s10;
	s10 =	simm.s32 $0x2400;
	s8 =	sadd.s32 s8, s4  }
0xa: {  	s6 =	ssub.s32 s6, s30;
	s4 =	sadd.s32 s5, s7;
	s7 =	simm.s32 $0x2  }
0xb: {  	s5 =	sadd.s32 $0x44E00, s8;
	s6 =	smax.u32 s6, $0x1;
	s8 =	simm.s32 $0x400  }
.LBB2_1:
0xc: {  	[tilespmem:s2], [sflag:$0x2] =	stream.linear.gather [hbm4b:s4+s2], $0x2000, $0x38;
	[tilespmem:$0xA400] =	vst v63  }
0xd: {  	_ =	swait.ge [sflag:s7], $0x2000  }
0xe: {  	[sflag:s7] =	ssyncset.done $0x0  }
0xf: {  	s13 =	simm.s32 $0x0;
	[sflag:s7] =	ssyncadd.s32 $0xFFFFE000  }
.LBB2_2:
0x10: {  	s15 =	simm.s32 $0x0  }
0x11: {  	s14 =	sshll.u32 s13, $0xC;
	s16 =	sand.u32 $0xF80, s15  }
0x12: {  	s17 =	sshrl.u32 s14, $0x2;
	s16 =	sshrl.u32 s16, $0x2  }
0x13: {  	s18 =	sand.u32 $0x10, s15;
	s19 =	sadd.s32 s16, s17  }
0x14: {  	s18 =	sadd.s32 s18, s19  }
0x15: {  	v1 =	vld [tilespmem:s18+$0x0];
	_ =	sdelay $0x1  }
0x16: {  	s16 =	simm.s32 $0x40  }
0x17: {  	s20 =	sand.u32 $0xF80, s16;
	s19 =	simm.s32 $0x80;
	s18 =	simm.s32 $0x0  }
.LBB2_3:
0x18: {  	p0 =	sne.s32 s19, $0xFC0;
	s20 =	sshrl.u32 s20, $0x2;
	s15 =	sadd.s32 $0x10, s15  }
0x19: {  	s18 =	sshra.s32 s18, $0x2;
	s21 =	sand.u32 $0x10, s15;
	s20 =	sadd.s32 s20, s17;
	v1 =	vadd.s32 v0, v1  }
.Ltmp0:
0x1a: {  	s20 =	sadd.s32 s21, s20;
	[tilespmem:s18+$0x2000] =	vst v1;
	s18 =	smov.u32 s16;
	(pc) =	sbr.rel @p0 .LBB2_3-.Ltmp0, $2  }
0x1b: {  	s16 =	smov.u32 s19;
	v1 =	vld [tilespmem:s20+$0x0];
	_ =	sdelay $0x2  }
0x1c: {  	s19 =	sadd.s32 $0x40, s19;
	s20 =	sand.u32 $0xF80, s16  }
0x1d: {  	s19 =	sshrl.u32 s20, $0x2;
	s15 =	sadd.s32 $0x10, s15  }
0x1e: {  	s18 =	sshra.s32 s18, $0x2;
	s15 =	sand.u32 $0x10, s15;
	s17 =	sadd.s32 s19, s17;
	v1 =	vadd.s32 v0, v1  }
0x1f: {  	s15 =	sadd.s32 s15, s17;
	[tilespmem:s18+$0x2000] =	vst v1  }
0x20: {  	v1 =	vld [tilespmem:s15+$0x0];
	_ =	sdelay $0x4  }
0x21: {  	s31 =	sshra.s32 s16, $0x2;
	v1 =	vadd.s32 v0, v1  }
0x22: {  	[tilespmem:s31+$0x2000] =	vst v1  }
0x23: {  	[tilespmem:s10], [sflag:$0x1] =	stream.indirect.gather [hbm4b:s3+s8], $0x20, s9, s8, $0xb8;
	[tilespmem:$0xA400] =	vst v63  }
0x24: {  	s13 =	sadd.s32 $0x1, s13;
	_ =	swait.ge [sflag:s11], $0x8000  }
0x25: {  	p0 =	sne.s32 s13, $0x8;
	[sflag:s11] =	ssyncset.done $0x0  }
.Ltmp1:
0x26: {  	s14 =	sadd.s32 s14, s5;
	[sflag:s11] =	ssyncadd.s32 $0xFFFF8000;
	(pc) =	sbr.rel @p0 .LBB2_2-.Ltmp1, $4  }
0x27: {  	[hbm4b:s14+s2] =	stream.linear.scatter [tilespmem:s10], [sflag:$0x2], $0x8000, $0x38;
	[tilespmem:$0xA400] =	vst v63  }
0x28: {  	_ =	swait.ge [sflag:s7], $0x8000  }
0x29: {  	[sflag:s7] =	ssyncset.done $0x0  }
0x2a: {  	[sflag:s7] =	ssyncadd.s32 $0xFFFF8000  }
0x2b: {  	s12 =	sadd.s32 $0x1, s12  }
0x2c: {  	p0 =	sne.s32 s12, s6  }
.Ltmp2:
0x2d: {  	_ = 	snop;
	(pc) =	sbr.rel @p0 .LBB2_1-.Ltmp2, $1  }
0x2e: {  	_ =	sdelay $0x3  }
0x2f: {  	_ =	sfence.sel $0x180000  }
0x30: {  	[bflag:$0x0] =	sbarrier.arrive $0xFFFF  }
0x31: {  	p0 =	sne.s32 s1, $0x0;
	_ =	strace $0x9000004A  }
0x32: {  	s0 =	sadd.s32 @!p0 $0x100000, s0;
	[bflag:$0x2] =	sbarrier.arrive $0xFFFF  }
0x33: {  	[sflag:s0] =	ssyncadd.tile.s32 @!p0 $0x1;
	_ =	shalt  }
.Lfunc_end2:
_tile_overlayer_lowered:
.L_overlay_start_2:
0x34: {  	(tag) =	ssettag $0x2  }
0x35: {  	s0 =	rddreg [dreg:$0x0];
	s2 =	stileid.u32  }
0x36: {  	s1 =	rddreg [dreg:$0x1];
	p0 =	sne.s32 s2, $0x0  }
0x37: {  	s3 =	rddreg [dreg:$0x2];
	[bflag:$0x3] =	sbarrier.arrive $0xFFFF;
	s2 =	simm.s32 @!p0 $0x1C02  }
0x38: {  	[timem:s3], [sflag:s2] =	dma.local @!p0 [hbm:s0], s1  }
0x39: {  	s0 =	simm.s32 @!p0 $0x2  }
0x3a: {  	_ =	swait.ge @!p0 [sflag:s0], s1  }
0x3b: {  	s1 =	ssub.s32 @!p0 $0x0, s1;
	[sflag:s0] =	ssyncset.done @!p0 $0x0  }
0x3c: {  	[sflag:s0] =	ssyncadd.s32 @!p0 s1  }
0x3d: {  	[bflag:$0x3] =	sbarrier.arrive $0xFFFF  }
0x3e: {  	_ =	shalt  }

// kernel: kernel.7.cloned.1.call-start
scs
__scs_entry_jumppad:
0x0: {  	(pc) =	sbr.rel $0x88, $3  }
0x1: {  	(tag) =	ssettag $0x0;
	lr =	simm.s32 $0x1  }
0x2: {  	[smem:$0x3F93] =	sst lr;
	_ =	strace $0xD0000000  }
0x3: {  	_ = 	snop  }
0x4: {  	_ = 	snop  }
0x5: {  	_ = 	snop  }
0x6: {  	_ = 	snop  }
0x7: {  	_ = 	snop  }
__scs_overlays_trampoline_lowered:
0x8: {  	[smem:$0x3FA2] =	sst s0  }
0x9: {  	[smem:$0x3FA3] =	sst s1  }
0xa: {  	[smem:$0x3FA4] =	sst s2  }
0xb: {  	[smem:$0x3FA5] =	sst s3  }
0xc: {  	[smem:$0x3FA6] =	sst s4  }
0xd: {  	[smem:$0x3FA7] =	sst s5  }
0xe: {  	[smem:$0x3FA8] =	sst s6  }
0xf: {  	[smem:$0x3FA9] =	sst s7  }
0x10: {  	[smem:$0x3FAA] =	sst s8  }
0x11: {  	[smem:$0x3FAB] =	sst s9;
	s0 =	simm.s32 @!p0 $0x0  }
0x12: {  	s1 =	sld [smem:$0x3F91];
	s0 =	simm.s32 @p0 $0x1  }
0x13: {  	[smem:$0x3FAC] =	sst s0;
	s0 =	simm.s32 @!p1 $0x0  }
0x14: {  	s2 =	sld [smem:$0x3F90];
	s0 =	simm.s32 @p1 $0x1  }
0x15: {  	[smem:$0x3FAD] =	sst s0;
	s0 =	simm.s32 @!p2 $0x0  }
0x16: {  	s3 =	sld [smem:$0x3FDB];
	s0 =	simm.s32 @p2 $0x1  }
0x17: {  	s4 =	simm.s32 $0x1BF5;
	[smem:$0x3FAF] =	sst s0  }
0x18: {  	s0 =	sld [smem:$0x3F92];
	_ =	swait.ge [sflag:s4], $0x0  }
0x19: {  	s7 =	sld [smem:$0x3F93]  }
0x1a: {  	s8 =	sadd.s32 $0xFFFFE003, lr  }
0x1b: {  	s9 =	sadd.s32 $0xFFFFFEF7, lr;
	s5 =	simm.s32 $0xFFFFFFFF;
	p2 =	slt.u32 s8, $0xFFFFF086  }
0x1c: {  	p1 =	slt.u32 s9, $0xF7A;
	s5 =	simm.s32 @!p2 $0x0  }
0x1d: {  	s5 =	simm.s32 @p1 $0x1;
	p0 =	seq.s32 s7, s2  }
0x1e: {  	s7 =	smul.u32 @!p0 $0xF7A, s2;
	p2 =	seq.s32 @!p0 s5, $0x0  }
0x1f: {  	s9 =	smul.u32 $0xF7A, s1;
	s8 =	simm.s32 @!p0 $0x1BF5;
	p2 =	por !p2, p0  }
0x20: {  	[sflag:s8] =	ssyncset.s32 @!p0 $0xFFFFF086;
	s6 =	sadd.s32 @!p0 s3, s7;
	s7 =	simm.s32 @!p0 $0x108  }
0x21: {  	s3 =	sadd.s32 s3, s9;
	s6 =	sadd.s32 @!p0 $0x88, s6;
	s7 =	simm.s32 @p2 $0x1082  }
0x22: {  	[simem:s7], [sflag:s8] =	dma.local @!p0 [hbm:s6], $0xF7A  }
0x23: {  	s9 =	sor.u32 $0xD0000000, s2;
	s6 =	simm.s32 $0x108;
	_ =	swait.ge @!p0 [sflag:s8], $0x0  }
0x24: {  	s3 =	sadd.s32 $0x88, s3;
	s6 =	simm.s32 @!p1 $0x1082;
	[sflag:s4] =	ssyncset.s32 $0xFFFFF086  }
0x25: {  	[simem:s6], [sflag:s4] =	dma.local [hbm:s3], $0xF7A  }
0x26: {  	[smem:$0x3F93] =	sst s1;
	(tag) =	ssettag s2;
	_ =	strace s9  }
0x27: {  	s1 =	sld [smem:$0x3FA3]  }
0x28: {  	s2 =	sld [smem:$0x3FA4]  }
0x29: {  	s4 =	sld [smem:$0x3FA6]  }
0x2a: {  	p0 =	seq.s32 s5, $0x0;
	s5 =	sld [smem:$0x3FA7]  }
0x2b: {  	s6 =	sld [smem:$0x3FA8]  }
0x2c: {  	s7 =	sld [smem:$0x3FA9]  }
0x2d: {  	s3 =	simm.s32 $0x108;
	s8 =	sld [smem:$0x3FAA]  }
0x2e: {  	s3 =	simm.s32 @!p0 $0x1082;
	s9 =	sld [smem:$0x3FAB]  }
0x2f: {  	lr =	sadd.s32 s0, s3;
	s0 =	sld [smem:$0x3FA2]  }
0x30: {  	s3 =	sld [smem:$0x3FA5]  }
0x31: {  	[smem:$0x3FAE] =	sst s10  }
0x32: {  	s10 =	sld [smem:$0x3FAC];
	_ =	sdelay $0x3  }
0x33: {  	p0 =	seq.s32 s10, $0x1;
	s10 =	sld [smem:$0x3FAE];
	_ =	sdelay $0x3  }
0x34: {  	[smem:$0x3FAE] =	sst s10  }
0x35: {  	s10 =	sld [smem:$0x3FAD];
	_ =	sdelay $0x3  }
0x36: {  	p1 =	seq.s32 s10, $0x1;
	s10 =	sld [smem:$0x3FAE];
	_ =	sdelay $0x3  }
0x37: {  	[smem:$0x3FAE] =	sst s10  }
0x38: {  	s10 =	sld [smem:$0x3FAF]  }
0x39: {  	_ = 	snop;
	(pc) =	sbr.ind lr, $3  }
0x3a: {  	_ = 	snop  }
0x3b: {  	_ = 	snop  }
0x3c: {  	p2 =	seq.s32 s10, $0x1;
	s10 =	sld [smem:$0x3FAE]  }
0x3d: {  	_ =	shalt  }
0x3e: {  	_ =	shalt  }
0x3f: {  	_ =	shalt  }
0x40: {  	_ =	shalt  }
0x41: {  	_ =	shalt  }
0x42: {  	_ =	shalt  }
0x43: {  	_ =	shalt  }
0x44: {  	_ =	shalt  }
0x45: {  	_ =	shalt  }
0x46: {  	_ =	shalt  }
0x47: {  	_ =	shalt  }
0x48: {  	_ =	shalt  }
0x49: {  	_ =	shalt  }
0x4a: {  	_ =	shalt  }
0x4b: {  	_ =	shalt  }
0x4c: {  	_ =	shalt  }
0x4d: {  	_ =	shalt  }
0x4e: {  	_ =	shalt  }
0x4f: {  	_ =	shalt  }
0x50: {  	_ =	shalt  }
0x51: {  	_ =	shalt  }
0x52: {  	_ =	shalt  }
0x53: {  	_ =	shalt  }
0x54: {  	_ =	shalt  }
0x55: {  	_ =	shalt  }
0x56: {  	_ =	shalt  }
0x57: {  	_ =	shalt  }
0x58: {  	_ =	shalt  }
0x59: {  	_ =	shalt  }
0x5a: {  	_ =	shalt  }
0x5b: {  	_ =	shalt  }
0x5c: {  	_ =	shalt  }
0x5d: {  	_ =	shalt  }
0x5e: {  	_ =	shalt  }
0x5f: {  	_ =	shalt  }
0x60: {  	_ =	shalt  }
0x61: {  	_ =	shalt  }
0x62: {  	_ =	shalt  }
0x63: {  	_ =	shalt  }
0x64: {  	_ =	shalt  }
0x65: {  	_ =	shalt  }
0x66: {  	_ =	shalt  }
0x67: {  	_ =	shalt  }
0x68: {  	_ =	shalt  }
0x69: {  	_ =	shalt  }
0x6a: {  	_ =	shalt  }
0x6b: {  	_ =	shalt  }
0x6c: {  	_ =	shalt  }
0x6d: {  	_ =	shalt  }
0x6e: {  	_ =	shalt  }
0x6f: {  	_ =	shalt  }
0x70: {  	_ =	shalt  }
0x71: {  	_ =	shalt  }
0x72: {  	_ =	shalt  }
0x73: {  	_ =	shalt  }
0x74: {  	_ =	shalt  }
0x75: {  	_ =	shalt  }
0x76: {  	_ =	shalt  }
0x77: {  	_ =	shalt  }
0x78: {  	_ =	shalt  }
0x79: {  	_ =	shalt  }
0x7a: {  	_ =	shalt  }
0x7b: {  	_ =	shalt  }
0x7c: {  	_ =	shalt  }
0x7d: {  	_ =	shalt  }
0x7e: {  	_ =	shalt  }
0x7f: {  	_ =	shalt  }
0x80: {  	_ =	shalt  }
0x81: {  	_ =	shalt  }
0x82: {  	_ =	shalt  }
0x83: {  	_ =	shalt  }
0x84: {  	_ =	shalt  }
0x85: {  	_ =	shalt  }
0x86: {  	_ =	shalt  }
0x87: {  	_ =	shalt  }
.Lfunc_end0:
.L_simem_size_0:
called_computation_lowered:
.L_overlay_start_0:
0x88: {  	s2 =	sld [smem:$0x3FD9]  }
0x89: {  	s3 =	sld [smem:$0x3FFE];
	_ =	sdelay $0x1  }
0x8a: {  	s1 =	srdreg.scid  }
0x8b: {  	s0 =	sand.u32 $0x1, s1  }
0x8c: {  	s14 =	sshll.u32 s0, $0xA;
	s2 =	sadd.s32 s3, s2  }
0x8d: {  	s2 =	sadd.s32 s2, s14  }
0x8e: {  	[smem:$0x3FBA] =	sst s2  }
0x8f: {  	_ = 	snop  }
0x90: {  	s2 =	sld [smem:$0x3FD0];
	_ =	sdelay $0x2  }
0x91: {  	s15 =	simm.s32 $0xA;
	s4 =	simm.s32 $0x10  }
0x92: {  	[smem:s4], [sflag:s15] =	dma.local [hbm:s2], $0x1  }
0x93: {  	_ =	swait.eq [sflag:s15], $0x1  }
0x94: {  	s16 =	sld [smem:$0x10];
	[sflag:s15] =	ssyncset.done $0x0  }
0x95: {  	s17 =	sld [smem:$0x11];
	[sflag:s15] =	ssyncadd.s32 $0xFFFFFFFF  }
0x96: {  	s18 =	sld [smem:$0x12];
	(tm) =	ssettm $0x1  }
0x97: {  	s5 =	sld [smem:$0x3FFB];
	_ =	sdelay $0x3  }
0x98: {  	_ =	strace s5  }
0x99: {  	s5 =	sld [smem:$0x3FFC];
	_ =	sdelay $0x3  }
0x9a: {  	_ =	strace s5  }
0x9b: {  	s5 =	sld [smem:$0x3FFD];
	_ =	sdelay $0x3  }
0x9c: {  	_ =	strace s5  }
0x9d: {  	_ =	strace $0x8FFFFFFF  }
0x9e: {  	s19 =	sld [smem:$0x3FDB];
	_ =	sdelay $0x1  }
0x9f: {  	s6 =	simm.s32 $_scs_section_size  }
0xa0: {  	s7 =	simm.s32 $_size__tile_overlayer_lowered;
	s8 =	simm.s32 $_tile_overlayer_lowered  }
0xa1: {  	s22 =	simm.s32 $0x1BFF;
	s21 =	sshll.u32 s8, $0x1;
	s5 =	sadd.s32 s6, s19  }
0xa2: {  	s9 =	simm.s32 $0x0;
	s20 =	sshll.u32 s7, $0x1;
	s7 =	sadd.s32 s21, s5  }
0xa3: {  	[timem:s9], [sflag:s22] =	dma.local [hbm:s7], s20  }
0xa4: {  	_ =	swait.ge [sflag:s22], s20  }
0xa5: {  	s6 =	ssub.s32 $0x0, s20;
	[sflag:s22] =	ssyncset.done $0x0  }
0xa6: {  	[sflag:s22] =	ssyncadd.s32 s6;
	_ =	sdelay $0x1  }
0xa7: {  	s23 =	simm.s32 $0x1B8B  }
0xa8: {  	_ =	swait.ge [sflag:s23], $0x1  }
0xa9: {  	[sflag:s23] =	ssyncset.done $0x0  }
0xaa: {  	s25 =	simm.s32 $0x1B8E;
	s24 =	sld [smem:$0x3FFE];
	[sflag:s23] =	ssyncadd.s32 $0xFFFFFFFF  }
0xab: {  	s26 =	simm.s32 $execute0_lowered;
	[smem:$0x3FD2] =	sst s25  }
0xac: {  	s7 =	sshll.u32 s26, $0x1;
	_ =	strace $0x80000046;
	[dreg:$0x1] =	wrdreg $0xFFFFFFFF  }
0xad: {  	s28 =	simm.s32 $_size_execute0_lowered;
	s5 =	sadd.s32 s5, s7;
	[dreg:$0x0] =	wrdreg $0x0  }
0xae: {  	s7 =	sshll.u32 s28, $0x1;
	[dreg:$0x2] =	wrdreg s5  }
0xaf: {  	[dreg:$0x3] =	wrdreg s7  }
0xb0: {  	[dreg:$0x4] =	wrdreg $0xC0  }
0xb1: {  	_ =	task [dreg:s9], $0x5FFFF  }
0xb2: {  	[dreg:$0x1] =	wrdreg $0xFFFFFFFF  }
0xb3: {  	[dreg:$0x0] =	wrdreg $0x60  }
0xb4: {  	[dreg:$0x2] =	wrdreg s24  }
0xb5: {  	[dreg:$0x3] =	wrdreg s17  }
0xb6: {  	[dreg:$0x4] =	wrdreg s18  }
0xb7: {  	[dreg:$0x5] =	wrdreg s16  }
0xb8: {  	[dreg:$0x6] =	wrdreg $0x9  }
0xb9: {  	_ =	task.clear_ibuf [dreg:s9], $0x7FFFF;
	_ =	strace $0x90000046  }
0xba: {  	s29 =	simm.s32 $0x9;
	_ =	strace $0x80000048  }
0xbb: {  	_ =	swait.ge [sflag:s29], $0x1  }
0xbc: {  	[sflag:s29] =	ssyncadd.s32 $0xFFFFFFFF  }
0xbd: {  	_ =	strace $0x90000048  }
0xbe: {  	_ =	sfence  }
0xbf: {  	s30 =	sld [smem:$0x0];
	_ =	sdelay $0x2  }
0xc0: {  	s31 =	sshll.u32 s1, $0xD;
	s1 =	sshrl.u32 s1, $0x2  }
0xc1: {  	s3 =	sand.u32 $0x4000, s31;
	s1 =	sadd.s32 s1, s30  }
0xc2: {  	s0 =	sor.u32 s3, s0;
	s1 =	sshll.u32 s1, $0x11  }
0xc3: {  	s0 =	sor.u32 s1, s0  }
0xc4: {  	s0 =	sadd.s32 $0x8F2B, s0  }
0xc5: {  	[sflag:s0] =	ssyncadd.remote.s32 $0x1  }
0xc6: {  	_ =	sfence.sel $0xFFFF  }
0xc7: {  	[dreg:$0x0] =	wrdreg $0xFFFFFFFF;
	(pc) =	sbr.abs _section_cstart, $3  }
0xc8: {  	[dreg:$0x1] =	wrdreg $0xFFFFFFFF  }
0xc9: {  	_ =	task.clear_ibuf [dreg:s9], $0x2FFFF;
	_ =	strace $0x9FFFFFFF  }
0xca: {  	(tm) =	ssettm $0x7FFFFFFF  }
0xcb: {  	_ =	shalt  }
tec
execute0_lowered:
.L_overlay_start_1:
0x0: {  	(tag) =	ssettag $0x1  }
0x1: {  	s3 =	rddreg [dreg:$0x0]  }
0x2: {  	s4 =	rddreg [dreg:$0x1]  }
0x3: {  	s5 =	rddreg [dreg:$0x2];
	s0 =	stileid.u32  }
0x4: {  	s1 =	srdreg.scid;
	s8 =	rddreg [dreg:$0x3];
	s15 =	simm.s32 $0x2000  }
0x5: {  	s16 =	simm.s32 $0x7000;
	s17 =	simm.s32 $0x7180;
	s18 =	simm.s32 $0x7300  }
0x6: {  	s19 =	simm.s32 $0x7480;
	s20 =	simm.s32 $0x7600;
	s21 =	simm.s32 $0x0  }
0x7: {  	s6 =	sand.u32 $0x1, s1;
	s2 =	sshll.u32 s0, $0x1;
	s1 =	rddreg [dreg:$0x4]  }
0x8: {  	s9 =	sshll.u32 s0, $0x6;
	s11 =	sshll.u32 s0, $0x3;
	s7 =	sor.u32 s6, s2  }
0x9: {  	s2 =	simm.s32 $0x0;
	s31 =	sand.u32 $0x70, s11;
	s6 =	ssub.s32 $0x2, s6  }
0xa: {  	s10 =	sshll.u32 s7, $0xB;
	[smem:$0x7FF] =	sst s2;
	s11 =	sadd.s32 s31, s3  }
0xb: {  	s7 =	sshll.u32 s7, $0xC;
	s13 =	sshrl.u32 s6, $0x1;
	s4 =	sadd.s32 s4, s31  }
0xc: {  	s5 =	sadd.s32 s5, s31;
	s9 =	sor.u32 s9, s10;
	_ =	strace $0x80000047  }
0xd: {  	s14 =	sadd.s32 s7, s3;
	s13 =	ssub.s32 s6, s13;
	s9 =	sand.u32 $0x1B80, s9  }
0xe: {  	s10 =	smax.u32 s13, $0x1;
	s13 =	simm.s32 $0x1;
	s9 =	sshrl.u32 s9, $0x3  }
0xf: {  	s12 =	sadd.s32 s9, s3;
	s3 =	sadd.s32 $0x3E00, s11;
	s8 =	sadd.s32 s8, s9  }
0x10: {  	s9 =	sadd.s32 $0x4E00, s14;
	s11 =	simm.s32 $0x80;
	s14 =	simm.s32 $0x1000  }
0x11: {  	v0 =	vimm.s32 $0x1;
	v1 =	vlaneseq.u32;
	s6 =	sadd.s32 $0x3600, s12;
	s7 =	sadd.s32 $0x3A00, s12;
	s12 =	simm.s32 $0x400  }
.LBB2_1:
0x12: {  	[tilespmem:s2], [sflag:$0x1] =	stream.strided.gather [hbm4b:s3+s11], $0x1000, s12, s11, $0x38;
	[tilespmem:$0xF600] =	vst v63  }
0x13: {  	_ =	swait.ge [sflag:s13], $0x1000  }
0x14: {  	[sflag:s13] =	ssyncset.done $0x0  }
0x15: {  	[sflag:s13] =	ssyncadd.s32 $0xFFFFF000  }
0x16: {  	[tilespmem:s14], [sflag:$0x1] =	stream.strided.gather [hbm4b:s4+s11], $0x1000, s12, s11, $0x38;
	[tilespmem:$0xF600] =	vst v63  }
0x17: {  	_ =	swait.ge [sflag:s13], $0x1000  }
0x18: {  	[sflag:s13] =	ssyncset.done $0x0  }
0x19: {  	[sflag:s13] =	ssyncadd.s32 $0xFFFFF000  }
0x1a: {  	[tilespmem:s15], [sflag:$0x1] =	stream.strided.gather [hbm4b:s5+s11], $0x1000, s12, s11, $0x38;
	[tilespmem:$0xF600] =	vst v63  }
0x1b: {  	_ =	swait.ge [sflag:s13], $0x1000  }
0x1c: {  	[sflag:s13] =	ssyncset.done $0x0  }
0x1d: {  	[sflag:s13] =	ssyncadd.s32 $0xFFFFF000  }
0x1e: {  	[tilespmem:s16], [sflag:$0x1] =	stream.strided.gather [hbm4b:s6+s11], $0x100, s12, s11, $0x38;
	[tilespmem:$0xF600] =	vst v63  }
0x1f: {  	_ =	swait.ge [sflag:s13], $0x100  }
0x20: {  	[sflag:s13] =	ssyncset.done $0x0  }
0x21: {  	[sflag:s13] =	ssyncadd.s32 $0xFFFFFF00  }
0x22: {  	[tilespmem:s17], [sflag:$0x1] =	stream.strided.gather [hbm4b:s7+s11], $0x100, s12, s11, $0x38;
	[tilespmem:$0xF600] =	vst v63  }
0x23: {  	_ =	swait.ge [sflag:s13], $0x100  }
0x24: {  	[sflag:s13] =	ssyncset.done $0x0  }
0x25: {  	[sflag:s13] =	ssyncadd.s32 $0xFFFFFF00  }
0x26: {  	[tilespmem:s18], [sflag:$0x1] =	stream.strided.gather [hbm4b:s8+s11], $0x100, s12, s11, $0x38;
	[tilespmem:$0xF600] =	vst v63  }
0x27: {  	_ =	swait.ge [sflag:s13], $0x100  }
0x28: {  	[sflag:s13] =	ssyncset.done $0x0  }
0x29: {  	s23 =	simm.s32 $0x0;
	[sflag:s13] =	ssyncadd.s32 $0xFFFFFF00  }
0x2a: {  	v2 =	vld [tilespmem:s23+$0x0]  }
0x2b: {  	v3 =	vld [tilespmem:s23+$0x1000]  }
0x2c: {  	v6 =	vld [tilespmem:s23+$0x2000];
	_ =	sdelay $0x3  }
0x2d: {  	s22 =	simm.s32 $0x10;
	v5 =	vmul.f32 v2, v2;
	v7 =	vmul.f32 v3, v3;
	v8 =	vshrl.u32 v2, $0x10  }
0x2e: {  	v4 =	vld [tilespmem:s22+$0x0];
	v9 =	vshrl.u32 v3, $0x10;
	v10 =	vmul.f32 v6, v6;
	v11 =	vshrl.u32 v6, $0x10  }
0x2f: {  	v8 =	vand.u32 $0x1, v8;
	v9 =	vand.u32 $0x1, v9;
	v7 =	vadd.f32 v7, v5;
	v5 =	vld [tilespmem:s22+$0x1000]  }
0x30: {  	v2 =	vadd.s32 v8, v2;
	v8 =	vadd.s32 v9, v3;
	v9 =	vand.u32 $0x1, v11  }
0x31: {  	v3 =	vld [tilespmem:s22+$0x2000];
	v2 =	vadd.s32 $0x7FFF, v2;
	v6 =	vadd.s32 v9, v6  }
0x32: {  	v8 =	vadd.s32 $0x7FFF, v8;
	v7 =	vadd.f32 v10, v7;
	v2 =	vand.u32 $0xFFFF0000, v2  }
0x33: {  	v6 =	vadd.s32 $0x7FFF, v6;
	v10 =	vshrl.u32 v4, $0x10;
	v11 =	vand.u32 $0xFFFF0000, v8;
	[tilespmem:s23+$0x3000] =	vst v2  }
0x34: {  	s24 =	simm.s32 $0x20;
	[tilespmem:s23+$0x6000] =	vst v7;
	v7 =	vmul.f32 v4, v4;
	v8 =	vshrl.u32 v5, $0x10;
	v9 =	vmul.f32 v5, v5  }
0x35: {  	s25 =	simm.s32 $0xC0;
	v6 =	vand.u32 $0xFFFF0000, v6;
	v10 =	vand.u32 $0x1, v10;
	v2 =	vld [tilespmem:s24+$0x0];
	[tilespmem:s23+$0x4000] =	vst v11;
	v8 =	vand.u32 $0x1, v8  }
.LBB2_2:
0x36: {  	p0 =	sne.s32 s25, $0x3FC0;
	v11 =	vld [tilespmem:s24+$0x1000];
	v12 =	vshrl.u32 v3, $0x10;
	v7 =	vadd.f32 v9, v7;
	v9 =	vmul.f32 v3, v3;
	[tilespmem:s23+$0x5000] =	vst v6;
	s23 =	smov.u32 s22;
	s22 =	smov.u32 s24  }
0x37: {  	v4 =	vadd.s32 v10, v4;
	v5 =	vadd.s32 v8, v5;
	v6 =	vand.u32 $0x1, v12  }
.Ltmp0:
0x38: {  	v13 =	vadd.s32 $0x7FFF, v4;
	v6 =	vadd.s32 v6, v3;
	v3 =	vld [tilespmem:s22+$0x2000];
	v7 =	vadd.f32 v9, v7;
	(pc) =	sbr.rel @p0 .LBB2_2-.Ltmp0, $4  }
0x39: {  	v8 =	vand.u32 $0xFFFF0000, v13;
	v9 =	vadd.s32 $0x7FFF, v5;
	v14 =	vadd.s32 $0x7FFF, v6  }
0x3a: {  	v12 =	vand.u32 $0xFFFF0000, v9;
	v10 =	vshrl.u32 v2, $0x10;
	v6 =	vand.u32 $0xFFFF0000, v14;
	[tilespmem:s23+$0x6000] =	vst v7;
	v4 =	vmovc v2  }
0x3b: {  	s24 =	sshra.s32 s25, $0x2;
	v13 =	vshrl.u32 v11, $0x10;
	v7 =	vmul.f32 v2, v4;
	v9 =	vmul.f32 v11, v11;
	[tilespmem:s23+$0x3000] =	vst v8;
	v5 =	vmovc v11  }
0x3c: {  	s25 =	sadd.s32 $0x40, s25;
	v10 =	vand.u32 $0x1, v10;
	v2 =	vld [tilespmem:s24+$0x0];
	v8 =	vand.u32 $0x1, v13;
	[tilespmem:s23+$0x4000] =	vst v12  }
0x3d: {  	v11 =	vld [tilespmem:s24+$0x1000];
	v12 =	vshrl.u32 v3, $0x10;
	[tilespmem:s23+$0x5000] =	vst v6;
	v51 =	vadd.f32 v9, v7  }
0x3e: {  	v52 =	vmul.f32 v3, v3;
	v4 =	vadd.s32 v10, v4;
	v5 =	vadd.s32 v8, v5;
	v53 =	vld [tilespmem:s24+$0x2000]  }
0x3f: {  	v54 =	vand.u32 $0x1, v12;
	v4 =	vadd.s32 $0x7FFF, v4;
	v5 =	vadd.s32 $0x7FFF, v5  }
0x40: {  	v3 =	vadd.s32 v54, v3;
	v6 =	vadd.f32 v52, v51;
	v4 =	vand.u32 $0xFFFF0000, v4  }
0x41: {  	v5 =	vand.u32 $0xFFFF0000, v5;
	v3 =	vadd.s32 $0x7FFF, v3;
	v55 =	vmul.f32 v2, v2  }
0x42: {  	v57 =	vshrl.u32 v2, $0x10;
	v3 =	vand.u32 $0xFFFF0000, v3;
	v56 =	vmul.f32 v11, v11  }
0x43: {  	[tilespmem:s22+$0x3000] =	vst v4;
	v58 =	vshrl.u32 v11, $0x10;
	v60 =	vand.u32 $0x1, v57;
	v59 =	vmul.f32 v53, v53  }
0x44: {  	[tilespmem:s22+$0x6000] =	vst v6;
	v6 =	vand.u32 $0x1, v58;
	v61 =	vshrl.u32 v53, $0x10;
	v2 =	vadd.s32 v60, v2  }
0x45: {  	[tilespmem:s22+$0x5000] =	vst v3;
	v7 =	vadd.f32 v56, v55;
	v3 =	vadd.s32 v6, v11;
	v2 =	vadd.s32 $0x7FFF, v2  }
0x46: {  	[tilespmem:s22+$0x4000] =	vst v5;
	v5 =	vand.u32 $0x1, v61;
	v2 =	vand.u32 $0xFFFF0000, v2;
	v3 =	vadd.s32 $0x7FFF, v3  }
0x47: {  	v5 =	vadd.s32 v5, v53;
	v62 =	vadd.f32 v59, v7;
	v3 =	vand.u32 $0xFFFF0000, v3;
	[tilespmem:s24+$0x3000] =	vst v2  }
0x48: {  	v63 =	vadd.s32 $0x7FFF, v5;
	[tilespmem:s24+$0x4000] =	vst v3  }
0x49: {  	v2 =	vand.u32 $0xFFFF0000, v63;
	[tilespmem:s24+$0x6000] =	vst v62  }
0x4a: {  	s22 =	simm.s32 $0x0;
	[tilespmem:s24+$0x5000] =	vst v2  }
.LBB2_4:
0x4b: {  	v2 =	vld [tilespmem:s22+$0x7000]  }
0x4c: {  	v3 =	vld [tilespmem:s22+$0x7180];
	_ =	sdelay $0x1  }
0x4d: {  	v4 =	vld [tilespmem:s22+$0x7300];
	_ =	sdelay $0x2  }
0x4e: {  	v5 =	vmul.f32 v2, v2;
	v6 =	vmul.f32 v3, v3;
	_ =	sdelay $0x1  }
0x4f: {  	v2 =	vbroadcast v2, $0x0;
	v5 =	vadd.f32 v6, v5;
	v6 =	vmul.f32 v4, v4  }
0x50: {  	v3 =	vbroadcast v3, $0x0;
	v4 =	vbroadcast v4, $0x0  }
0x51: {  	v5 =	vadd.f32 v6, v5;
	v6 =	vshrl.u32 v2, $0x10  }
0x52: {  	v7 =	vshrl.u32 v3, $0x10;
	v8 =	vshrl.u32 v4, $0x10;
	v6 =	vand.u32 $0x1, v6  }
0x53: {  	v6 =	vadd.s32 v6, v2;
	v2 =	vand.u32 $0x1, v7;
	v7 =	vand.u32 $0x1, v8  }
0x54: {  	s23 =	simm.s32 $0xF0;
	v3 =	vadd.s32 v2, v3;
	v2 =	vbroadcast v5, $0x0;
	v4 =	vadd.s32 v7, v4  }
0x55: {  	s24 =	simm.s32 $0x6080;
	s25 =	simm.s32 $0x5080;
	s26 =	simm.s32 $0x4080;
	v5 =	vadd.s32 $0x7FFF, v6;
	v6 =	vadd.s32 $0x7FFF, v3;
	v7 =	vadd.s32 $0x7FFF, v4  }
0x56: {  	s28 =	simm.s32 $0x3080;
	s29 =	simm.s32 $0x0;
	s30 =	simm.s32 $0x0;
	v3 =	vand.u32 $0xFFFF0000, v5;
	v4 =	vand.u32 $0xFFFF0000, v6;
	v5 =	vand.u32 $0xFFFF0000, v7  }
.LBB2_5:
0x57: {  	v6 =	vld [tilespmem:s28+$0xFFFFFF80]  }
0x58: {  	v7 =	vld [tilespmem:s26+$0xFFFFFF80];
	_ =	sdelay $0x1  }
0x59: {  	v8 =	vld [tilespmem:s25+$0xFFFFFF80];
	_ =	sdelay $0x2  }
0x5a: {  	v6 =	vmul.f32 v3, v6;
	v7 =	vmul.f32 v4, v7  }
0x5b: {  	v9 =	vld [tilespmem:s24+$0xFFFFFF80]  }
0x5c: {  	v6 =	vadd.f32 v7, v6;
	v7 =	vmul.f32 v5, v8;
	_ =	sdelay $0x1  }
0x5d: {  	v6 =	vadd.f32 v7, v6;
	_ =	sdelay $0x1  }
0x5e: {  	v7 =	vadd.f32 v9, v2;
	v6 =	vadd.f32 v6, v6;
	_ =	sdelay $0x1  }
0x5f: {  	v6 =	vsub.f32 v7, v6;
	_ =	sdelay $0x1  }
0x60: {  	vm0 =	vle.f32 v6, $3.999999910e-02  }
0x61: {  	(xrf0) =	vadd.scan.msk.s32 vm0, v0;
	_ =	sdelay $0x5  }
0x62: {  	s30 =	sadd.s32 $0xFFFFFFFF, s30;
	v6, _, _ =	vpop (xrf0)  }
0x63: {  	v6 =	vadd.s32 s30, v6;
	_ =	sdelay $0x2  }
0x64: {  	s31 =	sadd.s32 $0xFFFFFF10, s23  }
0x65: {  	v7 =	vor.u32 s31, v1  }
0x66: {  	[tilespmem:v6+s19+$0x0] =	vst.idx.msk vm0, v7  }
0x67: {  	v6 =	vld [tilespmem:s28+$0xFFFFFF90]  }
0x68: {  	v7 =	vld [tilespmem:s26+$0xFFFFFF90];
	_ =	sdelay $0x1  }
0x69: {  	v43 =	vld [tilespmem:s25+$0xFFFFFF90];
	_ =	sdelay $0x2  }
0x6a: {  	v6 =	vmul.f32 v3, v6;
	v7 =	vmul.f32 v4, v7  }
0x6b: {  	v44 =	vld [tilespmem:s24+$0xFFFFFF90]  }
0x6c: {  	v6 =	vadd.f32 v7, v6;
	v7 =	vmul.f32 v5, v43;
	_ =	sdelay $0x1  }
0x6d: {  	v6 =	vadd.f32 v7, v6;
	_ =	sdelay $0x1  }
0x6e: {  	v7 =	vadd.f32 v44, v2;
	v6 =	vadd.f32 v6, v6;
	_ =	sdelay $0x1  }
0x6f: {  	v6 =	vsub.f32 v7, v6;
	_ =	sdelay $0x1  }
0x70: {  	vm1 =	vle.f32 v6, $3.999999910e-02  }
0x71: {  	(xrf0) =	vadd.scan.msk.s32 vm1, v0;
	_ =	sdelay $0x3  }
0x72: {  	v6 =	vmpcnt.ones.xlane vm0;
	_ =	sdelay $0x1  }
0x73: {  	v6 =	vadd.s32 s30, v6;
	v7, _, _ =	vpop (xrf0)  }
0x74: {  	v7 =	vadd.s32 v6, v7;
	_ =	sdelay $0x2  }
0x75: {  	s30 =	sadd.s32 $0xFFFFFF20, s23  }
0x76: {  	v45 =	vor.u32 s30, v1  }
0x77: {  	[tilespmem:v7+s19+$0x0] =	vst.idx.msk vm1, v45  }
0x78: {  	v7 =	vld [tilespmem:s28+$0xFFFFFFA0]  }
0x79: {  	v8 =	vld [tilespmem:s26+$0xFFFFFFA0];
	_ =	sdelay $0x1  }
0x7a: {  	v46 =	vld [tilespmem:s25+$0xFFFFFFA0];
	_ =	sdelay $0x2  }
0x7b: {  	v7 =	vmul.f32 v3, v7;
	v8 =	vmul.f32 v4, v8  }
0x7c: {  	v10 =	vld [tilespmem:s24+$0xFFFFFFA0]  }
0x7d: {  	v47 =	vmul.f32 v5, v46;
	v7 =	vadd.f32 v8, v7;
	_ =	sdelay $0x1  }
0x7e: {  	v7 =	vadd.f32 v47, v7;
	_ =	sdelay $0x1  }
0x7f: {  	v48 =	vadd.f32 v10, v2;
	v7 =	vadd.f32 v7, v7;
	_ =	sdelay $0x1  }
0x80: {  	v7 =	vsub.f32 v48, v7;
	_ =	sdelay $0x1  }
0x81: {  	vm14 =	vle.f32 v7, $3.999999910e-02  }
0x82: {  	(xrf0) =	vadd.scan.msk.s32 vm14, v0;
	_ =	sdelay $0x1  }
0x83: {  	v7 =	vmpcnt.ones.xlane vm1;
	_ =	sdelay $0x3  }
0x84: {  	v6 =	vadd.s32 v6, v7;
	v7, _, _ =	vpop (xrf0)  }
0x85: {  	v7 =	vadd.s32 v6, v7;
	_ =	sdelay $0x2  }
0x86: {  	s30 =	sadd.s32 $0xFFFFFF30, s23  }
0x87: {  	v49 =	vor.u32 s30, v1  }
0x88: {  	[tilespmem:v7+s19+$0x0] =	vst.idx.msk vm14, v49  }
0x89: {  	v7 =	vld [tilespmem:s28+$0xFFFFFFB0]  }
0x8a: {  	v8 =	vld [tilespmem:s26+$0xFFFFFFB0];
	_ =	sdelay $0x1  }
0x8b: {  	v50 =	vld [tilespmem:s25+$0xFFFFFFB0];
	_ =	sdelay $0x2  }
0x8c: {  	v7 =	vmul.f32 v3, v7;
	v8 =	vmul.f32 v4, v8  }
0x8d: {  	v51 =	vld [tilespmem:s24+$0xFFFFFFB0]  }
0x8e: {  	v52 =	vmul.f32 v5, v50;
	v7 =	vadd.f32 v8, v7;
	_ =	sdelay $0x1  }
0x8f: {  	v7 =	vadd.f32 v52, v7;
	_ =	sdelay $0x1  }
0x90: {  	v53 =	vadd.f32 v51, v2;
	v7 =	vadd.f32 v7, v7;
	_ =	sdelay $0x1  }
0x91: {  	v7 =	vsub.f32 v53, v7;
	_ =	sdelay $0x1  }
0x92: {  	vm15 =	vle.f32 v7, $3.999999910e-02  }
0x93: {  	(xrf0) =	vadd.scan.msk.s32 vm15, v0;
	_ =	sdelay $0x1  }
0x94: {  	v7 =	vmpcnt.ones.xlane vm14;
	_ =	sdelay $0x3  }
0x95: {  	v6 =	vadd.s32 v6, v7;
	v7, _, _ =	vpop (xrf0)  }
0x96: {  	v7 =	vadd.s32 v6, v7;
	_ =	sdelay $0x2  }
0x97: {  	s30 =	sadd.s32 $0xFFFFFF40, s23  }
0x98: {  	v54 =	vor.u32 s30, v1  }
0x99: {  	[tilespmem:v7+s19+$0x0] =	vst.idx.msk vm15, v54  }
0x9a: {  	v7 =	vld [tilespmem:s28+$0xFFFFFFC0]  }
0x9b: {  	v8 =	vld [tilespmem:s26+$0xFFFFFFC0];
	_ =	sdelay $0x1  }
0x9c: {  	v55 =	vld [tilespmem:s25+$0xFFFFFFC0];
	_ =	sdelay $0x2  }
0x9d: {  	v7 =	vmul.f32 v3, v7;
	v8 =	vmul.f32 v4, v8  }
0x9e: {  	v56 =	vld [tilespmem:s24+$0xFFFFFFC0]  }
0x9f: {  	v57 =	vmul.f32 v5, v55;
	v7 =	vadd.f32 v8, v7;
	_ =	sdelay $0x1  }
0xa0: {  	v7 =	vadd.f32 v57, v7;
	_ =	sdelay $0x1  }
0xa1: {  	v58 =	vadd.f32 v56, v2;
	v7 =	vadd.f32 v7, v7;
	_ =	sdelay $0x1  }
0xa2: {  	v7 =	vsub.f32 v58, v7;
	_ =	sdelay $0x1  }
0xa3: {  	vm4 =	vle.f32 v7, $3.999999910e-02  }
0xa4: {  	(xrf0) =	vadd.scan.msk.s32 vm4, v0;
	_ =	sdelay $0x1  }
0xa5: {  	v7 =	vmpcnt.ones.xlane vm15;
	_ =	sdelay $0x3  }
0xa6: {  	v6 =	vadd.s32 v6, v7;
	v7, _, _ =	vpop (xrf0)  }
0xa7: {  	v7 =	vadd.s32 v6, v7;
	_ =	sdelay $0x2  }
0xa8: {  	s30 =	sadd.s32 $0xFFFFFF50, s23  }
0xa9: {  	v59 =	vor.u32 s30, v1  }
0xaa: {  	[tilespmem:v7+s19+$0x0] =	vst.idx.msk vm4, v59  }
0xab: {  	v7 =	vld [tilespmem:s28+$0xFFFFFFD0]  }
0xac: {  	v8 =	vld [tilespmem:s26+$0xFFFFFFD0];
	_ =	sdelay $0x1  }
0xad: {  	v60 =	vld [tilespmem:s25+$0xFFFFFFD0];
	_ =	sdelay $0x2  }
0xae: {  	v7 =	vmul.f32 v3, v7;
	v8 =	vmul.f32 v4, v8  }
0xaf: {  	v61 =	vld [tilespmem:s24+$0xFFFFFFD0]  }
0xb0: {  	v62 =	vmul.f32 v5, v60;
	v7 =	vadd.f32 v8, v7;
	_ =	sdelay $0x1  }
0xb1: {  	v7 =	vadd.f32 v62, v7;
	_ =	sdelay $0x1  }
0xb2: {  	v63 =	vadd.f32 v61, v2;
	v7 =	vadd.f32 v7, v7;
	_ =	sdelay $0x1  }
0xb3: {  	v7 =	vsub.f32 v63, v7;
	_ =	sdelay $0x1  }
0xb4: {  	vm5 =	vle.f32 v7, $3.999999910e-02  }
0xb5: {  	(xrf0) =	vadd.scan.msk.s32 vm5, v0;
	_ =	sdelay $0x1  }
0xb6: {  	v7 =	vmpcnt.ones.xlane vm4;
	_ =	sdelay $0x3  }
0xb7: {  	v6 =	vadd.s32 v6, v7;
	v7, _, _ =	vpop (xrf0)  }
0xb8: {  	v7 =	vadd.s32 v6, v7;
	_ =	sdelay $0x2  }
0xb9: {  	s30 =	sadd.s32 $0xFFFFFF60, s23  }
0xba: {  	v12 =	vor.u32 s30, v1  }
0xbb: {  	[tilespmem:v7+s19+$0x0] =	vst.idx.msk vm5, v12  }
0xbc: {  	v7 =	vld [tilespmem:s28+$0xFFFFFFE0]  }
0xbd: {  	v8 =	vld [tilespmem:s26+$0xFFFFFFE0];
	_ =	sdelay $0x1  }
0xbe: {  	v13 =	vld [tilespmem:s25+$0xFFFFFFE0];
	_ =	sdelay $0x2  }
0xbf: {  	v7 =	vmul.f32 v3, v7;
	v8 =	vmul.f32 v4, v8  }
0xc0: {  	v14 =	vld [tilespmem:s24+$0xFFFFFFE0]  }
0xc1: {  	v15 =	vmul.f32 v5, v13;
	v7 =	vadd.f32 v8, v7;
	_ =	sdelay $0x1  }
0xc2: {  	v7 =	vadd.f32 v15, v7;
	_ =	sdelay $0x1  }
0xc3: {  	v16 =	vadd.f32 v14, v2;
	v7 =	vadd.f32 v7, v7;
	_ =	sdelay $0x1  }
0xc4: {  	v7 =	vsub.f32 v16, v7;
	_ =	sdelay $0x1  }
0xc5: {  	vm6 =	vle.f32 v7, $3.999999910e-02  }
0xc6: {  	(xrf0) =	vadd.scan.msk.s32 vm6, v0;
	_ =	sdelay $0x1  }
0xc7: {  	v7 =	vmpcnt.ones.xlane vm5;
	_ =	sdelay $0x3  }
0xc8: {  	v6 =	vadd.s32 v6, v7;
	v7, _, _ =	vpop (xrf0)  }
0xc9: {  	v7 =	vadd.s32 v6, v7;
	_ =	sdelay $0x2  }
0xca: {  	s30 =	sadd.s32 $0xFFFFFF70, s23  }
0xcb: {  	v17 =	vor.u32 s30, v1  }
0xcc: {  	[tilespmem:v7+s19+$0x0] =	vst.idx.msk vm6, v17  }
0xcd: {  	v7 =	vld [tilespmem:s28+$0xFFFFFFF0]  }
0xce: {  	v8 =	vld [tilespmem:s26+$0xFFFFFFF0];
	_ =	sdelay $0x1  }
0xcf: {  	v18 =	vld [tilespmem:s25+$0xFFFFFFF0];
	_ =	sdelay $0x2  }
0xd0: {  	v7 =	vmul.f32 v3, v7;
	v8 =	vmul.f32 v4, v8  }
0xd1: {  	v19 =	vld [tilespmem:s24+$0xFFFFFFF0]  }
0xd2: {  	v20 =	vmul.f32 v5, v18;
	v7 =	vadd.f32 v8, v7;
	_ =	sdelay $0x1  }
0xd3: {  	v7 =	vadd.f32 v20, v7;
	_ =	sdelay $0x1  }
0xd4: {  	v21 =	vadd.f32 v19, v2;
	v7 =	vadd.f32 v7, v7;
	_ =	sdelay $0x1  }
0xd5: {  	v7 =	vsub.f32 v21, v7;
	_ =	sdelay $0x1  }
0xd6: {  	vm7 =	vle.f32 v7, $3.999999910e-02  }
0xd7: {  	(xrf0) =	vadd.scan.msk.s32 vm7, v0;
	_ =	sdelay $0x1  }
0xd8: {  	v7 =	vmpcnt.ones.xlane vm6;
	_ =	sdelay $0x3  }
0xd9: {  	v6 =	vadd.s32 v6, v7;
	v7, _, _ =	vpop (xrf0)  }
0xda: {  	v7 =	vadd.s32 v6, v7;
	_ =	sdelay $0x2  }
0xdb: {  	s30 =	sadd.s32 $0xFFFFFF80, s23  }
0xdc: {  	v22 =	vor.u32 s30, v1  }
0xdd: {  	[tilespmem:v7+s19+$0x0] =	vst.idx.msk vm7, v22  }
0xde: {  	v7 =	vld [tilespmem:s28+$0x0]  }
0xdf: {  	v8 =	vld [tilespmem:s26+$0x0];
	_ =	sdelay $0x1  }
0xe0: {  	v23 =	vld [tilespmem:s25+$0x0];
	_ =	sdelay $0x2  }
0xe1: {  	v7 =	vmul.f32 v3, v7;
	v8 =	vmul.f32 v4, v8  }
0xe2: {  	v24 =	vld [tilespmem:s24+$0x0]  }
0xe3: {  	v25 =	vmul.f32 v5, v23;
	v7 =	vadd.f32 v8, v7;
	_ =	sdelay $0x1  }
0xe4: {  	v7 =	vadd.f32 v25, v7;
	_ =	sdelay $0x1  }
0xe5: {  	v26 =	vadd.f32 v24, v2;
	v7 =	vadd.f32 v7, v7;
	_ =	sdelay $0x1  }
0xe6: {  	v7 =	vsub.f32 v26, v7;
	_ =	sdelay $0x1  }
0xe7: {  	vm8 =	vle.f32 v7, $3.999999910e-02  }
0xe8: {  	(xrf0) =	vadd.scan.msk.s32 vm8, v0;
	_ =	sdelay $0x1  }
0xe9: {  	v7 =	vmpcnt.ones.xlane vm7;
	_ =	sdelay $0x3  }
0xea: {  	v6 =	vadd.s32 v6, v7;
	v7, _, _ =	vpop (xrf0)  }
0xeb: {  	v7 =	vadd.s32 v6, v7;
	_ =	sdelay $0x2  }
0xec: {  	s30 =	sadd.s32 $0xFFFFFF90, s23  }
0xed: {  	v27 =	vor.u32 s30, v1  }
0xee: {  	[tilespmem:v7+s19+$0x0] =	vst.idx.msk vm8, v27  }
0xef: {  	v7 =	vld [tilespmem:s28+$0x10]  }
0xf0: {  	v8 =	vld [tilespmem:s26+$0x10];
	_ =	sdelay $0x1  }
0xf1: {  	v28 =	vld [tilespmem:s25+$0x10];
	_ =	sdelay $0x2  }
0xf2: {  	v7 =	vmul.f32 v3, v7;
	v8 =	vmul.f32 v4, v8  }
0xf3: {  	v29 =	vld [tilespmem:s24+$0x10]  }
0xf4: {  	v30 =	vmul.f32 v5, v28;
	v7 =	vadd.f32 v8, v7;
	_ =	sdelay $0x1  }
0xf5: {  	v7 =	vadd.f32 v30, v7;
	_ =	sdelay $0x1  }
0xf6: {  	v31 =	vadd.f32 v29, v2;
	v7 =	vadd.f32 v7, v7;
	_ =	sdelay $0x1  }
0xf7: {  	v7 =	vsub.f32 v31, v7;
	_ =	sdelay $0x1  }
0xf8: {  	vm9 =	vle.f32 v7, $3.999999910e-02  }
0xf9: {  	(xrf0) =	vadd.scan.msk.s32 vm9, v0;
	_ =	sdelay $0x1  }
0xfa: {  	v7 =	vmpcnt.ones.xlane vm8;
	_ =	sdelay $0x3  }
0xfb: {  	v6 =	vadd.s32 v6, v7;
	v7, _, _ =	vpop (xrf0)  }
0xfc: {  	v7 =	vadd.s32 v6, v7;
	_ =	sdelay $0x2  }
0xfd: {  	s30 =	sadd.s32 $0xFFFFFFA0, s23  }
0xfe: {  	v32 =	vor.u32 s30, v1  }
0xff: {  	[tilespmem:v7+s19+$0x0] =	vst.idx.msk vm9, v32  }
0x100: {  	v7 =	vld [tilespmem:s28+$0x20]  }
0x101: {  	v8 =	vld [tilespmem:s26+$0x20];
	_ =	sdelay $0x1  }
0x102: {  	v33 =	vld [tilespmem:s25+$0x20];
	_ =	sdelay $0x2  }
0x103: {  	v7 =	vmul.f32 v3, v7;
	v8 =	vmul.f32 v4, v8  }
0x104: {  	v34 =	vld [tilespmem:s24+$0x20]  }
0x105: {  	v35 =	vmul.f32 v5, v33;
	v7 =	vadd.f32 v8, v7;
	_ =	sdelay $0x1  }
0x106: {  	v7 =	vadd.f32 v35, v7;
	_ =	sdelay $0x1  }
0x107: {  	v36 =	vadd.f32 v34, v2;
	v7 =	vadd.f32 v7, v7;
	_ =	sdelay $0x1  }
0x108: {  	v7 =	vsub.f32 v36, v7;
	_ =	sdelay $0x1  }
0x109: {  	vm10 =	vle.f32 v7, $3.999999910e-02  }
0x10a: {  	(xrf0) =	vadd.scan.msk.s32 vm10, v0;
	_ =	sdelay $0x1  }
0x10b: {  	v7 =	vmpcnt.ones.xlane vm9;
	_ =	sdelay $0x3  }
0x10c: {  	v6 =	vadd.s32 v6, v7;
	v7, _, _ =	vpop (xrf0)  }
0x10d: {  	v7 =	vadd.s32 v6, v7;
	_ =	sdelay $0x2  }
0x10e: {  	s30 =	sadd.s32 $0xFFFFFFB0, s23  }
0x10f: {  	v37 =	vor.u32 s30, v1  }
0x110: {  	[tilespmem:v7+s19+$0x0] =	vst.idx.msk vm10, v37  }
0x111: {  	v7 =	vld [tilespmem:s28+$0x30]  }
0x112: {  	v8 =	vld [tilespmem:s26+$0x30];
	_ =	sdelay $0x1  }
0x113: {  	v38 =	vld [tilespmem:s25+$0x30];
	_ =	sdelay $0x2  }
0x114: {  	v7 =	vmul.f32 v3, v7;
	v8 =	vmul.f32 v4, v8  }
0x115: {  	v39 =	vld [tilespmem:s24+$0x30]  }
0x116: {  	v40 =	vmul.f32 v5, v38;
	v7 =	vadd.f32 v8, v7;
	_ =	sdelay $0x1  }
0x117: {  	v7 =	vadd.f32 v40, v7;
	_ =	sdelay $0x1  }
0x118: {  	v41 =	vadd.f32 v39, v2;
	v7 =	vadd.f32 v7, v7;
	_ =	sdelay $0x1  }
0x119: {  	v7 =	vsub.f32 v41, v7;
	_ =	sdelay $0x1  }
0x11a: {  	vm11 =	vle.f32 v7, $3.999999910e-02  }
0x11b: {  	(xrf0) =	vadd.scan.msk.s32 vm11, v0;
	_ =	sdelay $0x1  }
0x11c: {  	v7 =	vmpcnt.ones.xlane vm10;
	_ =	sdelay $0x3  }
0x11d: {  	v6 =	vadd.s32 v6, v7;
	v7, _, _ =	vpop (xrf0)  }
0x11e: {  	v7 =	vadd.s32 v6, v7;
	_ =	sdelay $0x2  }
0x11f: {  	s30 =	sadd.s32 $0xFFFFFFC0, s23  }
0x120: {  	v42 =	vor.u32 s30, v1  }
0x121: {  	[tilespmem:v7+s19+$0x0] =	vst.idx.msk vm11, v42  }
0x122: {  	v7 =	vld [tilespmem:s28+$0x40]  }
0x123: {  	v8 =	vld [tilespmem:s26+$0x40];
	_ =	sdelay $0x1  }
0x124: {  	v43 =	vld [tilespmem:s25+$0x40];
	_ =	sdelay $0x2  }
0x125: {  	v7 =	vmul.f32 v3, v7;
	v8 =	vmul.f32 v4, v8  }
0x126: {  	v44 =	vld [tilespmem:s24+$0x40]  }
0x127: {  	v45 =	vmul.f32 v5, v43;
	v7 =	vadd.f32 v8, v7;
	_ =	sdelay $0x1  }
0x128: {  	v7 =	vadd.f32 v45, v7;
	_ =	sdelay $0x1  }
0x129: {  	v46 =	vadd.f32 v44, v2;
	v7 =	vadd.f32 v7, v7;
	_ =	sdelay $0x1  }
0x12a: {  	v7 =	vsub.f32 v46, v7;
	_ =	sdelay $0x1  }
0x12b: {  	vm12 =	vle.f32 v7, $3.999999910e-02  }
0x12c: {  	(xrf0) =	vadd.scan.msk.s32 vm12, v0;
	_ =	sdelay $0x1  }
0x12d: {  	v7 =	vmpcnt.ones.xlane vm11;
	_ =	sdelay $0x3  }
0x12e: {  	v6 =	vadd.s32 v6, v7;
	v7, _, _ =	vpop (xrf0)  }
0x12f: {  	v7 =	vadd.s32 v6, v7;
	_ =	sdelay $0x2  }
0x130: {  	s30 =	sadd.s32 $0xFFFFFFD0, s23  }
0x131: {  	v47 =	vor.u32 s30, v1  }
0x132: {  	[tilespmem:v7+s19+$0x0] =	vst.idx.msk vm12, v47  }
0x133: {  	v7 =	vld [tilespmem:s28+$0x50]  }
0x134: {  	v8 =	vld [tilespmem:s26+$0x50];
	_ =	sdelay $0x1  }
0x135: {  	v48 =	vld [tilespmem:s25+$0x50];
	_ =	sdelay $0x2  }
0x136: {  	v7 =	vmul.f32 v3, v7;
	v8 =	vmul.f32 v4, v8  }
0x137: {  	v49 =	vld [tilespmem:s24+$0x50]  }
0x138: {  	v50 =	vmul.f32 v5, v48;
	v7 =	vadd.f32 v8, v7;
	_ =	sdelay $0x1  }
0x139: {  	v7 =	vadd.f32 v50, v7;
	_ =	sdelay $0x1  }
0x13a: {  	v51 =	vadd.f32 v49, v2;
	v7 =	vadd.f32 v7, v7;
	_ =	sdelay $0x1  }
0x13b: {  	v7 =	vsub.f32 v51, v7;
	_ =	sdelay $0x1  }
0x13c: {  	vm13 =	vle.f32 v7, $3.999999910e-02  }
0x13d: {  	(xrf0) =	vadd.scan.msk.s32 vm13, v0;
	_ =	sdelay $0x1  }
0x13e: {  	v7 =	vmpcnt.ones.xlane vm12;
	_ =	sdelay $0x3  }
0x13f: {  	v6 =	vadd.s32 v6, v7;
	v7, _, _ =	vpop (xrf0)  }
0x140: {  	v7 =	vadd.s32 v6, v7;
	_ =	sdelay $0x2  }
0x141: {  	s30 =	sadd.s32 $0xFFFFFFE0, s23  }
0x142: {  	v52 =	vor.u32 s30, v1  }
0x143: {  	[tilespmem:v7+s19+$0x0] =	vst.idx.msk vm13, v52  }
0x144: {  	v7 =	vld [tilespmem:s28+$0x60]  }
0x145: {  	v8 =	vld [tilespmem:s26+$0x60];
	_ =	sdelay $0x1  }
0x146: {  	v53 =	vld [tilespmem:s25+$0x60];
	_ =	sdelay $0x2  }
0x147: {  	v7 =	vmul.f32 v3, v7;
	v8 =	vmul.f32 v4, v8  }
0x148: {  	v54 =	vld [tilespmem:s24+$0x60]  }
0x149: {  	v55 =	vmul.f32 v5, v53;
	v7 =	vadd.f32 v8, v7;
	_ =	sdelay $0x1  }
0x14a: {  	v7 =	vadd.f32 v55, v7;
	_ =	sdelay $0x1  }
0x14b: {  	v56 =	vadd.f32 v54, v2;
	v7 =	vadd.f32 v7, v7;
	_ =	sdelay $0x1  }
0x14c: {  	v7 =	vsub.f32 v56, v7;
	_ =	sdelay $0x1  }
0x14d: {  	vm14 =	vle.f32 v7, $3.999999910e-02  }
0x14e: {  	(xrf0) =	vadd.scan.msk.s32 vm14, v0;
	_ =	sdelay $0x1  }
0x14f: {  	v7 =	vmpcnt.ones.xlane vm13;
	_ =	sdelay $0x3  }
0x150: {  	v6 =	vadd.s32 v6, v7;
	v7, _, _ =	vpop (xrf0)  }
0x151: {  	v7 =	vadd.s32 v6, v7;
	_ =	sdelay $0x2  }
0x152: {  	s30 =	sadd.s32 $0xFFFFFFF0, s23  }
0x153: {  	v57 =	vor.u32 s30, v1  }
0x154: {  	[tilespmem:v7+s19+$0x0] =	vst.idx.msk vm14, v57  }
0x155: {  	v7 =	vld [tilespmem:s28+$0x70]  }
0x156: {  	v8 =	vld [tilespmem:s26+$0x70];
	_ =	sdelay $0x1  }
0x157: {  	v58 =	vld [tilespmem:s25+$0x70];
	_ =	sdelay $0x2  }
0x158: {  	v7 =	vmul.f32 v3, v7;
	v8 =	vmul.f32 v4, v8  }
0x159: {  	v59 =	vld [tilespmem:s24+$0x70]  }
0x15a: {  	v60 =	vmul.f32 v5, v58;
	v7 =	vadd.f32 v8, v7;
	_ =	sdelay $0x1  }
0x15b: {  	v7 =	vadd.f32 v60, v7;
	_ =	sdelay $0x1  }
0x15c: {  	v61 =	vadd.f32 v59, v2;
	v7 =	vadd.f32 v7, v7;
	_ =	sdelay $0x1  }
0x15d: {  	v7 =	vsub.f32 v61, v7;
	_ =	sdelay $0x1  }
0x15e: {  	v62 =	vmpcnt.ones.xlane vm14;
	vm15 =	vle.f32 v7, $3.999999910e-02  }
0x15f: {  	v7 =	vmpcnt.ones.xlane vm15  }
0x160: {  	v6 =	vadd.s32 v6, v62  }
0x161: {  	v7 =	vadd.s32 v6, v7  }
0x162: {  	(xrf0) =	vadd.scan.msk.s32 vm15, v0;
	v7 =	vxor.u32 $0x80000000, v7  }
0x163: {  	(xrf0) =	vmax.scan.msk.u32 $0xffff, v7;
	_ =	sdelay $0x4  }
0x164: {  	v7, _, _ =	vpop (xrf0)  }
0x165: {  	v63, _, _ =	vpop (xrf0)  }
0x166: {  	(v2sf) =	vpush v63, $0xF;
	_ =	sdelay $0xe  }
0x167: {  	s30 =	spop (v2sf)  }
0x168: {  	s30 =	sadd.s32 $0x80000001, s30  }
0x169: {  	p0 =	sgt.s32 s30, $0x1F  }
0x16a: {  	p1 =	slt.u32 @!p0 s29, $0xF0  }
0x16b: {  	v6 =	vadd.s32 v6, v7;
	p0 =	por p0, !p1  }
.Ltmp1:
0x16c: {  	_ = 	snop;
	(pc) =	sbr.rel @!p0 .LBB2_5-.Ltmp1, $4  }
0x16d: {  	_ = 	snop  }
0x16e: {  	s31 =	sadd.s32 $0x10, s29  }
0x16f: {  	s24 =	sadd.s32 $0x100, s24;
	s25 =	sadd.s32 $0x100, s25;
	s26 =	sadd.s32 $0x100, s26;
	v7 =	vor.u32 s23, v1  }
0x170: {  	s28 =	sadd.s32 $0x100, s28;
	s23 =	sadd.s32 $0x100, s23;
	[tilespmem:v6+s19+$0x0] =	vst.idx.msk vm15, v7;
	s29 =	smov.u32 s31  }
0x171: {  	v2 =	vld [tilespmem:$0x7480];
	_ =	sdelay $0x3  }
0x172: {  	vm0 =	vmmov $0x1  }
0x173: {  	v3 =	vnsel vm0, $0x0, v2  }
0x174: {  	(xrf0) =	vadd.scan.msk.s32 $0xffff, v3;
	_ =	sdelay $0x4  }
0x175: {  	s23 =	sshll.u32 s22, $0x7;
	s22 =	sadd.s32 $0x1, s22;
	v3 =	vld [tilespmem:$0x7490]  }
0x176: {  	p0 =	sne.s32 s22, $0x100;
	v4, _, _ =	vpop (xrf0)  }
.Ltmp2:
0x177: {  	v5 =	vmov s30;
	v4 =	vbroadcast v4, $0xF;
	(pc) =	sbr.rel @p0 .LBB2_4-.Ltmp2, $4  }
0x178: {  	v6 =	vor.u32 $0x10, v1;
	vm14 =	vgt.s32 v5, v1  }
0x179: {  	vm15 =	vgt.s32 v5, v6;
	s23 =	sand.u32 $0x3FFFFF80, s23;
	v2 =	vsel vm14, v2, v4  }
0x17a: {  	[tilespmem:s23+$0x7600] =	vst v2;
	v2 =	vsel vm15, v3, v4  }
0x17b: {  	[tilespmem:s23+$0x7610] =	vst v2  }
0x17c: {  	s21 =	sadd.s32 $0x1, s21  }
0x17d: {  	p0 =	sne.s32 s21, s10  }
.Ltmp3:
0x17e: {  	_ = 	snop;
	(pc) =	sbr.rel @p0 .LBB2_1-.Ltmp3, $4  }
0x17f: {  	[hbm4b:s9+s2] =	stream.linear.scatter [tilespmem:s20], [sflag:$0x1], $0x8000, $0x38;
	[tilespmem:$0xF600] =	vst v63  }
0x180: {  	_ =	swait.ge [sflag:s13], $0x8000  }
0x181: {  	[sflag:s13] =	ssyncset.done $0x0  }
0x182: {  	[sflag:s13] =	ssyncadd.s32 $0xFFFF8000  }
0x183: {  	_ =	sfence.sel $0x180000  }
0x184: {  	[bflag:$0x0] =	sbarrier.arrive $0xFFFF  }
0x185: {  	p0 =	sne.s32 s0, $0x0;
	_ =	strace $0x90000047  }
0x186: {  	s0 =	sadd.s32 @!p0 $0x100000, s1;
	[bflag:$0x2] =	sbarrier.arrive $0xFFFF  }
0x187: {  	[sflag:s0] =	ssyncadd.tile.s32 @!p0 $0x1;
	_ =	shalt  }
.Lfunc_end2:
_tile_overlayer_lowered:
.L_overlay_start_2:
0x188: {  	(tag) =	ssettag $0x2  }
0x189: {  	s0 =	rddreg [dreg:$0x0];
	s2 =	stileid.u32  }
0x18a: {  	s1 =	rddreg [dreg:$0x1];
	p0 =	sne.s32 s2, $0x0  }
0x18b: {  	s3 =	rddreg [dreg:$0x2];
	[bflag:$0x3] =	sbarrier.arrive $0xFFFF;
	s2 =	simm.s32 @!p0 $0x1C01  }
0x18c: {  	[timem:s3], [sflag:s2] =	dma.local @!p0 [hbm:s0], s1  }
0x18d: {  	s0 =	simm.s32 @!p0 $0x1  }
0x18e: {  	_ =	swait.ge @!p0 [sflag:s0], s1  }
0x18f: {  	s1 =	ssub.s32 @!p0 $0x0, s1;
	[sflag:s0] =	ssyncset.done @!p0 $0x0  }
0x190: {  	[sflag:s0] =	ssyncadd.s32 @!p0 s1  }
0x191: {  	[bflag:$0x3] =	sbarrier.arrive $0xFFFF  }
0x192: {  	_ =	shalt  }

</sc_bundles>
